<compile_context>
chip_gen: v7x
topology: tpu7x:2x2x1
jax: 0.10.2.dev20260603
libtpu: 0.0.44.dev20260713+nightly
codegen_flags: <defaults>
</compile_context>

<pallas_src>
import functools
import jax
import jax.numpy as jnp
from jax import lax
from jax.experimental import pallas as pl
from jax.experimental.pallas import tpu as pltpu
from jax.experimental.pallas import tpu_sc as plsc

N = 10000
E = 320000
E_ORI = 160000
D = 128
HID = 64
NREL = 16
LAMDA = 0.5
THRESH = 0.01

NC, NS = 2, 16
NW = NC * NS
EPW = E // NW
CH = 80
NCH = EPW // CH

NSEG = 10240
SEGW = NSEG // NS

IPW = E_ORI // NW
ICH = 80
NICH = IPW // ICH
ITAIL = IPW - NICH * ICH

MSK = E // NS


def _sc_mesh():
    return plsc.VectorSubcoreMesh(core_axis_name="c", subcore_axis_name="s")


def _wid():
    return lax.axis_index("s") * NC + lax.axis_index("c")



def _mask_body(ids_hbm, m_hbm, idx, idxt, ones, onest, zbuf, mbuf, m_sh, sem):
    c = lax.axis_index("c")
    s = lax.axis_index("s")
    wid = s * NC + c

    def zfill(i, carry):
        zbuf[pl.ds(i * 16, 16)] = jnp.zeros((16,), jnp.float32)
        return carry

    lax.fori_loop(0, 800 // 16, zfill, 0)

    def ofill(i, carry):
        ones[pl.ds(i * 16, 16)] = jnp.ones((16,), jnp.float32)
        return carry

    lax.fori_loop(0, ICH // 16, ofill, 0)

    for i in range((ITAIL + 15) // 16):
        onest[pl.ds(min(i * 16, ITAIL - 16), 16)] = jnp.ones((16,), jnp.float32)

    def zcopy(i, carry):
        pltpu.sync_copy(zbuf, m_sh.at[pl.ds(s * MSK + i * 800, 800)])
        return carry

    lax.fori_loop(0, MSK // 800, zcopy, 0)
    plsc.subcore_barrier()

    base = wid * IPW

    def chunk(i, carry):
        pltpu.sync_copy(ids_hbm.at[pl.ds(base + i * ICH, ICH)], idx)
        pltpu.sync_copy(ones, m_sh.at[idx])
        return carry

    lax.fori_loop(0, NICH, chunk, 0)
    pltpu.sync_copy(ids_hbm.at[pl.ds(base + NICH * ICH, ITAIL)], idxt)
    pltpu.sync_copy(onest, m_sh.at[idxt])
    plsc.subcore_barrier()
    moff = pl.multiple_of(c * E + s * MSK, 8)

    def dump(i, carry):
        pltpu.sync_copy(m_sh.at[pl.ds(s * MSK + i * 4000, 4000)], mbuf)
        pltpu.sync_copy(mbuf, m_hbm.at[pl.ds(moff + i * 4000, 4000)])
        return carry

    lax.fori_loop(0, MSK // 4000, dump, 0)


def _ori_mask(ori_edge_ids):
    k = pl.kernel(
        _mask_body,
        out_type=jax.ShapeDtypeStruct((NC * E,), jnp.float32),
        mesh=_sc_mesh(),
        scratch_types=[
            pltpu.VMEM((ICH,), jnp.int32),
            pltpu.VMEM((ITAIL,), jnp.int32),
            pltpu.VMEM((ICH,), jnp.float32),
            pltpu.VMEM((ITAIL,), jnp.float32),
            pltpu.VMEM((800,), jnp.float32),
            pltpu.VMEM((4000,), jnp.float32),
            pltpu.VMEM_SHARED((E,), jnp.float32),
            pltpu.SemaphoreType.DMA,
        ],
    )
    return k(ori_edge_ids)



def _gather_feat_body(nf_hbm, src_hbm, dst_hbm, g_hbm,
                      idx_s0, idx_d0, idx_s1, idx_d1,
                      rows_s0, rows_d0, rows_s1, rows_d1,
                      obuf0, obuf1, gsem0, gsem1, wsem0, wsem1):
    base = _wid() * EPW
    idx_s = (idx_s0, idx_s1)
    idx_d = (idx_d0, idx_d1)
    rows_s = (rows_s0, rows_s1)
    rows_d = (rows_d0, rows_d1)
    obuf = (obuf0, obuf1)
    gsem = (gsem0, gsem1)
    wsem = (wsem0, wsem1)

    def fire(i, b):
        off = pl.multiple_of(base + i * CH, 8)
        pltpu.sync_copy(src_hbm.at[pl.ds(off, CH)], idx_s[b])
        pltpu.sync_copy(dst_hbm.at[pl.ds(off, CH)], idx_d[b])
        pltpu.async_copy(nf_hbm.at[idx_s[b]], rows_s[b], gsem[b])
        pltpu.async_copy(nf_hbm.at[idx_d[b]], rows_d[b], gsem[b])

    def drain_write(b):
        pltpu.make_async_copy(obuf[b], g_hbm.at[pl.ds(base, CH)], wsem[b]).wait()

    def process(i, b):
        pltpu.make_async_copy(nf_hbm.at[idx_s[b]], rows_s[b], gsem[b]).wait()
        pltpu.make_async_copy(nf_hbm.at[idx_d[b]], rows_d[b], gsem[b]).wait()

        def edge(e, c2):
            for dk in range(D // 16):
                sl = pl.ds(dk * 16, 16)
                a = rows_s[b][e, sl]
                bb = rows_d[b][e, sl]
                obuf[b][e, sl] = jnp.exp(-jnp.abs(a - bb))
            return c2

        lax.fori_loop(0, CH, edge, 0)
        off = pl.multiple_of(base + i * CH, 8)
        pltpu.async_copy(obuf[b], g_hbm.at[pl.ds(off, CH)], wsem[b])

    fire(0, 0)

    def body(j, carry):
        fire(2 * j + 1, 1)

        @pl.when(j > 0)
        def _():
            drain_write(0)

        process(2 * j, 0)
        fire(2 * j + 2, 0)

        @pl.when(j > 0)
        def _():
            drain_write(1)

        process(2 * j + 1, 1)
        return carry

    lax.fori_loop(0, (NCH - 1) // 2, body, 0)
    drain_write(0)
    process(NCH - 1, 0)
    drain_write(1)
    drain_write(0)


def _gather_feat(n_feat, src, dst):
    k = pl.kernel(
        _gather_feat_body,
        out_type=jax.ShapeDtypeStruct((E, D), jnp.float32),
        mesh=_sc_mesh(),
        scratch_types=[
            pltpu.VMEM((CH,), jnp.int32),
            pltpu.VMEM((CH,), jnp.int32),
            pltpu.VMEM((CH,), jnp.int32),
            pltpu.VMEM((CH,), jnp.int32),
            pltpu.VMEM((CH, D), jnp.float32),
            pltpu.VMEM((CH, D), jnp.float32),
            pltpu.VMEM((CH, D), jnp.float32),
            pltpu.VMEM((CH, D), jnp.float32),
            pltpu.VMEM((CH, D), jnp.float32),
            pltpu.VMEM((CH, D), jnp.float32),
            pltpu.SemaphoreType.DMA,
            pltpu.SemaphoreType.DMA,
            pltpu.SemaphoreType.DMA,
            pltpu.SemaphoreType.DMA,
        ],
    )
    return k(n_feat, src, dst)



TB = 2000


def _mlp_body(g_ref, et_ref, m0_ref, m1_ref, w0_ref, rb_ref, w1_ref, b1_ref,
              w_ref, gmax_ref):
    g = g_ref[...]
    et = et_ref[0, 0, :]
    onehot = (et[:, None] == lax.broadcasted_iota(jnp.int32, (TB, NREL), 1)
              ).astype(jnp.float32)
    h = (jnp.dot(g, w0_ref[...], preferred_element_type=jnp.float32)
         + jnp.dot(onehot, rb_ref[...], preferred_element_type=jnp.float32))
    h = jnp.where(h > 0, h, 0.01 * h)
    w = jnp.dot(h, w1_ref[...], preferred_element_type=jnp.float32)
    w = w + b1_ref[0, 0]
    mm = jnp.minimum(m0_ref[...] + m1_ref[...], 1.0)
    w = w * (1.0 - LAMDA * mm) + LAMDA * mm
    w_ref[...] = w
    tm = jnp.max(w, axis=0, keepdims=True)

    @pl.when(pl.program_id(0) == 0)
    def _():
        gmax_ref[...] = tm

    @pl.when(pl.program_id(0) != 0)
    def _():
        gmax_ref[...] = jnp.maximum(gmax_ref[...], tm)


def _mlp(g, edge_type, m0, m1, w0p, rb, w1, b1):
    et3 = edge_type.reshape(E // TB, 1, TB)
    return pl.pallas_call(
        _mlp_body,
        grid=(E // TB,),
        in_specs=[
            pl.BlockSpec((TB, D), lambda i: (i, 0)),
            pl.BlockSpec((1, 1, TB), lambda i: (i, 0, 0)),
            pl.BlockSpec((TB, 1), lambda i: (i, 0)),
            pl.BlockSpec((TB, 1), lambda i: (i, 0)),
            pl.BlockSpec((D, HID), lambda i: (0, 0)),
            pl.BlockSpec((NREL, HID), lambda i: (0, 0)),
            pl.BlockSpec((HID, 1), lambda i: (0, 0)),
            pl.BlockSpec((1, 1), lambda i: (0, 0)),
        ],
        out_specs=[
            pl.BlockSpec((TB, 1), lambda i: (i, 0)),
            pl.BlockSpec((1, 1), lambda i: (0, 0)),
        ],
        out_shape=[
            jax.ShapeDtypeStruct((E, 1), jnp.float32),
            jax.ShapeDtypeStruct((1, 1), jnp.float32),
        ],
    )(g, et3, m0, m1, w0p, rb, w1, b1)



DCH = 80
NDCH = EPW // DCH


def _segsum_body(w_hbm, dst_hbm, gm_hbm, ew_hbm, segs_hbm,
                 idx, vals, gmv, zbuf, seg_sh, sem):
    c = lax.axis_index("c")
    s = lax.axis_index("s")
    wid = s * NC + c
    base = wid * EPW

    pltpu.sync_copy(gm_hbm, gmv)

    def zfill(i, carry):
        zbuf[pl.ds(i * 16, 16)] = jnp.zeros((16,), jnp.float32)
        return carry

    lax.fori_loop(0, SEGW // 16, zfill, 0)
    pltpu.sync_copy(zbuf, seg_sh.at[pl.ds(s * SEGW, SEGW)])
    plsc.subcore_barrier()

    gm = gmv[...]

    def chunk(i, carry):
        off = base + i * DCH
        pltpu.sync_copy(w_hbm.at[pl.ds(off, DCH)], vals)
        pltpu.sync_copy(dst_hbm.at[pl.ds(off, DCH)], idx)

        def sub(k, c2):
            sl = pl.ds(k * 16, 16)
            vals[sl] = jnp.exp(vals[sl] - gm)
            return c2

        lax.fori_loop(0, DCH // 16, sub, 0)
        pltpu.sync_copy(vals, ew_hbm.at[pl.ds(off, DCH)])
        pltpu.sync_copy(vals, seg_sh.at[idx], add=True)
        return carry

    lax.fori_loop(0, NDCH, chunk, 0)
    plsc.subcore_barrier()
    soff = pl.multiple_of(c * NSEG + s * SEGW, 8)
    pltpu.sync_copy(seg_sh.at[pl.ds(s * SEGW, SEGW)], zbuf)
    pltpu.sync_copy(zbuf, segs_hbm.at[pl.ds(soff, SEGW)])


def _segsum(w, dst, gm16):
    k = pl.kernel(
        _segsum_body,
        out_type=[
            jax.ShapeDtypeStruct((E,), jnp.float32),
            jax.ShapeDtypeStruct((NC * NSEG,), jnp.float32),
        ],
        mesh=_sc_mesh(),
        scratch_types=[
            pltpu.VMEM((DCH,), jnp.int32),
            pltpu.VMEM((DCH,), jnp.float32),
            pltpu.VMEM((16,), jnp.float32),
            pltpu.VMEM((SEGW,), jnp.float32),
            pltpu.VMEM_SHARED((NSEG,), jnp.float32),
            pltpu.SemaphoreType.DMA,
        ],
    )
    return k(w, dst, gm16)



ECH = 80
NECH = EPW // ECH


def _norm_body(ew_hbm, dst_hbm, segs_hbm, out_hbm,
               idx, idx2, vals, sv0, sv1, sem):
    base = _wid() * EPW

    def chunk(i, carry):
        off = base + i * ECH
        pltpu.sync_copy(ew_hbm.at[pl.ds(off, ECH)], vals)
        pltpu.sync_copy(dst_hbm.at[pl.ds(off, ECH)], idx)

        def mkidx(k, c2):
            sl = pl.ds(k * 16, 16)
            idx2[sl] = idx[sl] + NSEG
            return c2

        lax.fori_loop(0, ECH // 16, mkidx, 0)
        cp0 = pltpu.async_copy(segs_hbm.at[idx], sv0, sem)
        cp1 = pltpu.async_copy(segs_hbm.at[idx2], sv1, sem)
        cp0.wait()
        cp1.wait()

        def sub(k, c2):
            sl = pl.ds(k * 16, 16)
            r = vals[sl] / (sv0[sl] + sv1[sl])
            vals[sl] = jnp.where(r > THRESH, r, 0.0)
            return c2

        lax.fori_loop(0, ECH // 16, sub, 0)
        pltpu.sync_copy(vals, out_hbm.at[pl.ds(off, ECH)])
        return carry

    lax.fori_loop(0, NECH, chunk, 0)


def _normalize(ew, dst, segs):
    k = pl.kernel(
        _norm_body,
        out_type=jax.ShapeDtypeStruct((E,), jnp.float32),
        mesh=_sc_mesh(),
        scratch_types=[
            pltpu.VMEM((ECH,), jnp.int32),
            pltpu.VMEM((ECH,), jnp.int32),
            pltpu.VMEM((ECH,), jnp.float32),
            pltpu.VMEM((ECH,), jnp.float32),
            pltpu.VMEM((ECH,), jnp.float32),
            pltpu.SemaphoreType.DMA,
        ],
    )
    return k(ew, dst, segs)



def kernel(n_feat, edge_index, edge_type, ori_edge_ids, rel_table,
           W0, b0, bn_scale, bn_bias, bn_mean, bn_var, W1, b1):
    src = edge_index[0]
    dst = edge_index[1]

    s = bn_scale / jnp.sqrt(bn_var + 1e-5)
    t = bn_bias - bn_mean * s
    w0p = W0[:D] * s[None, :]
    rb = rel_table @ (W0[D:] * s[None, :]) + (b0 * s + t)[None, :]

    m = _ori_mask(ori_edge_ids)
    g = _gather_feat(n_feat, src, dst)
    w, gmax = _mlp(g, edge_type, m[:E][:, None], m[E:][:, None],
                   w0p, rb, W1, b1.reshape(1, 1))
    gm16 = jnp.broadcast_to(gmax.reshape(1), (16,))
    ew, segs = _segsum(w[:, 0], dst, gm16)
    out = _normalize(ew, dst, segs)
    return out[:, None]

# --- scband reference (transcript-rebuilt; emitter-appended) ---
"""Pipeline reference for scband-graph-structure-learner-9552007266922 (READ-ONLY COPY).

The authoritative reference and input builder live on the scoring server;
editing this copy changes nothing except your own understanding.
"""

import jax, jax.numpy as jnp
import numpy as np

N = 10000
E = 320000
E_ORI = 160000
D = 128
R_DIM = 16
N_REL = 16
HID = 64
IN_DIM = D + R_DIM
LAMDA = 0.5
THRESH = 0.01


def setup_inputs(seed: int = 0) -> dict:
    key = jax.random.key(seed)
    ks = jax.random.split(key, 10)
    n_feat = jax.random.normal(ks[0], (N, D), dtype=jnp.float32)
    edge_index = jax.random.randint(ks[1], (2, E), 0, N, dtype=jnp.int32)
    edge_type = jax.random.randint(ks[2], (E,), 0, N_REL, dtype=jnp.int32)
    ori_edge_ids = jax.random.randint(ks[3], (E_ORI,), 0, E, dtype=jnp.int32)
    rel_table = jax.random.normal(ks[4], (N_REL, R_DIM), dtype=jnp.float32) * 0.1
    W0 = jax.random.normal(ks[5], (IN_DIM, HID), dtype=jnp.float32) * (1.0 / np.sqrt(IN_DIM))
    b0 = jnp.zeros((HID,), dtype=jnp.float32)
    bn_scale = jnp.ones((HID,), dtype=jnp.float32)
    bn_bias = jnp.zeros((HID,), dtype=jnp.float32)
    bn_mean = jnp.zeros((HID,), dtype=jnp.float32)
    bn_var = jnp.ones((HID,), dtype=jnp.float32)
    W1 = jax.random.normal(ks[6], (HID, 1), dtype=jnp.float32) * (1.0 / np.sqrt(HID))
    b1 = jnp.zeros((1,), dtype=jnp.float32)
    return {"n_feat": n_feat, "edge_index": edge_index, "edge_type": edge_type,
            "ori_edge_ids": ori_edge_ids, "rel_table": rel_table,
            "W0": W0, "b0": b0, "bn_scale": bn_scale, "bn_bias": bn_bias,
            "bn_mean": bn_mean, "bn_var": bn_var, "W1": W1, "b1": b1}


def reference(n_feat, edge_index, edge_type, ori_edge_ids, rel_table,
              W0, b0, bn_scale, bn_bias, bn_mean, bn_var, W1, b1):
    row = edge_index[0]
    col = edge_index[1]
    src_h = jnp.take(n_feat, row, axis=0)
    dst_h = jnp.take(n_feat, col, axis=0)
    rel_embedding = jnp.take(rel_table, edge_type, axis=0)
    # func_num == 1 with edge emb: MLP(exp(-|src - dst|) ++ rel)
    feat = jnp.concatenate([jnp.exp(-jnp.abs(src_h - dst_h)), rel_embedding], axis=1)
    h = feat @ W0 + b0
    # BatchNorm1d (eval mode, running stats)
    h = (h - bn_mean) / jnp.sqrt(bn_var + 1e-5) * bn_scale + bn_bias
    h = jax.nn.leaky_relu(h, negative_slope=0.01)
    weights = h @ W1 + b1  # [E, 1]
    # blend original-graph edges: (1-lamda)*w + lamda*1 at ori edge ids
    ori_w = jnp.ones((ori_edge_ids.shape[0], 1), dtype=jnp.float32)
    blended = (1.0 - LAMDA) * jnp.take(weights, ori_edge_ids, axis=0) + LAMDA * ori_w
    weights = weights.at[ori_edge_ids].set(blended)
    # edge softmax over destination nodes (DGL edge_softmax)
    w = weights[:, 0]
    seg_max = jax.ops.segment_max(w, col, num_segments=N)
    w = jnp.exp(w - jnp.take(seg_max, col, axis=0))
    seg_sum = jax.ops.segment_sum(w, col, num_segments=N)
    w = w / jnp.take(seg_sum, col, axis=0)
    w = w[:, None]
    # sparsify by threshold
    w = jnp.where(w > THRESH, w, jnp.zeros_like(w))
    return w

if __name__ == "__main__":
    import jax
    _d = setup_inputs()
    print(jax.jit(kernel)(*tuple(_d.values())))

</pallas_src>

<mosaic_0001>
#map = affine_map<(d0, d1) -> (0)>
module attributes {stable_mosaic.version = 14 : i64} {
  func.func @_mask_body(%arg0: i32, %arg1: i32, %arg2: memref<160000xi32, #tpu.memory_space<hbm>>, %arg3: memref<640000xf32, #tpu.memory_space<hbm>>, %arg4: memref<80xi32, #tpu.memory_space<vmem>>, %arg5: memref<40xi32, #tpu.memory_space<vmem>>, %arg6: memref<80xf32, #tpu.memory_space<vmem>>, %arg7: memref<40xf32, #tpu.memory_space<vmem>>, %arg8: memref<800xf32, #tpu.memory_space<vmem>>, %arg9: memref<4000xf32, #tpu.memory_space<vmem>>, %arg10: memref<320000xf32, #tpu.memory_space<vmem_shared>>, %arg11: memref<!tpu.dma_semaphore, #tpu.memory_space<semaphore_mem>>) attributes {dimension_semantics = [#tpu.dimension_semantics<core_parallel>, #tpu.dimension_semantics<subcore_parallel>], iteration_bounds = array<i64: 2, 16>, scalar_prefetch = 0 : i64, scratch_operands = 8 : i64, tpu.core_type = #tpu.core_type<sc_vector_subcore>, window_params = [{transform_indices = #map}, {transform_indices = #map}]} {
    %mul3A = arith.constant 2 : i32
    %mul3A_0 = arith.muli %arg1, %mul3A : i32
    %add3A = arith.addi %mul3A_0, %arg0 : i32
    %scan3A = arith.constant 0 : i32
    %scan3A_1 = arith.constant 0 : i32
    %scan3A_2 = arith.constant 50 : i32
    %scan3A_3 = arith.addi %scan3A_1, %scan3A_2 : i32
    %scan3A_4 = arith.constant 1 : i32
    scf.for %scan3A_56 = %scan3A_1 to %scan3A_3 step %scan3A_4  : i32 {
      %broadcast_in_dim3A_57 = arith.constant 0.000000e+00 : f32
      %broadcast_in_dim3A_58 = vector.broadcast %broadcast_in_dim3A_57 : f32 to vector<16xf32>
      %mul3A_59 = arith.constant 16 : i32
      %mul3A_60 = arith.muli %scan3A_56, %mul3A_59 : i32
      %swap3A_61 = arith.index_cast %mul3A_60 : i32 to index
      %swap3A_62 = tpu.vector_load %arg8[%swap3A_61] {strides = array<i32>} : memref<800xf32, #tpu.memory_space<vmem>>, vector<16xf32>,
      %swap3A_63 = vector.shape_cast %swap3A_62 : vector<16xf32> to vector<16xf32>
      %swap3A_64 = vector.shape_cast %broadcast_in_dim3A_58 : vector<16xf32> to vector<16xf32>
      tpu.vector_store %arg8[%swap3A_61], %swap3A_64 {strides = array<i32>} : memref<800xf32, #tpu.memory_space<vmem>>, vector<16xf32>,
    }
    %scan3A_5 = arith.constant 50 : i32
    %scan3A_6 = arith.constant 0 : i32
    %scan3A_7 = arith.constant 0 : i32
    %scan3A_8 = arith.constant 5 : i32
    %scan3A_9 = arith.addi %scan3A_7, %scan3A_8 : i32
    %scan3A_10 = arith.constant 1 : i32
    scf.for %scan3A_56 = %scan3A_7 to %scan3A_9 step %scan3A_10  : i32 {
      %broadcast_in_dim3A_57 = arith.constant 1.000000e+00 : f32
      %broadcast_in_dim3A_58 = vector.broadcast %broadcast_in_dim3A_57 : f32 to vector<16xf32>
      %mul3A_59 = arith.constant 16 : i32
      %mul3A_60 = arith.muli %scan3A_56, %mul3A_59 : i32
      %swap3A_61 = arith.index_cast %mul3A_60 : i32 to index
      %swap3A_62 = tpu.vector_load %arg6[%swap3A_61] {strides = array<i32>} : memref<80xf32, #tpu.memory_space<vmem>>, vector<16xf32>,
      %swap3A_63 = vector.shape_cast %swap3A_62 : vector<16xf32> to vector<16xf32>
      %swap3A_64 = vector.shape_cast %broadcast_in_dim3A_58 : vector<16xf32> to vector<16xf32>
      tpu.vector_store %arg6[%swap3A_61], %swap3A_64 {strides = array<i32>} : memref<80xf32, #tpu.memory_space<vmem>>, vector<16xf32>,
    }
    %scan3A_11 = arith.constant 5 : i32
    %broadcast_in_dim3A = arith.constant 1.000000e+00 : f32
    %broadcast_in_dim3A_12 = vector.broadcast %broadcast_in_dim3A : f32 to vector<16xf32>
    %swap3A = arith.constant 0 : index
    %swap3A_13 = tpu.vector_load %arg7[%swap3A] {strides = array<i32>} : memref<40xf32, #tpu.memory_space<vmem>>, vector<16xf32>,
    %swap3A_14 = vector.shape_cast %swap3A_13 : vector<16xf32> to vector<16xf32>
    %swap3A_15 = vector.shape_cast %broadcast_in_dim3A_12 : vector<16xf32> to vector<16xf32>
    tpu.vector_store %arg7[%swap3A], %swap3A_15 {strides = array<i32>} : memref<40xf32, #tpu.memory_space<vmem>>, vector<16xf32>,
    %broadcast_in_dim3A_16 = arith.constant 1.000000e+00 : f32
    %broadcast_in_dim3A_17 = vector.broadcast %broadcast_in_dim3A_16 : f32 to vector<16xf32>
    %swap3A_18 = arith.constant 16 : index
    %swap3A_19 = tpu.vector_load %arg7[%swap3A_18] {strides = array<i32>} : memref<40xf32, #tpu.memory_space<vmem>>, vector<16xf32>,
    %swap3A_20 = vector.shape_cast %swap3A_19 : vector<16xf32> to vector<16xf32>
    %swap3A_21 = vector.shape_cast %broadcast_in_dim3A_17 : vector<16xf32> to vector<16xf32>
    tpu.vector_store %arg7[%swap3A_18], %swap3A_21 {strides = array<i32>} : memref<40xf32, #tpu.memory_space<vmem>>, vector<16xf32>,
    %broadcast_in_dim3A_22 = arith.constant 1.000000e+00 : f32
    %broadcast_in_dim3A_23 = vector.broadcast %broadcast_in_dim3A_22 : f32 to vector<16xf32>
    %swap3A_24 = arith.constant 24 : index
    %swap3A_25 = tpu.vector_load %arg7[%swap3A_24] {strides = array<i32>} : memref<40xf32, #tpu.memory_space<vmem>>, vector<16xf32>,
    %swap3A_26 = vector.shape_cast %swap3A_25 : vector<16xf32> to vector<16xf32>
    %swap3A_27 = vector.shape_cast %broadcast_in_dim3A_23 : vector<16xf32> to vector<16xf32>
    tpu.vector_store %arg7[%swap3A_24], %swap3A_27 {strides = array<i32>} : memref<40xf32, #tpu.memory_space<vmem>>, vector<16xf32>,
    %scan3A_28 = arith.constant 0 : i32
    %scan3A_29 = arith.constant 0 : i32
    %scan3A_30 = arith.constant 25 : i32
    %scan3A_31 = arith.addi %scan3A_29, %scan3A_30 : i32
    %scan3A_32 = arith.constant 1 : i32
    scf.for %scan3A_56 = %scan3A_29 to %scan3A_31 step %scan3A_32  : i32 {
      %mul3A_57 = arith.constant 20000 : i32
      %mul3A_58 = arith.muli %arg1, %mul3A_57 : i32
      %mul3A_59 = arith.constant 800 : i32
      %mul3A_60 = arith.muli %scan3A_56, %mul3A_59 : i32
      %add3A_61 = arith.addi %mul3A_58, %mul3A_60 : i32
      "tpu.region"() ({
        %run_scoped3A = tpu.sem_alloc : memref<!tpu.dma_semaphore, #tpu.memory_space<semaphore_mem>>
        %dma_start3A = tpu.memref_slice %arg10[%add3A_61] : memref<320000xf32, #tpu.memory_space<vmem_shared>> -> memref<800xf32, #tpu.memory_space<vmem_shared>>
        %dma_start3A_62 = tpu.memref_slice %arg10[%add3A_61] : memref<320000xf32, #tpu.memory_space<vmem_shared>> -> memref<800xf32, #tpu.memory_space<vmem_shared>>
        tpu.enqueue_dma source(%arg8 : memref<800xf32, #tpu.memory_space<vmem>>) target(%dma_start3A_62 : memref<800xf32, #tpu.memory_space<vmem_shared>>) target_semaphore(%run_scoped3A : memref<!tpu.dma_semaphore, #tpu.memory_space<semaphore_mem>>)
        %dma_wait3A = tpu.memref_slice %arg10[%add3A_61] : memref<320000xf32, #tpu.memory_space<vmem_shared>> -> memref<800xf32, #tpu.memory_space<vmem_shared>>
        %dma_wait3A_63 = tpu.memref_slice %arg10[%add3A_61] : memref<320000xf32, #tpu.memory_space<vmem_shared>> -> memref<800xf32, #tpu.memory_space<vmem_shared>>
        tpu.wait_dma2 semaphore(%run_scoped3A : memref<!tpu.dma_semaphore, #tpu.memory_space<semaphore_mem>>) src(%arg8 : memref<800xf32, #tpu.memory_space<vmem>>) dst(%dma_wait3A_63 : memref<800xf32, #tpu.memory_space<vmem_shared>>)
        tpu.yield
      }) : () -> ()
    }
    %scan3A_33 = arith.constant 25 : i32
    %barrier3A = arith.constant 0 : index
    tpu.barrier barrier_id(%barrier3A)
    %mul3A_34 = arith.constant 5000 : i32
    %mul3A_35 = arith.muli %add3A, %mul3A_34 : i32
    %scan3A_36 = arith.constant 0 : i32
    %scan3A_37 = arith.constant 0 : i32
    %scan3A_38 = arith.constant 62 : i32
    %scan3A_39 = arith.addi %scan3A_37, %scan3A_38 : i32
    %scan3A_40 = arith.constant 1 : i32
    scf.for %scan3A_56 = %scan3A_37 to %scan3A_39 step %scan3A_40  : i32 {
      %mul3A_57 = arith.constant 80 : i32
      %mul3A_58 = arith.muli %scan3A_56, %mul3A_57 : i32
      %add3A_59 = arith.addi %mul3A_35, %mul3A_58 : i32
      "tpu.region"() ({
        %run_scoped3A = tpu.sem_alloc : memref<!tpu.dma_semaphore, #tpu.memory_space<semaphore_mem>>
        %dma_start3A = tpu.memref_slice %arg2[%add3A_59] : memref<160000xi32, #tpu.memory_space<hbm>> -> memref<80xi32, #tpu.memory_space<hbm>>
        %dma_start3A_60 = tpu.memref_slice %arg2[%add3A_59] : memref<160000xi32, #tpu.memory_space<hbm>> -> memref<80xi32, #tpu.memory_space<hbm>>
        tpu.enqueue_dma source(%dma_start3A_60 : memref<80xi32, #tpu.memory_space<hbm>>) target(%arg4 : memref<80xi32, #tpu.memory_space<vmem>>) target_semaphore(%run_scoped3A : memref<!tpu.dma_semaphore, #tpu.memory_space<semaphore_mem>>)
        %dma_wait3A = tpu.memref_slice %arg2[%add3A_59] : memref<160000xi32, #tpu.memory_space<hbm>> -> memref<80xi32, #tpu.memory_space<hbm>>
        %dma_wait3A_61 = tpu.memref_slice %arg2[%add3A_59] : memref<160000xi32, #tpu.memory_space<hbm>> -> memref<80xi32, #tpu.memory_space<hbm>>
        tpu.wait_dma2 semaphore(%run_scoped3A : memref<!tpu.dma_semaphore, #tpu.memory_space<semaphore_mem>>) src(%dma_wait3A_61 : memref<80xi32, #tpu.memory_space<hbm>>) dst(%arg4 : memref<80xi32, #tpu.memory_space<vmem>>)
        tpu.yield
      }) : () -> ()
      "tpu.region"() ({
        %run_scoped3A = tpu.sem_alloc : memref<!tpu.dma_semaphore, #tpu.memory_space<semaphore_mem>>
        %dma_start3A = arith.constant 0 : i32
        %dma_start3A_60 = tpu.memref_slice %arg10[%dma_start3A] : memref<320000xf32, #tpu.memory_space<vmem_shared>> -> memref<320000xf32, #tpu.memory_space<vmem_shared>>
        tpu.enqueue_indirect_dma source(%arg6 : memref<80xf32, #tpu.memory_space<vmem>>) target(%dma_start3A_60 : memref<320000xf32, #tpu.memory_space<vmem_shared>>) offsets(%arg4 : memref<80xi32, #tpu.memory_space<vmem>>) semaphore(%run_scoped3A : memref<!tpu.dma_semaphore, #tpu.memory_space<semaphore_mem>>)
        %dma_wait3A = arith.constant 0 : i32
        %dma_wait3A_61 = tpu.memref_slice %arg10[%dma_wait3A] : memref<320000xf32, #tpu.memory_space<vmem_shared>> -> memref<320000xf32, #tpu.memory_space<vmem_shared>>
        tpu.wait_indirect_dma semaphore(%run_scoped3A : memref<!tpu.dma_semaphore, #tpu.memory_space<semaphore_mem>>) src(%arg6 : memref<80xf32, #tpu.memory_space<vmem>>) dst(%dma_wait3A_61 : memref<320000xf32, #tpu.memory_space<vmem_shared>>)
        tpu.yield
      }) : () -> ()
    }
    %scan3A_41 = arith.constant 62 : i32
    %add3A_42 = arith.constant 4960 : i32
    %add3A_43 = arith.addi %mul3A_35, %add3A_42 : i32
    "tpu.region"() ({
      %run_scoped3A = tpu.sem_alloc : memref<!tpu.dma_semaphore, #tpu.memory_space<semaphore_mem>>
      %dma_start3A = tpu.memref_slice %arg2[%add3A_43] : memref<160000xi32, #tpu.memory_space<hbm>> -> memref<40xi32, #tpu.memory_space<hbm>>
      %dma_start3A_56 = tpu.memref_slice %arg2[%add3A_43] : memref<160000xi32, #tpu.memory_space<hbm>> -> memref<40xi32, #tpu.memory_space<hbm>>
      tpu.enqueue_dma source(%dma_start3A_56 : memref<40xi32, #tpu.memory_space<hbm>>) target(%arg5 : memref<40xi32, #tpu.memory_space<vmem>>) target_semaphore(%run_scoped3A : memref<!tpu.dma_semaphore, #tpu.memory_space<semaphore_mem>>)
      %dma_wait3A = tpu.memref_slice %arg2[%add3A_43] : memref<160000xi32, #tpu.memory_space<hbm>> -> memref<40xi32, #tpu.memory_space<hbm>>
      %dma_wait3A_57 = tpu.memref_slice %arg2[%add3A_43] : memref<160000xi32, #tpu.memory_space<hbm>> -> memref<40xi32, #tpu.memory_space<hbm>>
      tpu.wait_dma2 semaphore(%run_scoped3A : memref<!tpu.dma_semaphore, #tpu.memory_space<semaphore_mem>>) src(%dma_wait3A_57 : memref<40xi32, #tpu.memory_space<hbm>>) dst(%arg5 : memref<40xi32, #tpu.memory_space<vmem>>)
      tpu.yield
    }) : () -> ()
    "tpu.region"() ({
      %run_scoped3A = tpu.sem_alloc : memref<!tpu.dma_semaphore, #tpu.memory_space<semaphore_mem>>
      %dma_start3A = arith.constant 0 : i32
      %dma_start3A_56 = tpu.memref_slice %arg10[%dma_start3A] : memref<320000xf32, #tpu.memory_space<vmem_shared>> -> memref<320000xf32, #tpu.memory_space<vmem_shared>>
      tpu.enqueue_indirect_dma source(%arg7 : memref<40xf32, #tpu.memory_space<vmem>>) target(%dma_start3A_56 : memref<320000xf32, #tpu.memory_space<vmem_shared>>) offsets(%arg5 : memref<40xi32, #tpu.memory_space<vmem>>) semaphore(%run_scoped3A : memref<!tpu.dma_semaphore, #tpu.memory_space<semaphore_mem>>)
      %dma_wait3A = arith.constant 0 : i32
      %dma_wait3A_57 = tpu.memref_slice %arg10[%dma_wait3A] : memref<320000xf32, #tpu.memory_space<vmem_shared>> -> memref<320000xf32, #tpu.memory_space<vmem_shared>>
      tpu.wait_indirect_dma semaphore(%run_scoped3A : memref<!tpu.dma_semaphore, #tpu.memory_space<semaphore_mem>>) src(%arg7 : memref<40xf32, #tpu.memory_space<vmem>>) dst(%dma_wait3A_57 : memref<320000xf32, #tpu.memory_space<vmem_shared>>)
      tpu.yield
    }) : () -> ()
    %barrier3A_44 = arith.constant 0 : index
    tpu.barrier barrier_id(%barrier3A_44)
    %mul3A_45 = arith.constant 320000 : i32
    %mul3A_46 = arith.muli %arg0, %mul3A_45 : i32
    %mul3A_47 = arith.constant 20000 : i32
    %mul3A_48 = arith.muli %arg1, %mul3A_47 : i32
    %add3A_49 = arith.addi %mul3A_46, %mul3A_48 : i32
    %multiple_of3A = tpu.assume_multiple %add3A_49, 8 : i32
    %scan3A_50 = arith.constant 0 : i32
    %scan3A_51 = arith.constant 0 : i32
    %scan3A_52 = arith.constant 5 : i32
    %scan3A_53 = arith.addi %scan3A_51, %scan3A_52 : i32
    %scan3A_54 = arith.constant 1 : i32
    scf.for %scan3A_56 = %scan3A_51 to %scan3A_53 step %scan3A_54  : i32 {
      %mul3A_57 = arith.constant 20000 : i32
      %mul3A_58 = arith.muli %arg1, %mul3A_57 : i32
      %mul3A_59 = arith.constant 4000 : i32
      %mul3A_60 = arith.muli %scan3A_56, %mul3A_59 : i32
      %add3A_61 = arith.addi %mul3A_58, %mul3A_60 : i32
      "tpu.region"() ({
        %run_scoped3A = tpu.sem_alloc : memref<!tpu.dma_semaphore, #tpu.memory_space<semaphore_mem>>
        %dma_start3A = tpu.memref_slice %arg10[%add3A_61] : memref<320000xf32, #tpu.memory_space<vmem_shared>> -> memref<4000xf32, #tpu.memory_space<vmem_shared>>
        %dma_start3A_65 = tpu.memref_slice %arg10[%add3A_61] : memref<320000xf32, #tpu.memory_space<vmem_shared>> -> memref<4000xf32, #tpu.memory_space<vmem_shared>>
        tpu.enqueue_dma source(%dma_start3A_65 : memref<4000xf32, #tpu.memory_space<vmem_shared>>) target(%arg9 : memref<4000xf32, #tpu.memory_space<vmem>>) target_semaphore(%run_scoped3A : memref<!tpu.dma_semaphore, #tpu.memory_space<semaphore_mem>>)
        %dma_wait3A = tpu.memref_slice %arg10[%add3A_61] : memref<320000xf32, #tpu.memory_space<vmem_shared>> -> memref<4000xf32, #tpu.memory_space<vmem_shared>>
        %dma_wait3A_66 = tpu.memref_slice %arg10[%add3A_61] : memref<320000xf32, #tpu.memory_space<vmem_shared>> -> memref<4000xf32, #tpu.memory_space<vmem_shared>>
        tpu.wait_dma2 semaphore(%run_scoped3A : memref<!tpu.dma_semaphore, #tpu.memory_space<semaphore_mem>>) src(%dma_wait3A_66 : memref<4000xf32, #tpu.memory_space<vmem_shared>>) dst(%arg9 : memref<4000xf32, #tpu.memory_space<vmem>>)
        tpu.yield
      }) : () -> ()
      %mul3A_62 = arith.constant 4000 : i32
      %mul3A_63 = arith.muli %scan3A_56, %mul3A_62 : i32
      %add3A_64 = arith.addi %multiple_of3A, %mul3A_63 : i32
      "tpu.region"() ({
        %run_scoped3A = tpu.sem_alloc : memref<!tpu.dma_semaphore, #tpu.memory_space<semaphore_mem>>
        %dma_start3A = tpu.memref_slice %arg3[%add3A_64] : memref<640000xf32, #tpu.memory_space<hbm>> -> memref<4000xf32, #tpu.memory_space<hbm>>
        %dma_start3A_65 = tpu.memref_slice %arg3[%add3A_64] : memref<640000xf32, #tpu.memory_space<hbm>> -> memref<4000xf32, #tpu.memory_space<hbm>>
        tpu.enqueue_dma source(%arg9 : memref<4000xf32, #tpu.memory_space<vmem>>) target(%dma_start3A_65 : memref<4000xf32, #tpu.memory_space<hbm>>) target_semaphore(%run_scoped3A : memref<!tpu.dma_semaphore, #tpu.memory_space<semaphore_mem>>)
        %dma_wait3A = tpu.memref_slice %arg3[%add3A_64] : memref<640000xf32, #tpu.memory_space<hbm>> -> memref<4000xf32, #tpu.memory_space<hbm>>
        %dma_wait3A_66 = tpu.memref_slice %arg3[%add3A_64] : memref<640000xf32, #tpu.memory_space<hbm>> -> memref<4000xf32, #tpu.memory_space<hbm>>
        tpu.wait_dma2 semaphore(%run_scoped3A : memref<!tpu.dma_semaphore, #tpu.memory_space<semaphore_mem>>) src(%arg9 : memref<4000xf32, #tpu.memory_space<vmem>>) dst(%dma_wait3A_66 : memref<4000xf32, #tpu.memory_space<hbm>>)
        tpu.yield
      }) : () -> ()
    }
    %scan3A_55 = arith.constant 5 : i32
    return
  }
}

#map = affine_map<(d0, d1) -> (0)>
module attributes {stable_mosaic.version = 14 : i64} {
  func.func @_segsum_body(%arg0: i32, %arg1: i32, %arg2: memref<320000xf32, #tpu.memory_space<hbm>>, %arg3: memref<320000xi32, #tpu.memory_space<hbm>>, %arg4: memref<16xf32, #tpu.memory_space<hbm>>, %arg5: memref<320000xf32, #tpu.memory_space<hbm>>, %arg6: memref<20480xf32, #tpu.memory_space<hbm>>, %arg7: memref<80xi32, #tpu.memory_space<vmem>>, %arg8: memref<80xf32, #tpu.memory_space<vmem>>, %arg9: memref<16xf32, #tpu.memory_space<vmem>>, %arg10: memref<640xf32, #tpu.memory_space<vmem>>, %arg11: memref<10240xf32, #tpu.memory_space<vmem_shared>>, %arg12: memref<!tpu.dma_semaphore, #tpu.memory_space<semaphore_mem>>) attributes {dimension_semantics = [#tpu.dimension_semantics<core_parallel>, #tpu.dimension_semantics<subcore_parallel>], iteration_bounds = array<i64: 2, 16>, scalar_prefetch = 0 : i64, scratch_operands = 6 : i64, tpu.core_type = #tpu.core_type<sc_vector_subcore>, window_params = [{transform_indices = #map}, {transform_indices = #map}, {transform_indices = #map}, {transform_indices = #map}, {transform_indices = #map}]} {
    %mul3A = arith.constant 2 : i32
    %mul3A_0 = arith.muli %arg1, %mul3A : i32
    %add3A = arith.addi %mul3A_0, %arg0 : i32
    %mul3A_1 = arith.constant 10000 : i32
    %mul3A_2 = arith.muli %add3A, %mul3A_1 : i32
    "tpu.region"() ({
      %run_scoped3A = tpu.sem_alloc : memref<!tpu.dma_semaphore, #tpu.memory_space<semaphore_mem>>
      tpu.enqueue_dma source(%arg4 : memref<16xf32, #tpu.memory_space<hbm>>) target(%arg9 : memref<16xf32, #tpu.memory_space<vmem>>) target_semaphore(%run_scoped3A : memref<!tpu.dma_semaphore, #tpu.memory_space<semaphore_mem>>)
      tpu.wait_dma2 semaphore(%run_scoped3A : memref<!tpu.dma_semaphore, #tpu.memory_space<semaphore_mem>>) src(%arg4 : memref<16xf32, #tpu.memory_space<hbm>>) dst(%arg9 : memref<16xf32, #tpu.memory_space<vmem>>)
      tpu.yield
    }) : () -> ()
    %scan3A = arith.constant 0 : i32
    %scan3A_3 = arith.constant 0 : i32
    %scan3A_4 = arith.constant 40 : i32
    %scan3A_5 = arith.addi %scan3A_3, %scan3A_4 : i32
    %scan3A_6 = arith.constant 1 : i32
    scf.for %scan3A_26 = %scan3A_3 to %scan3A_5 step %scan3A_6  : i32 {
      %broadcast_in_dim3A = arith.constant 0.000000e+00 : f32
      %broadcast_in_dim3A_27 = vector.broadcast %broadcast_in_dim3A : f32 to vector<16xf32>
      %mul3A_28 = arith.constant 16 : i32
      %mul3A_29 = arith.muli %scan3A_26, %mul3A_28 : i32
      %swap3A = arith.index_cast %mul3A_29 : i32 to index
      %swap3A_30 = tpu.vector_load %arg10[%swap3A] {strides = array<i32>} : memref<640xf32, #tpu.memory_space<vmem>>, vector<16xf32>,
      %swap3A_31 = vector.shape_cast %swap3A_30 : vector<16xf32> to vector<16xf32>
      %swap3A_32 = vector.shape_cast %broadcast_in_dim3A_27 : vector<16xf32> to vector<16xf32>
      tpu.vector_store %arg10[%swap3A], %swap3A_32 {strides = array<i32>} : memref<640xf32, #tpu.memory_space<vmem>>, vector<16xf32>,
    }
    %scan3A_7 = arith.constant 40 : i32
    %mul3A_8 = arith.constant 640 : i32
    %mul3A_9 = arith.muli %arg1, %mul3A_8 : i32
    "tpu.region"() ({
      %run_scoped3A = tpu.sem_alloc : memref<!tpu.dma_semaphore, #tpu.memory_space<semaphore_mem>>
      %dma_start3A = tpu.memref_slice %arg11[%mul3A_9] : memref<10240xf32, #tpu.memory_space<vmem_shared>> -> memref<640xf32, #tpu.memory_space<vmem_shared>>
      %dma_start3A_26 = tpu.memref_slice %arg11[%mul3A_9] : memref<10240xf32, #tpu.memory_space<vmem_shared>> -> memref<640xf32, #tpu.memory_space<vmem_shared>>
      tpu.enqueue_dma source(%arg10 : memref<640xf32, #tpu.memory_space<vmem>>) target(%dma_start3A_26 : memref<640xf32, #tpu.memory_space<vmem_shared>>) target_semaphore(%run_scoped3A : memref<!tpu.dma_semaphore, #tpu.memory_space<semaphore_mem>>)
      %dma_wait3A = tpu.memref_slice %arg11[%mul3A_9] : memref<10240xf32, #tpu.memory_space<vmem_shared>> -> memref<640xf32, #tpu.memory_space<vmem_shared>>
      %dma_wait3A_27 = tpu.memref_slice %arg11[%mul3A_9] : memref<10240xf32, #tpu.memory_space<vmem_shared>> -> memref<640xf32, #tpu.memory_space<vmem_shared>>
      tpu.wait_dma2 semaphore(%run_scoped3A : memref<!tpu.dma_semaphore, #tpu.memory_space<semaphore_mem>>) src(%arg10 : memref<640xf32, #tpu.memory_space<vmem>>) dst(%dma_wait3A_27 : memref<640xf32, #tpu.memory_space<vmem_shared>>)
      tpu.yield
    }) : () -> ()
    %barrier3A = arith.constant 0 : index
    tpu.barrier barrier_id(%barrier3A)
    %get3A = arith.constant 0 : index
    %get3A_10 = tpu.vector_load %arg9[%get3A] {strides = array<i32>} : memref<16xf32, #tpu.memory_space<vmem>>, vector<16xf32>,
    %get3A_11 = vector.shape_cast %get3A_10 : vector<16xf32> to vector<16xf32>
    %scan3A_12 = arith.constant 0 : i32
    %scan3A_13 = arith.constant 0 : i32
    %scan3A_14 = arith.constant 125 : i32
    %scan3A_15 = arith.addi %scan3A_13, %scan3A_14 : i32
    %scan3A_16 = arith.constant 1 : i32
    scf.for %scan3A_26 = %scan3A_13 to %scan3A_15 step %scan3A_16  : i32 {
      %mul3A_27 = arith.constant 80 : i32
      %mul3A_28 = arith.muli %scan3A_26, %mul3A_27 : i32
      %add3A_29 = arith.addi %mul3A_2, %mul3A_28 : i32
      "tpu.region"() ({
        %run_scoped3A = tpu.sem_alloc : memref<!tpu.dma_semaphore, #tpu.memory_space<semaphore_mem>>
        %dma_start3A = tpu.memref_slice %arg2[%add3A_29] : memref<320000xf32, #tpu.memory_space<hbm>> -> memref<80xf32, #tpu.memory_space<hbm>>
        %dma_start3A_36 = tpu.memref_slice %arg2[%add3A_29] : memref<320000xf32, #tpu.memory_space<hbm>> -> memref<80xf32, #tpu.memory_space<hbm>>
        tpu.enqueue_dma source(%dma_start3A_36 : memref<80xf32, #tpu.memory_space<hbm>>) target(%arg8 : memref<80xf32, #tpu.memory_space<vmem>>) target_semaphore(%run_scoped3A : memref<!tpu.dma_semaphore, #tpu.memory_space<semaphore_mem>>)
        %dma_wait3A = tpu.memref_slice %arg2[%add3A_29] : memref<320000xf32, #tpu.memory_space<hbm>> -> memref<80xf32, #tpu.memory_space<hbm>>
        %dma_wait3A_37 = tpu.memref_slice %arg2[%add3A_29] : memref<320000xf32, #tpu.memory_space<hbm>> -> memref<80xf32, #tpu.memory_space<hbm>>
        tpu.wait_dma2 semaphore(%run_scoped3A : memref<!tpu.dma_semaphore, #tpu.memory_space<semaphore_mem>>) src(%dma_wait3A_37 : memref<80xf32, #tpu.memory_space<hbm>>) dst(%arg8 : memref<80xf32, #tpu.memory_space<vmem>>)
        tpu.yield
      }) : () -> ()
      "tpu.region"() ({
        %run_scoped3A = tpu.sem_alloc : memref<!tpu.dma_semaphore, #tpu.memory_space<semaphore_mem>>
        %dma_start3A = tpu.memref_slice %arg3[%add3A_29] : memref<320000xi32, #tpu.memory_space<hbm>> -> memref<80xi32, #tpu.memory_space<hbm>>
        %dma_start3A_36 = tpu.memref_slice %arg3[%add3A_29] : memref<320000xi32, #tpu.memory_space<hbm>> -> memref<80xi32, #tpu.memory_space<hbm>>
        tpu.enqueue_dma source(%dma_start3A_36 : memref<80xi32, #tpu.memory_space<hbm>>) target(%arg7 : memref<80xi32, #tpu.memory_space<vmem>>) target_semaphore(%run_scoped3A : memref<!tpu.dma_semaphore, #tpu.memory_space<semaphore_mem>>)
        %dma_wait3A = tpu.memref_slice %arg3[%add3A_29] : memref<320000xi32, #tpu.memory_space<hbm>> -> memref<80xi32, #tpu.memory_space<hbm>>
        %dma_wait3A_37 = tpu.memref_slice %arg3[%add3A_29] : memref<320000xi32, #tpu.memory_space<hbm>> -> memref<80xi32, #tpu.memory_space<hbm>>
        tpu.wait_dma2 semaphore(%run_scoped3A : memref<!tpu.dma_semaphore, #tpu.memory_space<semaphore_mem>>) src(%dma_wait3A_37 : memref<80xi32, #tpu.memory_space<hbm>>) dst(%arg7 : memref<80xi32, #tpu.memory_space<vmem>>)
        tpu.yield
      }) : () -> ()
      %scan3A_30 = arith.constant 0 : i32
      %scan3A_31 = arith.constant 0 : i32
      %scan3A_32 = arith.constant 5 : i32
      %scan3A_33 = arith.addi %scan3A_31, %scan3A_32 : i32
      %scan3A_34 = arith.constant 1 : i32
      scf.for %scan3A_36 = %scan3A_31 to %scan3A_33 step %scan3A_34  : i32 {
        %mul3A_37 = arith.constant 16 : i32
        %mul3A_38 = arith.muli %scan3A_36, %mul3A_37 : i32
        %get3A_39 = arith.index_cast %mul3A_38 : i32 to index
        %get3A_40 = tpu.vector_load %arg8[%get3A_39] {strides = array<i32>} : memref<80xf32, #tpu.memory_space<vmem>>, vector<16xf32>,
        %get3A_41 = vector.shape_cast %get3A_40 : vector<16xf32> to vector<16xf32>
        %sub3A = arith.subf %get3A_41, %get3A_11 : vector<16xf32>
        %exp3A = math.exp %sub3A : vector<16xf32>
        %swap3A = arith.index_cast %mul3A_38 : i32 to index
        %swap3A_42 = tpu.vector_load %arg8[%swap3A] {strides = array<i32>} : memref<80xf32, #tpu.memory_space<vmem>>, vector<16xf32>,
        %swap3A_43 = vector.shape_cast %swap3A_42 : vector<16xf32> to vector<16xf32>
        %swap3A_44 = vector.shape_cast %exp3A : vector<16xf32> to vector<16xf32>
        tpu.vector_store %arg8[%swap3A], %swap3A_44 {strides = array<i32>} : memref<80xf32, #tpu.memory_space<vmem>>, vector<16xf32>,
      }
      %scan3A_35 = arith.constant 5 : i32
      "tpu.region"() ({
        %run_scoped3A = tpu.sem_alloc : memref<!tpu.dma_semaphore, #tpu.memory_space<semaphore_mem>>
        %dma_start3A = tpu.memref_slice %arg5[%add3A_29] : memref<320000xf32, #tpu.memory_space<hbm>> -> memref<80xf32, #tpu.memory_space<hbm>>
        %dma_start3A_36 = tpu.memref_slice %arg5[%add3A_29] : memref<320000xf32, #tpu.memory_space<hbm>> -> memref<80xf32, #tpu.memory_space<hbm>>
        tpu.enqueue_dma source(%arg8 : memref<80xf32, #tpu.memory_space<vmem>>) target(%dma_start3A_36 : memref<80xf32, #tpu.memory_space<hbm>>) target_semaphore(%run_scoped3A : memref<!tpu.dma_semaphore, #tpu.memory_space<semaphore_mem>>)
        %dma_wait3A = tpu.memref_slice %arg5[%add3A_29] : memref<320000xf32, #tpu.memory_space<hbm>> -> memref<80xf32, #tpu.memory_space<hbm>>
        %dma_wait3A_37 = tpu.memref_slice %arg5[%add3A_29] : memref<320000xf32, #tpu.memory_space<hbm>> -> memref<80xf32, #tpu.memory_space<hbm>>
        tpu.wait_dma2 semaphore(%run_scoped3A : memref<!tpu.dma_semaphore, #tpu.memory_space<semaphore_mem>>) src(%arg8 : memref<80xf32, #tpu.memory_space<vmem>>) dst(%dma_wait3A_37 : memref<80xf32, #tpu.memory_space<hbm>>)
        tpu.yield
      }) : () -> ()
      "tpu.region"() ({
        %run_scoped3A = tpu.sem_alloc : memref<!tpu.dma_semaphore, #tpu.memory_space<semaphore_mem>>
        %dma_start3A = arith.constant 0 : i32
        %dma_start3A_36 = tpu.memref_slice %arg11[%dma_start3A] : memref<10240xf32, #tpu.memory_space<vmem_shared>> -> memref<10240xf32, #tpu.memory_space<vmem_shared>>
        tpu.enqueue_indirect_dma source(%arg8 : memref<80xf32, #tpu.memory_space<vmem>>) target(%dma_start3A_36 : memref<10240xf32, #tpu.memory_space<vmem_shared>>) offsets(%arg7 : memref<80xi32, #tpu.memory_space<vmem>>) semaphore(%run_scoped3A : memref<!tpu.dma_semaphore, #tpu.memory_space<semaphore_mem>>) {add = true}
        %dma_wait3A = arith.constant 0 : i32
        %dma_wait3A_37 = tpu.memref_slice %arg11[%dma_wait3A] : memref<10240xf32, #tpu.memory_space<vmem_shared>> -> memref<10240xf32, #tpu.memory_space<vmem_shared>>
        tpu.wait_indirect_dma semaphore(%run_scoped3A : memref<!tpu.dma_semaphore, #tpu.memory_space<semaphore_mem>>) src(%arg8 : memref<80xf32, #tpu.memory_space<vmem>>) dst(%dma_wait3A_37 : memref<10240xf32, #tpu.memory_space<vmem_shared>>)
        tpu.yield
      }) : () -> ()
    }
    %scan3A_17 = arith.constant 125 : i32
    %barrier3A_18 = arith.constant 0 : index
    tpu.barrier barrier_id(%barrier3A_18)
    %mul3A_19 = arith.constant 10240 : i32
    %mul3A_20 = arith.muli %arg0, %mul3A_19 : i32
    %mul3A_21 = arith.constant 640 : i32
    %mul3A_22 = arith.muli %arg1, %mul3A_21 : i32
    %add3A_23 = arith.addi %mul3A_20, %mul3A_22 : i32
    %multiple_of3A = tpu.assume_multiple %add3A_23, 8 : i32
    %mul3A_24 = arith.constant 640 : i32
    %mul3A_25 = arith.muli %arg1, %mul3A_24 : i32
    "tpu.region"() ({
      %run_scoped3A = tpu.sem_alloc : memref<!tpu.dma_semaphore, #tpu.memory_space<semaphore_mem>>
      %dma_start3A = tpu.memref_slice %arg11[%mul3A_25] : memref<10240xf32, #tpu.memory_space<vmem_shared>> -> memref<640xf32, #tpu.memory_space<vmem_shared>>
      %dma_start3A_26 = tpu.memref_slice %arg11[%mul3A_25] : memref<10240xf32, #tpu.memory_space<vmem_shared>> -> memref<640xf32, #tpu.memory_space<vmem_shared>>
      tpu.enqueue_dma source(%dma_start3A_26 : memref<640xf32, #tpu.memory_space<vmem_shared>>) target(%arg10 : memref<640xf32, #tpu.memory_space<vmem>>) target_semaphore(%run_scoped3A : memref<!tpu.dma_semaphore, #tpu.memory_space<semaphore_mem>>)
      %dma_wait3A = tpu.memref_slice %arg11[%mul3A_25] : memref<10240xf32, #tpu.memory_space<vmem_shared>> -> memref<640xf32, #tpu.memory_space<vmem_shared>>
      %dma_wait3A_27 = tpu.memref_slice %arg11[%mul3A_25] : memref<10240xf32, #tpu.memory_space<vmem_shared>> -> memref<640xf32, #tpu.memory_space<vmem_shared>>
      tpu.wait_dma2 semaphore(%run_scoped3A : memref<!tpu.dma_semaphore, #tpu.memory_space<semaphore_mem>>) src(%dma_wait3A_27 : memref<640xf32, #tpu.memory_space<vmem_shared>>) dst(%arg10 : memref<640xf32, #tpu.memory_space<vmem>>)
      tpu.yield
    }) : () -> ()
    "tpu.region"() ({
      %run_scoped3A = tpu.sem_alloc : memref<!tpu.dma_semaphore, #tpu.memory_space<semaphore_mem>>
      %dma_start3A = tpu.memref_slice %arg6[%multiple_of3A] : memref<20480xf32, #tpu.memory_space<hbm>> -> memref<640xf32, #tpu.memory_space<hbm>>
      %dma_start3A_26 = tpu.memref_slice %arg6[%multiple_of3A] : memref<20480xf32, #tpu.memory_space<hbm>> -> memref<640xf32, #tpu.memory_space<hbm>>
      tpu.enqueue_dma source(%arg10 : memref<640xf32, #tpu.memory_space<vmem>>) target(%dma_start3A_26 : memref<640xf32, #tpu.memory_space<hbm>>) target_semaphore(%run_scoped3A : memref<!tpu.dma_semaphore, #tpu.memory_space<semaphore_mem>>)
      %dma_wait3A = tpu.memref_slice %arg6[%multiple_of3A] : memref<20480xf32, #tpu.memory_space<hbm>> -> memref<640xf32, #tpu.memory_space<hbm>>
      %dma_wait3A_27 = tpu.memref_slice %arg6[%multiple_of3A] : memref<20480xf32, #tpu.memory_space<hbm>> -> memref<640xf32, #tpu.memory_space<hbm>>
      tpu.wait_dma2 semaphore(%run_scoped3A : memref<!tpu.dma_semaphore, #tpu.memory_space<semaphore_mem>>) src(%arg10 : memref<640xf32, #tpu.memory_space<vmem>>) dst(%dma_wait3A_27 : memref<640xf32, #tpu.memory_space<hbm>>)
      tpu.yield
    }) : () -> ()
    return
  }
}

#map = affine_map<(d0, d1) -> (0, 0)>
#map1 = affine_map<(d0, d1) -> (0)>
module attributes {stable_mosaic.version = 14 : i64} {
  func.func @_gather_feat_body(%arg0: i32, %arg1: i32, %arg2: memref<10000x128xf32, #tpu.memory_space<hbm>>, %arg3: memref<320000xi32, #tpu.memory_space<hbm>>, %arg4: memref<320000xi32, #tpu.memory_space<hbm>>, %arg5: memref<320000x128xf32, #tpu.memory_space<hbm>>, %arg6: memref<80xi32, #tpu.memory_space<vmem>>, %arg7: memref<80xi32, #tpu.memory_space<vmem>>, %arg8: memref<80xi32, #tpu.memory_space<vmem>>, %arg9: memref<80xi32, #tpu.memory_space<vmem>>, %arg10: memref<80x128xf32, #tpu.memory_space<vmem>>, %arg11: memref<80x128xf32, #tpu.memory_space<vmem>>, %arg12: memref<80x128xf32, #tpu.memory_space<vmem>>, %arg13: memref<80x128xf32, #tpu.memory_space<vmem>>, %arg14: memref<80x128xf32, #tpu.memory_space<vmem>>, %arg15: memref<80x128xf32, #tpu.memory_space<vmem>>, %arg16: memref<!tpu.dma_semaphore, #tpu.memory_space<semaphore_mem>>, %arg17: memref<!tpu.dma_semaphore, #tpu.memory_space<semaphore_mem>>, %arg18: memref<!tpu.dma_semaphore, #tpu.memory_space<semaphore_mem>>, %arg19: memref<!tpu.dma_semaphore, #tpu.memory_space<semaphore_mem>>) attributes {dimension_semantics = [#tpu.dimension_semantics<core_parallel>, #tpu.dimension_semantics<subcore_parallel>], iteration_bounds = array<i64: 2, 16>, scalar_prefetch = 0 : i64, scratch_operands = 14 : i64, tpu.core_type = #tpu.core_type<sc_vector_subcore>, window_params = [{transform_indices = #map}, {transform_indices = #map1}, {transform_indices = #map1}, {transform_indices = #map}]} {
    %mul3A = arith.constant 2 : i32
    %mul3A_0 = arith.muli %arg1, %mul3A : i32
    %add3A = arith.addi %mul3A_0, %arg0 : i32
    %mul3A_1 = arith.constant 10000 : i32
    %mul3A_2 = arith.muli %add3A, %mul3A_1 : i32
    %add3A_3 = arith.constant 0 : i32
    %add3A_4 = arith.addi %mul3A_2, %add3A_3 : i32
    %multiple_of3A = tpu.assume_multiple %add3A_4, 8 : i32
    "tpu.region"() ({
      %run_scoped3A = tpu.sem_alloc : memref<!tpu.dma_semaphore, #tpu.memory_space<semaphore_mem>>
      %dma_start3A_45 = tpu.memref_slice %arg3[%multiple_of3A] : memref<320000xi32, #tpu.memory_space<hbm>> -> memref<80xi32, #tpu.memory_space<hbm>>
      %dma_start3A_46 = tpu.memref_slice %arg3[%multiple_of3A] : memref<320000xi32, #tpu.memory_space<hbm>> -> memref<80xi32, #tpu.memory_space<hbm>>
      tpu.enqueue_dma source(%dma_start3A_46 : memref<80xi32, #tpu.memory_space<hbm>>) target(%arg6 : memref<80xi32, #tpu.memory_space<vmem>>) target_semaphore(%run_scoped3A : memref<!tpu.dma_semaphore, #tpu.memory_space<semaphore_mem>>)
      %dma_wait3A_47 = tpu.memref_slice %arg3[%multiple_of3A] : memref<320000xi32, #tpu.memory_space<hbm>> -> memref<80xi32, #tpu.memory_space<hbm>>
      %dma_wait3A_48 = tpu.memref_slice %arg3[%multiple_of3A] : memref<320000xi32, #tpu.memory_space<hbm>> -> memref<80xi32, #tpu.memory_space<hbm>>
      tpu.wait_dma2 semaphore(%run_scoped3A : memref<!tpu.dma_semaphore, #tpu.memory_space<semaphore_mem>>) src(%dma_wait3A_48 : memref<80xi32, #tpu.memory_space<hbm>>) dst(%arg6 : memref<80xi32, #tpu.memory_space<vmem>>)
      tpu.yield
    }) : () -> ()
    "tpu.region"() ({
      %run_scoped3A = tpu.sem_alloc : memref<!tpu.dma_semaphore, #tpu.memory_space<semaphore_mem>>
      %dma_start3A_45 = tpu.memref_slice %arg4[%multiple_of3A] : memref<320000xi32, #tpu.memory_space<hbm>> -> memref<80xi32, #tpu.memory_space<hbm>>
      %dma_start3A_46 = tpu.memref_slice %arg4[%multiple_of3A] : memref<320000xi32, #tpu.memory_space<hbm>> -> memref<80xi32, #tpu.memory_space<hbm>>
      tpu.enqueue_dma source(%dma_start3A_46 : memref<80xi32, #tpu.memory_space<hbm>>) target(%arg7 : memref<80xi32, #tpu.memory_space<vmem>>) target_semaphore(%run_scoped3A : memref<!tpu.dma_semaphore, #tpu.memory_space<semaphore_mem>>)
      %dma_wait3A_47 = tpu.memref_slice %arg4[%multiple_of3A] : memref<320000xi32, #tpu.memory_space<hbm>> -> memref<80xi32, #tpu.memory_space<hbm>>
      %dma_wait3A_48 = tpu.memref_slice %arg4[%multiple_of3A] : memref<320000xi32, #tpu.memory_space<hbm>> -> memref<80xi32, #tpu.memory_space<hbm>>
      tpu.wait_dma2 semaphore(%run_scoped3A : memref<!tpu.dma_semaphore, #tpu.memory_space<semaphore_mem>>) src(%dma_wait3A_48 : memref<80xi32, #tpu.memory_space<hbm>>) dst(%arg7 : memref<80xi32, #tpu.memory_space<vmem>>)
      tpu.yield
    }) : () -> ()
    %dma_start3A = arith.constant 0 : i32
    %dma_start3A_5 = arith.constant 0 : i32
    %dma_start3A_6 = tpu.memref_slice %arg2[%dma_start3A, %dma_start3A_5] : memref<10000x128xf32, #tpu.memory_space<hbm>> -> memref<10000x128xf32, #tpu.memory_space<hbm>>
    tpu.enqueue_indirect_dma source(%dma_start3A_6 : memref<10000x128xf32, #tpu.memory_space<hbm>>) target(%arg10 : memref<80x128xf32, #tpu.memory_space<vmem>>) offsets(%arg6 : memref<80xi32, #tpu.memory_space<vmem>>) semaphore(%arg16 : memref<!tpu.dma_semaphore, #tpu.memory_space<semaphore_mem>>)
    %dma_start3A_7 = arith.constant 0 : i32
    %dma_start3A_8 = arith.constant 0 : i32
    %dma_start3A_9 = tpu.memref_slice %arg2[%dma_start3A_7, %dma_start3A_8] : memref<10000x128xf32, #tpu.memory_space<hbm>> -> memref<10000x128xf32, #tpu.memory_space<hbm>>
    tpu.enqueue_indirect_dma source(%dma_start3A_9 : memref<10000x128xf32, #tpu.memory_space<hbm>>) target(%arg11 : memref<80x128xf32, #tpu.memory_space<vmem>>) offsets(%arg7 : memref<80xi32, #tpu.memory_space<vmem>>) semaphore(%arg16 : memref<!tpu.dma_semaphore, #tpu.memory_space<semaphore_mem>>)
    %scan3A = arith.constant 0 : i32
    %scan3A_10 = arith.constant 0 : i32
    %scan3A_11 = arith.constant 62 : i32
    %scan3A_12 = arith.addi %scan3A_10, %scan3A_11 : i32
    %scan3A_13 = arith.constant 1 : i32
    scf.for %scan3A_45 = %scan3A_10 to %scan3A_12 step %scan3A_13  : i32 {
      %mul3A_46 = arith.constant 2 : i32
      %mul3A_47 = arith.muli %mul3A_46, %scan3A_45 : i32
      %add3A_48 = arith.constant 1 : i32
      %add3A_49 = arith.addi %mul3A_47, %add3A_48 : i32
      %mul3A_50 = arith.constant 80 : i32
      %mul3A_51 = arith.muli %add3A_49, %mul3A_50 : i32
      %add3A_52 = arith.addi %mul3A_2, %mul3A_51 : i32
      %multiple_of3A_53 = tpu.assume_multiple %add3A_52, 8 : i32
      "tpu.region"() ({
        %run_scoped3A = tpu.sem_alloc : memref<!tpu.dma_semaphore, #tpu.memory_space<semaphore_mem>>
        %dma_start3A_127 = tpu.memref_slice %arg3[%multiple_of3A_53] : memref<320000xi32, #tpu.memory_space<hbm>> -> memref<80xi32, #tpu.memory_space<hbm>>
        %dma_start3A_128 = tpu.memref_slice %arg3[%multiple_of3A_53] : memref<320000xi32, #tpu.memory_space<hbm>> -> memref<80xi32, #tpu.memory_space<hbm>>
        tpu.enqueue_dma source(%dma_start3A_128 : memref<80xi32, #tpu.memory_space<hbm>>) target(%arg8 : memref<80xi32, #tpu.memory_space<vmem>>) target_semaphore(%run_scoped3A : memref<!tpu.dma_semaphore, #tpu.memory_space<semaphore_mem>>)
        %dma_wait3A_129 = tpu.memref_slice %arg3[%multiple_of3A_53] : memref<320000xi32, #tpu.memory_space<hbm>> -> memref<80xi32, #tpu.memory_space<hbm>>
        %dma_wait3A_130 = tpu.memref_slice %arg3[%multiple_of3A_53] : memref<320000xi32, #tpu.memory_space<hbm>> -> memref<80xi32, #tpu.memory_space<hbm>>
        tpu.wait_dma2 semaphore(%run_scoped3A : memref<!tpu.dma_semaphore, #tpu.memory_space<semaphore_mem>>) src(%dma_wait3A_130 : memref<80xi32, #tpu.memory_space<hbm>>) dst(%arg8 : memref<80xi32, #tpu.memory_space<vmem>>)
        tpu.yield
      }) : () -> ()
      "tpu.region"() ({
        %run_scoped3A = tpu.sem_alloc : memref<!tpu.dma_semaphore, #tpu.memory_space<semaphore_mem>>
        %dma_start3A_127 = tpu.memref_slice %arg4[%multiple_of3A_53] : memref<320000xi32, #tpu.memory_space<hbm>> -> memref<80xi32, #tpu.memory_space<hbm>>
        %dma_start3A_128 = tpu.memref_slice %arg4[%multiple_of3A_53] : memref<320000xi32, #tpu.memory_space<hbm>> -> memref<80xi32, #tpu.memory_space<hbm>>
        tpu.enqueue_dma source(%dma_start3A_128 : memref<80xi32, #tpu.memory_space<hbm>>) target(%arg9 : memref<80xi32, #tpu.memory_space<vmem>>) target_semaphore(%run_scoped3A : memref<!tpu.dma_semaphore, #tpu.memory_space<semaphore_mem>>)
        %dma_wait3A_129 = tpu.memref_slice %arg4[%multiple_of3A_53] : memref<320000xi32, #tpu.memory_space<hbm>> -> memref<80xi32, #tpu.memory_space<hbm>>
        %dma_wait3A_130 = tpu.memref_slice %arg4[%multiple_of3A_53] : memref<320000xi32, #tpu.memory_space<hbm>> -> memref<80xi32, #tpu.memory_space<hbm>>
        tpu.wait_dma2 semaphore(%run_scoped3A : memref<!tpu.dma_semaphore, #tpu.memory_space<semaphore_mem>>) src(%dma_wait3A_130 : memref<80xi32, #tpu.memory_space<hbm>>) dst(%arg9 : memref<80xi32, #tpu.memory_space<vmem>>)
        tpu.yield
      }) : () -> ()
      %dma_start3A_54 = arith.constant 0 : i32
      %dma_start3A_55 = arith.constant 0 : i32
      %dma_start3A_56 = tpu.memref_slice %arg2[%dma_start3A_54, %dma_start3A_55] : memref<10000x128xf32, #tpu.memory_space<hbm>> -> memref<10000x128xf32, #tpu.memory_space<hbm>>
      tpu.enqueue_indirect_dma source(%dma_start3A_56 : memref<10000x128xf32, #tpu.memory_space<hbm>>) target(%arg12 : memref<80x128xf32, #tpu.memory_space<vmem>>) offsets(%arg8 : memref<80xi32, #tpu.memory_space<vmem>>) semaphore(%arg17 : memref<!tpu.dma_semaphore, #tpu.memory_space<semaphore_mem>>)
      %dma_start3A_57 = arith.constant 0 : i32
      %dma_start3A_58 = arith.constant 0 : i32
      %dma_start3A_59 = tpu.memref_slice %arg2[%dma_start3A_57, %dma_start3A_58] : memref<10000x128xf32, #tpu.memory_space<hbm>> -> memref<10000x128xf32, #tpu.memory_space<hbm>>
      tpu.enqueue_indirect_dma source(%dma_start3A_59 : memref<10000x128xf32, #tpu.memory_space<hbm>>) target(%arg13 : memref<80x128xf32, #tpu.memory_space<vmem>>) offsets(%arg9 : memref<80xi32, #tpu.memory_space<vmem>>) semaphore(%arg17 : memref<!tpu.dma_semaphore, #tpu.memory_space<semaphore_mem>>)
      %gt3A = arith.constant 0 : i32
      %gt3A_60 = arith.cmpi sgt, %scan3A_45, %gt3A : i32
      %convert_element_type3A = arith.extui %gt3A_60 : i1 to i32
      %cond3A = arith.constant 0 : i32
      %cond3A_61 = arith.cmpi ne, %convert_element_type3A, %cond3A : i32
      scf.if %cond3A_61 {
        %dma_wait3A_127 = arith.constant 0 : i32
        %dma_wait3A_128 = tpu.memref_slice %arg5[%mul3A_2, %dma_wait3A_127] : memref<320000x128xf32, #tpu.memory_space<hbm>> -> memref<80x128xf32, #tpu.memory_space<hbm>>
        %dma_wait3A_129 = arith.constant 0 : i32
        %dma_wait3A_130 = tpu.memref_slice %arg5[%mul3A_2, %dma_wait3A_129] : memref<320000x128xf32, #tpu.memory_space<hbm>> -> memref<80x128xf32, #tpu.memory_space<hbm>>
        tpu.wait_dma2 semaphore(%arg18 : memref<!tpu.dma_semaphore, #tpu.memory_space<semaphore_mem>>) src(%arg14 : memref<80x128xf32, #tpu.memory_space<vmem>>) dst(%dma_wait3A_130 : memref<80x128xf32, #tpu.memory_space<hbm>>)
      } else {
      }
      %mul3A_62 = arith.constant 2 : i32
      %mul3A_63 = arith.muli %mul3A_62, %scan3A_45 : i32
      %dma_wait3A_64 = arith.constant 0 : i32
      %dma_wait3A_65 = arith.constant 0 : i32
      %dma_wait3A_66 = tpu.memref_slice %arg2[%dma_wait3A_64, %dma_wait3A_65] : memref<10000x128xf32, #tpu.memory_space<hbm>> -> memref<10000x128xf32, #tpu.memory_space<hbm>>
      tpu.wait_indirect_dma semaphore(%arg16 : memref<!tpu.dma_semaphore, #tpu.memory_space<semaphore_mem>>) src(%dma_wait3A_66 : memref<10000x128xf32, #tpu.memory_space<hbm>>) dst(%arg10 : memref<80x128xf32, #tpu.memory_space<vmem>>)
      %dma_wait3A_67 = arith.constant 0 : i32
      %dma_wait3A_68 = arith.constant 0 : i32
      %dma_wait3A_69 = tpu.memref_slice %arg2[%dma_wait3A_67, %dma_wait3A_68] : memref<10000x128xf32, #tpu.memory_space<hbm>> -> memref<10000x128xf32, #tpu.memory_space<hbm>>
      tpu.wait_indirect_dma semaphore(%arg16 : memref<!tpu.dma_semaphore, #tpu.memory_space<semaphore_mem>>) src(%dma_wait3A_69 : memref<10000x128xf32, #tpu.memory_space<hbm>>) dst(%arg11 : memref<80x128xf32, #tpu.memory_space<vmem>>)
      %scan3A_70 = arith.constant 0 : i32
      %scan3A_71 = arith.constant 0 : i32
      %scan3A_72 = arith.constant 80 : i32
      %scan3A_73 = arith.addi %scan3A_71, %scan3A_72 : i32
      %scan3A_74 = arith.constant 1 : i32
      scf.for %scan3A_127 = %scan3A_71 to %scan3A_73 step %scan3A_74  : i32 {
        %get3A = arith.index_cast %scan3A_127 : i32 to index
        %get3A_128 = arith.constant 0 : index
        %get3A_129 = tpu.vector_load %arg10[%get3A, %get3A_128] {strides = array<i32>} : memref<80x128xf32, #tpu.memory_space<vmem>>, vector<1x16xf32>,
        %get3A_130 = vector.shape_cast %get3A_129 : vector<1x16xf32> to vector<16xf32>
        %get3A_131 = arith.index_cast %scan3A_127 : i32 to index
        %get3A_132 = arith.constant 0 : index
        %get3A_133 = tpu.vector_load %arg11[%get3A_131, %get3A_132] {strides = array<i32>} : memref<80x128xf32, #tpu.memory_space<vmem>>, vector<1x16xf32>,
        %get3A_134 = vector.shape_cast %get3A_133 : vector<1x16xf32> to vector<16xf32>
        %sub3A = arith.subf %get3A_130, %get3A_134 : vector<16xf32>
        %abs3A = math.absf %sub3A : vector<16xf32>
        %neg3A = arith.constant 0.000000e+00 : f32
        %neg3A_135 = vector.broadcast %neg3A : f32 to vector<16xf32>
        %neg3A_136 = arith.subf %neg3A_135, %abs3A : vector<16xf32>
        %exp3A = math.exp %neg3A_136 : vector<16xf32>
        %swap3A = arith.index_cast %scan3A_127 : i32 to index
        %swap3A_137 = arith.constant 0 : index
        %swap3A_138 = tpu.vector_load %arg14[%swap3A, %swap3A_137] {strides = array<i32>} : memref<80x128xf32, #tpu.memory_space<vmem>>, vector<1x16xf32>,
        %swap3A_139 = vector.shape_cast %swap3A_138 : vector<1x16xf32> to vector<16xf32>
        %swap3A_140 = vector.shape_cast %exp3A : vector<16xf32> to vector<1x16xf32>
        tpu.vector_store %arg14[%swap3A, %swap3A_137], %swap3A_140 {strides = array<i32>} : memref<80x128xf32, #tpu.memory_space<vmem>>, vector<1x16xf32>,
        %get3A_141 = arith.index_cast %scan3A_127 : i32 to index
        %get3A_142 = arith.constant 16 : index
        %get3A_143 = tpu.vector_load %arg10[%get3A_141, %get3A_142] {strides = array<i32>} : memref<80x128xf32, #tpu.memory_space<vmem>>, vector<1x16xf32>,
        %get3A_144 = vector.shape_cast %get3A_143 : vector<1x16xf32> to vector<16xf32>
        %get3A_145 = arith.index_cast %scan3A_127 : i32 to index
        %get3A_146 = arith.constant 16 : index
        %get3A_147 = tpu.vector_load %arg11[%get3A_145, %get3A_146] {strides = array<i32>} : memref<80x128xf32, #tpu.memory_space<vmem>>, vector<1x16xf32>,
        %get3A_148 = vector.shape_cast %get3A_147 : vector<1x16xf32> to vector<16xf32>
        %sub3A_149 = arith.subf %get3A_144, %get3A_148 : vector<16xf32>
        %abs3A_150 = math.absf %sub3A_149 : vector<16xf32>
        %neg3A_151 = arith.constant 0.000000e+00 : f32
        %neg3A_152 = vector.broadcast %neg3A_151 : f32 to vector<16xf32>
        %neg3A_153 = arith.subf %neg3A_152, %abs3A_150 : vector<16xf32>
        %exp3A_154 = math.exp %neg3A_153 : vector<16xf32>
        %swap3A_155 = arith.index_cast %scan3A_127 : i32 to index
        %swap3A_156 = arith.constant 16 : index
        %swap3A_157 = tpu.vector_load %arg14[%swap3A_155, %swap3A_156] {strides = array<i32>} : memref<80x128xf32, #tpu.memory_space<vmem>>, vector<1x16xf32>,
        %swap3A_158 = vector.shape_cast %swap3A_157 : vector<1x16xf32> to vector<16xf32>
        %swap3A_159 = vector.shape_cast %exp3A_154 : vector<16xf32> to vector<1x16xf32>
        tpu.vector_store %arg14[%swap3A_155, %swap3A_156], %swap3A_159 {strides = array<i32>} : memref<80x128xf32, #tpu.memory_space<vmem>>, vector<1x16xf32>,
        %get3A_160 = arith.index_cast %scan3A_127 : i32 to index
        %get3A_161 = arith.constant 32 : index
        %get3A_162 = tpu.vector_load %arg10[%get3A_160, %get3A_161] {strides = array<i32>} : memref<80x128xf32, #tpu.memory_space<vmem>>, vector<1x16xf32>,
        %get3A_163 = vector.shape_cast %get3A_162 : vector<1x16xf32> to vector<16xf32>
        %get3A_164 = arith.index_cast %scan3A_127 : i32 to index
        %get3A_165 = arith.constant 32 : index
        %get3A_166 = tpu.vector_load %arg11[%get3A_164, %get3A_165] {strides = array<i32>} : memref<80x128xf32, #tpu.memory_space<vmem>>, vector<1x16xf32>,
        %get3A_167 = vector.shape_cast %get3A_166 : vector<1x16xf32> to vector<16xf32>
        %sub3A_168 = arith.subf %get3A_163, %get3A_167 : vector<16xf32>
        %abs3A_169 = math.absf %sub3A_168 : vector<16xf32>
        %neg3A_170 = arith.constant 0.000000e+00 : f32
        %neg3A_171 = vector.broadcast %neg3A_170 : f32 to vector<16xf32>
        %neg3A_172 = arith.subf %neg3A_171, %abs3A_169 : vector<16xf32>
        %exp3A_173 = math.exp %neg3A_172 : vector<16xf32>
        %swap3A_174 = arith.index_cast %scan3A_127 : i32 to index
        %swap3A_175 = arith.constant 32 : index
        %swap3A_176 = tpu.vector_load %arg14[%swap3A_174, %swap3A_175] {strides = array<i32>} : memref<80x128xf32, #tpu.memory_space<vmem>>, vector<1x16xf32>,
        %swap3A_177 = vector.shape_cast %swap3A_176 : vector<1x16xf32> to vector<16xf32>
        %swap3A_178 = vector.shape_cast %exp3A_173 : vector<16xf32> to vector<1x16xf32>
        tpu.vector_store %arg14[%swap3A_174, %swap3A_175], %swap3A_178 {strides = array<i32>} : memref<80x128xf32, #tpu.memory_space<vmem>>, vector<1x16xf32>,
        %get3A_179 = arith.index_cast %scan3A_127 : i32 to index
        %get3A_180 = arith.constant 48 : index
        %get3A_181 = tpu.vector_load %arg10[%get3A_179, %get3A_180] {strides = array<i32>} : memref<80x128xf32, #tpu.memory_space<vmem>>, vector<1x16xf32>,
        %get3A_182 = vector.shape_cast %get3A_181 : vector<1x16xf32> to vector<16xf32>
        %get3A_183 = arith.index_cast %scan3A_127 : i32 to index
        %get3A_184 = arith.constant 48 : index
        %get3A_185 = tpu.vector_load %arg11[%get3A_183, %get3A_184] {strides = array<i32>} : memref<80x128xf32, #tpu.memory_space<vmem>>, vector<1x16xf32>,
        %get3A_186 = vector.shape_cast %get3A_185 : vector<1x16xf32> to vector<16xf32>
        %sub3A_187 = arith.subf %get3A_182, %get3A_186 : vector<16xf32>
        %abs3A_188 = math.absf %sub3A_187 : vector<16xf32>
        %neg3A_189 = arith.constant 0.000000e+00 : f32
        %neg3A_190 = vector.broadcast %neg3A_189 : f32 to vector<16xf32>
        %neg3A_191 = arith.subf %neg3A_190, %abs3A_188 : vector<16xf32>
        %exp3A_192 = math.exp %neg3A_191 : vector<16xf32>
        %swap3A_193 = arith.index_cast %scan3A_127 : i32 to index
        %swap3A_194 = arith.constant 48 : index
        %swap3A_195 = tpu.vector_load %arg14[%swap3A_193, %swap3A_194] {strides = array<i32>} : memref<80x128xf32, #tpu.memory_space<vmem>>, vector<1x16xf32>,
        %swap3A_196 = vector.shape_cast %swap3A_195 : vector<1x16xf32> to vector<16xf32>
        %swap3A_197 = vector.shape_cast %exp3A_192 : vector<16xf32> to vector<1x16xf32>
        tpu.vector_store %arg14[%swap3A_193, %swap3A_194], %swap3A_197 {strides = array<i32>} : memref<80x128xf32, #tpu.memory_space<vmem>>, vector<1x16xf32>,
        %get3A_198 = arith.index_cast %scan3A_127 : i32 to index
        %get3A_199 = arith.constant 64 : index
        %get3A_200 = tpu.vector_load %arg10[%get3A_198, %get3A_199] {strides = array<i32>} : memref<80x128xf32, #tpu.memory_space<vmem>>, vector<1x16xf32>,
        %get3A_201 = vector.shape_cast %get3A_200 : vector<1x16xf32> to vector<16xf32>
        %get3A_202 = arith.index_cast %scan3A_127 : i32 to index
        %get3A_203 = arith.constant 64 : index
        %get3A_204 = tpu.vector_load %arg11[%get3A_202, %get3A_203] {strides = array<i32>} : memref<80x128xf32, #tpu.memory_space<vmem>>, vector<1x16xf32>,
        %get3A_205 = vector.shape_cast %get3A_204 : vector<1x16xf32> to vector<16xf32>
        %sub3A_206 = arith.subf %get3A_201, %get3A_205 : vector<16xf32>
        %abs3A_207 = math.absf %sub3A_206 : vector<16xf32>
        %neg3A_208 = arith.constant 0.000000e+00 : f32
        %neg3A_209 = vector.broadcast %neg3A_208 : f32 to vector<16xf32>
        %neg3A_210 = arith.subf %neg3A_209, %abs3A_207 : vector<16xf32>
        %exp3A_211 = math.exp %neg3A_210 : vector<16xf32>
        %swap3A_212 = arith.index_cast %scan3A_127 : i32 to index
        %swap3A_213 = arith.constant 64 : index
        %swap3A_214 = tpu.vector_load %arg14[%swap3A_212, %swap3A_213] {strides = array<i32>} : memref<80x128xf32, #tpu.memory_space<vmem>>, vector<1x16xf32>,
        %swap3A_215 = vector.shape_cast %swap3A_214 : vector<1x16xf32> to vector<16xf32>
        %swap3A_216 = vector.shape_cast %exp3A_211 : vector<16xf32> to vector<1x16xf32>
        tpu.vector_store %arg14[%swap3A_212, %swap3A_213], %swap3A_216 {strides = array<i32>} : memref<80x128xf32, #tpu.memory_space<vmem>>, vector<1x16xf32>,
        %get3A_217 = arith.index_cast %scan3A_127 : i32 to index
        %get3A_218 = arith.constant 80 : index
        %get3A_219 = tpu.vector_load %arg10[%get3A_217, %get3A_218] {strides = array<i32>} : memref<80x128xf32, #tpu.memory_space<vmem>>, vector<1x16xf32>,
        %get3A_220 = vector.shape_cast %get3A_219 : vector<1x16xf32> to vector<16xf32>
        %get3A_221 = arith.index_cast %scan3A_127 : i32 to index
        %get3A_222 = arith.constant 80 : index
        %get3A_223 = tpu.vector_load %arg11[%get3A_221, %get3A_222] {strides = array<i32>} : memref<80x128xf32, #tpu.memory_space<vmem>>, vector<1x16xf32>,
        %get3A_224 = vector.shape_cast %get3A_223 : vector<1x16xf32> to vector<16xf32>
        %sub3A_225 = arith.subf %get3A_220, %get3A_224 : vector<16xf32>
        %abs3A_226 = math.absf %sub3A_225 : vector<16xf32>
        %neg3A_227 = arith.constant 0.000000e+00 : f32
        %neg3A_228 = vector.broadcast %neg3A_227 : f32 to vector<16xf32>
        %neg3A_229 = arith.subf %neg3A_228, %abs3A_226 : vector<16xf32>
        %exp3A_230 = math.exp %neg3A_229 : vector<16xf32>
        %swap3A_231 = arith.index_cast %scan3A_127 : i32 to index
        %swap3A_232 = arith.constant 80 : index
        %swap3A_233 = tpu.vector_load %arg14[%swap3A_231, %swap3A_232] {strides = array<i32>} : memref<80x128xf32, #tpu.memory_space<vmem>>, vector<1x16xf32>,
        %swap3A_234 = vector.shape_cast %swap3A_233 : vector<1x16xf32> to vector<16xf32>
        %swap3A_235 = vector.shape_cast %exp3A_230 : vector<16xf32> to vector<1x16xf32>
        tpu.vector_store %arg14[%swap3A_231, %swap3A_232], %swap3A_235 {strides = array<i32>} : memref<80x128xf32, #tpu.memory_space<vmem>>, vector<1x16xf32>,
        %get3A_236 = arith.index_cast %scan3A_127 : i32 to index
        %get3A_237 = arith.constant 96 : index
        %get3A_238 = tpu.vector_load %arg10[%get3A_236, %get3A_237] {strides = array<i32>} : memref<80x128xf32, #tpu.memory_space<vmem>>, vector<1x16xf32>,
        %get3A_239 = vector.shape_cast %get3A_238 : vector<1x16xf32> to vector<16xf32>
        %get3A_240 = arith.index_cast %scan3A_127 : i32 to index
        %get3A_241 = arith.constant 96 : index
        %get3A_242 = tpu.vector_load %arg11[%get3A_240, %get3A_241] {strides = array<i32>} : memref<80x128xf32, #tpu.memory_space<vmem>>, vector<1x16xf32>,
        %get3A_243 = vector.shape_cast %get3A_242 : vector<1x16xf32> to vector<16xf32>
        %sub3A_244 = arith.subf %get3A_239, %get3A_243 : vector<16xf32>
        %abs3A_245 = math.absf %sub3A_244 : vector<16xf32>
        %neg3A_246 = arith.constant 0.000000e+00 : f32
        %neg3A_247 = vector.broadcast %neg3A_246 : f32 to vector<16xf32>
        %neg3A_248 = arith.subf %neg3A_247, %abs3A_245 : vector<16xf32>
        %exp3A_249 = math.exp %neg3A_248 : vector<16xf32>
        %swap3A_250 = arith.index_cast %scan3A_127 : i32 to index
        %swap3A_251 = arith.constant 96 : index
        %swap3A_252 = tpu.vector_load %arg14[%swap3A_250, %swap3A_251] {strides = array<i32>} : memref<80x128xf32, #tpu.memory_space<vmem>>, vector<1x16xf32>,
        %swap3A_253 = vector.shape_cast %swap3A_252 : vector<1x16xf32> to vector<16xf32>
        %swap3A_254 = vector.shape_cast %exp3A_249 : vector<16xf32> to vector<1x16xf32>
        tpu.vector_store %arg14[%swap3A_250, %swap3A_251], %swap3A_254 {strides = array<i32>} : memref<80x128xf32, #tpu.memory_space<vmem>>, vector<1x16xf32>,
        %get3A_255 = arith.index_cast %scan3A_127 : i32 to index
        %get3A_256 = arith.constant 112 : index
        %get3A_257 = tpu.vector_load %arg10[%get3A_255, %get3A_256] {strides = array<i32>} : memref<80x128xf32, #tpu.memory_space<vmem>>, vector<1x16xf32>,
        %get3A_258 = vector.shape_cast %get3A_257 : vector<1x16xf32> to vector<16xf32>
        %get3A_259 = arith.index_cast %scan3A_127 : i32 to index
        %get3A_260 = arith.constant 112 : index
        %get3A_261 = tpu.vector_load %arg11[%get3A_259, %get3A_260] {strides = array<i32>} : memref<80x128xf32, #tpu.memory_space<vmem>>, vector<1x16xf32>,
        %get3A_262 = vector.shape_cast %get3A_261 : vector<1x16xf32> to vector<16xf32>
        %sub3A_263 = arith.subf %get3A_258, %get3A_262 : vector<16xf32>
        %abs3A_264 = math.absf %sub3A_263 : vector<16xf32>
        %neg3A_265 = arith.constant 0.000000e+00 : f32
        %neg3A_266 = vector.broadcast %neg3A_265 : f32 to vector<16xf32>
        %neg3A_267 = arith.subf %neg3A_266, %abs3A_264 : vector<16xf32>
        %exp3A_268 = math.exp %neg3A_267 : vector<16xf32>
        %swap3A_269 = arith.index_cast %scan3A_127 : i32 to index
        %swap3A_270 = arith.constant 112 : index
        %swap3A_271 = tpu.vector_load %arg14[%swap3A_269, %swap3A_270] {strides = array<i32>} : memref<80x128xf32, #tpu.memory_space<vmem>>, vector<1x16xf32>,
        %swap3A_272 = vector.shape_cast %swap3A_271 : vector<1x16xf32> to vector<16xf32>
        %swap3A_273 = vector.shape_cast %exp3A_268 : vector<16xf32> to vector<1x16xf32>
        tpu.vector_store %arg14[%swap3A_269, %swap3A_270], %swap3A_273 {strides = array<i32>} : memref<80x128xf32, #tpu.memory_space<vmem>>, vector<1x16xf32>,
      }
      %scan3A_75 = arith.constant 80 : i32
      %mul3A_76 = arith.constant 80 : i32
      %mul3A_77 = arith.muli %mul3A_63, %mul3A_76 : i32
      %add3A_78 = arith.addi %mul3A_2, %mul3A_77 : i32
      %multiple_of3A_79 = tpu.assume_multiple %add3A_78, 8 : i32
      %dma_start3A_80 = arith.constant 0 : i32
      %dma_start3A_81 = tpu.memref_slice %arg5[%multiple_of3A_79, %dma_start3A_80] : memref<320000x128xf32, #tpu.memory_space<hbm>> -> memref<80x128xf32, #tpu.memory_space<hbm>>
      %dma_start3A_82 = arith.constant 0 : i32
      %dma_start3A_83 = tpu.memref_slice %arg5[%multiple_of3A_79, %dma_start3A_82] : memref<320000x128xf32, #tpu.memory_space<hbm>> -> memref<80x128xf32, #tpu.memory_space<hbm>>
      tpu.enqueue_dma source(%arg14 : memref<80x128xf32, #tpu.memory_space<vmem>>) target(%dma_start3A_83 : memref<80x128xf32, #tpu.memory_space<hbm>>) target_semaphore(%arg18 : memref<!tpu.dma_semaphore, #tpu.memory_space<semaphore_mem>>)
      %mul3A_84 = arith.constant 2 : i32
      %mul3A_85 = arith.muli %mul3A_84, %scan3A_45 : i32
      %add3A_86 = arith.constant 2 : i32
      %add3A_87 = arith.addi %mul3A_85, %add3A_86 : i32
      %mul3A_88 = arith.constant 80 : i32
      %mul3A_89 = arith.muli %add3A_87, %mul3A_88 : i32
      %add3A_90 = arith.addi %mul3A_2, %mul3A_89 : i32
      %multiple_of3A_91 = tpu.assume_multiple %add3A_90, 8 : i32
      "tpu.region"() ({
        %run_scoped3A = tpu.sem_alloc : memref<!tpu.dma_semaphore, #tpu.memory_space<semaphore_mem>>
        %dma_start3A_127 = tpu.memref_slice %arg3[%multiple_of3A_91] : memref<320000xi32, #tpu.memory_space<hbm>> -> memref<80xi32, #tpu.memory_space<hbm>>
        %dma_start3A_128 = tpu.memref_slice %arg3[%multiple_of3A_91] : memref<320000xi32, #tpu.memory_space<hbm>> -> memref<80xi32, #tpu.memory_space<hbm>>
        tpu.enqueue_dma source(%dma_start3A_128 : memref<80xi32, #tpu.memory_space<hbm>>) target(%arg6 : memref<80xi32, #tpu.memory_space<vmem>>) target_semaphore(%run_scoped3A : memref<!tpu.dma_semaphore, #tpu.memory_space<semaphore_mem>>)
        %dma_wait3A_129 = tpu.memref_slice %arg3[%multiple_of3A_91] : memref<320000xi32, #tpu.memory_space<hbm>> -> memref<80xi32, #tpu.memory_space<hbm>>
        %dma_wait3A_130 = tpu.memref_slice %arg3[%multiple_of3A_91] : memref<320000xi32, #tpu.memory_space<hbm>> -> memref<80xi32, #tpu.memory_space<hbm>>
        tpu.wait_dma2 semaphore(%run_scoped3A : memref<!tpu.dma_semaphore, #tpu.memory_space<semaphore_mem>>) src(%dma_wait3A_130 : memref<80xi32, #tpu.memory_space<hbm>>) dst(%arg6 : memref<80xi32, #tpu.memory_space<vmem>>)
        tpu.yield
      }) : () -> ()
      "tpu.region"() ({
        %run_scoped3A = tpu.sem_alloc : memref<!tpu.dma_semaphore, #tpu.memory_space<semaphore_mem>>
        %dma_start3A_127 = tpu.memref_slice %arg4[%multiple_of3A_91] : memref<320000xi32, #tpu.memory_space<hbm>> -> memref<80xi32, #tpu.memory_space<hbm>>
        %dma_start3A_128 = tpu.memref_slice %arg4[%multiple_of3A_91] : memref<320000xi32, #tpu.memory_space<hbm>> -> memref<80xi32, #tpu.memory_space<hbm>>
        tpu.enqueue_dma source(%dma_start3A_128 : memref<80xi32, #tpu.memory_space<hbm>>) target(%arg7 : memref<80xi32, #tpu.memory_space<vmem>>) target_semaphore(%run_scoped3A : memref<!tpu.dma_semaphore, #tpu.memory_space<semaphore_mem>>)
        %dma_wait3A_129 = tpu.memref_slice %arg4[%multiple_of3A_91] : memref<320000xi32, #tpu.memory_space<hbm>> -> memref<80xi32, #tpu.memory_space<hbm>>
        %dma_wait3A_130 = tpu.memref_slice %arg4[%multiple_of3A_91] : memref<320000xi32, #tpu.memory_space<hbm>> -> memref<80xi32, #tpu.memory_space<hbm>>
        tpu.wait_dma2 semaphore(%run_scoped3A : memref<!tpu.dma_semaphore, #tpu.memory_space<semaphore_mem>>) src(%dma_wait3A_130 : memref<80xi32, #tpu.memory_space<hbm>>) dst(%arg7 : memref<80xi32, #tpu.memory_space<vmem>>)
        tpu.yield
      }) : () -> ()
      %dma_start3A_92 = arith.constant 0 : i32
      %dma_start3A_93 = arith.constant 0 : i32
      %dma_start3A_94 = tpu.memref_slice %arg2[%dma_start3A_92, %dma_start3A_93] : memref<10000x128xf32, #tpu.memory_space<hbm>> -> memref<10000x128xf32, #tpu.memory_space<hbm>>
      tpu.enqueue_indirect_dma source(%dma_start3A_94 : memref<10000x128xf32, #tpu.memory_space<hbm>>) target(%arg10 : memref<80x128xf32, #tpu.memory_space<vmem>>) offsets(%arg6 : memref<80xi32, #tpu.memory_space<vmem>>) semaphore(%arg16 : memref<!tpu.dma_semaphore, #tpu.memory_space<semaphore_mem>>)
      %dma_start3A_95 = arith.constant 0 : i32
      %dma_start3A_96 = arith.constant 0 : i32
      %dma_start3A_97 = tpu.memref_slice %arg2[%dma_start3A_95, %dma_start3A_96] : memref<10000x128xf32, #tpu.memory_space<hbm>> -> memref<10000x128xf32, #tpu.memory_space<hbm>>
      tpu.enqueue_indirect_dma source(%dma_start3A_97 : memref<10000x128xf32, #tpu.memory_space<hbm>>) target(%arg11 : memref<80x128xf32, #tpu.memory_space<vmem>>) offsets(%arg7 : memref<80xi32, #tpu.memory_space<vmem>>) semaphore(%arg16 : memref<!tpu.dma_semaphore, #tpu.memory_space<semaphore_mem>>)
      %gt3A_98 = arith.constant 0 : i32
      %gt3A_99 = arith.cmpi sgt, %scan3A_45, %gt3A_98 : i32
      %convert_element_type3A_100 = arith.extui %gt3A_99 : i1 to i32
      %cond3A_101 = arith.constant 0 : i32
      %cond3A_102 = arith.cmpi ne, %convert_element_type3A_100, %cond3A_101 : i32
      scf.if %cond3A_102 {
        %dma_wait3A_127 = arith.constant 0 : i32
        %dma_wait3A_128 = tpu.memref_slice %arg5[%mul3A_2, %dma_wait3A_127] : memref<320000x128xf32, #tpu.memory_space<hbm>> -> memref<80x128xf32, #tpu.memory_space<hbm>>
        %dma_wait3A_129 = arith.constant 0 : i32
        %dma_wait3A_130 = tpu.memref_slice %arg5[%mul3A_2, %dma_wait3A_129] : memref<320000x128xf32, #tpu.memory_space<hbm>> -> memref<80x128xf32, #tpu.memory_space<hbm>>
        tpu.wait_dma2 semaphore(%arg19 : memref<!tpu.dma_semaphore, #tpu.memory_space<semaphore_mem>>) src(%arg15 : memref<80x128xf32, #tpu.memory_space<vmem>>) dst(%dma_wait3A_130 : memref<80x128xf32, #tpu.memory_space<hbm>>)
      } else {
      }
      %mul3A_103 = arith.constant 2 : i32
      %mul3A_104 = arith.muli %mul3A_103, %scan3A_45 : i32
      %add3A_105 = arith.constant 1 : i32
      %add3A_106 = arith.addi %mul3A_104, %add3A_105 : i32
      %dma_wait3A_107 = arith.constant 0 : i32
      %dma_wait3A_108 = arith.constant 0 : i32
      %dma_wait3A_109 = tpu.memref_slice %arg2[%dma_wait3A_107, %dma_wait3A_108] : memref<10000x128xf32, #tpu.memory_space<hbm>> -> memref<10000x128xf32, #tpu.memory_space<hbm>>
      tpu.wait_indirect_dma semaphore(%arg17 : memref<!tpu.dma_semaphore, #tpu.memory_space<semaphore_mem>>) src(%dma_wait3A_109 : memref<10000x128xf32, #tpu.memory_space<hbm>>) dst(%arg12 : memref<80x128xf32, #tpu.memory_space<vmem>>)
      %dma_wait3A_110 = arith.constant 0 : i32
      %dma_wait3A_111 = arith.constant 0 : i32
      %dma_wait3A_112 = tpu.memref_slice %arg2[%dma_wait3A_110, %dma_wait3A_111] : memref<10000x128xf32, #tpu.memory_space<hbm>> -> memref<10000x128xf32, #tpu.memory_space<hbm>>
      tpu.wait_indirect_dma semaphore(%arg17 : memref<!tpu.dma_semaphore, #tpu.memory_space<semaphore_mem>>) src(%dma_wait3A_112 : memref<10000x128xf32, #tpu.memory_space<hbm>>) dst(%arg13 : memref<80x128xf32, #tpu.memory_space<vmem>>)
      %scan3A_113 = arith.constant 0 : i32
      %scan3A_114 = arith.constant 0 : i32
      %scan3A_115 = arith.constant 80 : i32
      %scan3A_116 = arith.addi %scan3A_114, %scan3A_115 : i32
      %scan3A_117 = arith.constant 1 : i32
      scf.for %scan3A_127 = %scan3A_114 to %scan3A_116 step %scan3A_117  : i32 {
        %get3A = arith.index_cast %scan3A_127 : i32 to index
        %get3A_128 = arith.constant 0 : index
        %get3A_129 = tpu.vector_load %arg12[%get3A, %get3A_128] {strides = array<i32>} : memref<80x128xf32, #tpu.memory_space<vmem>>, vector<1x16xf32>,
        %get3A_130 = vector.shape_cast %get3A_129 : vector<1x16xf32> to vector<16xf32>
        %get3A_131 = arith.index_cast %scan3A_127 : i32 to index
        %get3A_132 = arith.constant 0 : index
        %get3A_133 = tpu.vector_load %arg13[%get3A_131, %get3A_132] {strides = array<i32>} : memref<80x128xf32, #tpu.memory_space<vmem>>, vector<1x16xf32>,
        %get3A_134 = vector.shape_cast %get3A_133 : vector<1x16xf32> to vector<16xf32>
        %sub3A = arith.subf %get3A_130, %get3A_134 : vector<16xf32>
        %abs3A = math.absf %sub3A : vector<16xf32>
        %neg3A = arith.constant 0.000000e+00 : f32
        %neg3A_135 = vector.broadcast %neg3A : f32 to vector<16xf32>
        %neg3A_136 = arith.subf %neg3A_135, %abs3A : vector<16xf32>
        %exp3A = math.exp %neg3A_136 : vector<16xf32>
        %swap3A = arith.index_cast %scan3A_127 : i32 to index
        %swap3A_137 = arith.constant 0 : index
        %swap3A_138 = tpu.vector_load %arg15[%swap3A, %swap3A_137] {strides = array<i32>} : memref<80x128xf32, #tpu.memory_space<vmem>>, vector<1x16xf32>,
        %swap3A_139 = vector.shape_cast %swap3A_138 : vector<1x16xf32> to vector<16xf32>
        %swap3A_140 = vector.shape_cast %exp3A : vector<16xf32> to vector<1x16xf32>
        tpu.vector_store %arg15[%swap3A, %swap3A_137], %swap3A_140 {strides = array<i32>} : memref<80x128xf32, #tpu.memory_space<vmem>>, vector<1x16xf32>,
        %get3A_141 = arith.index_cast %scan3A_127 : i32 to index
        %get3A_142 = arith.constant 16 : index
        %get3A_143 = tpu.vector_load %arg12[%get3A_141, %get3A_142] {strides = array<i32>} : memref<80x128xf32, #tpu.memory_space<vmem>>, vector<1x16xf32>,
        %get3A_144 = vector.shape_cast %get3A_143 : vector<1x16xf32> to vector<16xf32>
        %get3A_145 = arith.index_cast %scan3A_127 : i32 to index
        %get3A_146 = arith.constant 16 : index
        %get3A_147 = tpu.vector_load %arg13[%get3A_145, %get3A_146] {strides = array<i32>} : memref<80x128xf32, #tpu.memory_space<vmem>>, vector<1x16xf32>,
        %get3A_148 = vector.shape_cast %get3A_147 : vector<1x16xf32> to vector<16xf32>
        %sub3A_149 = arith.subf %get3A_144, %get3A_148 : vector<16xf32>
        %abs3A_150 = math.absf %sub3A_149 : vector<16xf32>
        %neg3A_151 = arith.constant 0.000000e+00 : f32
        %neg3A_152 = vector.broadcast %neg3A_151 : f32 to vector<16xf32>
        %neg3A_153 = arith.subf %neg3A_152, %abs3A_150 : vector<16xf32>
        %exp3A_154 = math.exp %neg3A_153 : vector<16xf32>
        %swap3A_155 = arith.index_cast %scan3A_127 : i32 to index
        %swap3A_156 = arith.constant 16 : index
        %swap3A_157 = tpu.vector_load %arg15[%swap3A_155, %swap3A_156] {strides = array<i32>} : memref<80x128xf32, #tpu.memory_space<vmem>>, vector<1x16xf32>,
        %swap3A_158 = vector.shape_cast %swap3A_157 : vector<1x16xf32> to vector<16xf32>
        %swap3A_159 = vector.shape_cast %exp3A_154 : vector<16xf32> to vector<1x16xf32>
        tpu.vector_store %arg15[%swap3A_155, %swap3A_156], %swap3A_159 {strides = array<i32>} : memref<80x128xf32, #tpu.memory_space<vmem>>, vector<1x16xf32>,
        %get3A_160 = arith.index_cast %scan3A_127 : i32 to index
        %get3A_161 = arith.constant 32 : index
        %get3A_162 = tpu.vector_load %arg12[%get3A_160, %get3A_161] {strides = array<i32>} : memref<80x128xf32, #tpu.memory_space<vmem>>, vector<1x16xf32>,
        %get3A_163 = vector.shape_cast %get3A_162 : vector<1x16xf32> to vector<16xf32>
        %get3A_164 = arith.index_cast %scan3A_127 : i32 to index
        %get3A_165 = arith.constant 32 : index
        %get3A_166 = tpu.vector_load %arg13[%get3A_164, %get3A_165] {strides = array<i32>} : memref<80x128xf32, #tpu.memory_space<vmem>>, vector<1x16xf32>,
        %get3A_167 = vector.shape_cast %get3A_166 : vector<1x16xf32> to vector<16xf32>
        %sub3A_168 = arith.subf %get3A_163, %get3A_167 : vector<16xf32>
        %abs3A_169 = math.absf %sub3A_168 : vector<16xf32>
        %neg3A_170 = arith.constant 0.000000e+00 : f32
        %neg3A_171 = vector.broadcast %neg3A_170 : f32 to vector<16xf32>
        %neg3A_172 = arith.subf %neg3A_171, %abs3A_169 : vector<16xf32>
        %exp3A_173 = math.exp %neg3A_172 : vector<16xf32>
        %swap3A_174 = arith.index_cast %scan3A_127 : i32 to index
        %swap3A_175 = arith.constant 32 : index
        %swap3A_176 = tpu.vector_load %arg15[%swap3A_174, %swap3A_175] {strides = array<i32>} : memref<80x128xf32, #tpu.memory_space<vmem>>, vector<1x16xf32>,
        %swap3A_177 = vector.shape_cast %swap3A_176 : vector<1x16xf32> to vector<16xf32>
        %swap3A_178 = vector.shape_cast %exp3A_173 : vector<16xf32> to vector<1x16xf32>
        tpu.vector_store %arg15[%swap3A_174, %swap3A_175], %swap3A_178 {strides = array<i32>} : memref<80x128xf32, #tpu.memory_space<vmem>>, vector<1x16xf32>,
        %get3A_179 = arith.index_cast %scan3A_127 : i32 to index
        %get3A_180 = arith.constant 48 : index
        %get3A_181 = tpu.vector_load %arg12[%get3A_179, %get3A_180] {strides = array<i32>} : memref<80x128xf32, #tpu.memory_space<vmem>>, vector<1x16xf32>,
        %get3A_182 = vector.shape_cast %get3A_181 : vector<1x16xf32> to vector<16xf32>
        %get3A_183 = arith.index_cast %scan3A_127 : i32 to index
        %get3A_184 = arith.constant 48 : index
        %get3A_185 = tpu.vector_load %arg13[%get3A_183, %get3A_184] {strides = array<i32>} : memref<80x128xf32, #tpu.memory_space<vmem>>, vector<1x16xf32>,
        %get3A_186 = vector.shape_cast %get3A_185 : vector<1x16xf32> to vector<16xf32>
        %sub3A_187 = arith.subf %get3A_182, %get3A_186 : vector<16xf32>
        %abs3A_188 = math.absf %sub3A_187 : vector<16xf32>
        %neg3A_189 = arith.constant 0.000000e+00 : f32
        %neg3A_190 = vector.broadcast %neg3A_189 : f32 to vector<16xf32>
        %neg3A_191 = arith.subf %neg3A_190, %abs3A_188 : vector<16xf32>
        %exp3A_192 = math.exp %neg3A_191 : vector<16xf32>
        %swap3A_193 = arith.index_cast %scan3A_127 : i32 to index
        %swap3A_194 = arith.constant 48 : index
        %swap3A_195 = tpu.vector_load %arg15[%swap3A_193, %swap3A_194] {strides = array<i32>} : memref<80x128xf32, #tpu.memory_space<vmem>>, vector<1x16xf32>,
        %swap3A_196 = vector.shape_cast %swap3A_195 : vector<1x16xf32> to vector<16xf32>
        %swap3A_197 = vector.shape_cast %exp3A_192 : vector<16xf32> to vector<1x16xf32>
        tpu.vector_store %arg15[%swap3A_193, %swap3A_194], %swap3A_197 {strides = array<i32>} : memref<80x128xf32, #tpu.memory_space<vmem>>, vector<1x16xf32>,
        %get3A_198 = arith.index_cast %scan3A_127 : i32 to index
        %get3A_199 = arith.constant 64 : index
        %get3A_200 = tpu.vector_load %arg12[%get3A_198, %get3A_199] {strides = array<i32>} : memref<80x128xf32, #tpu.memory_space<vmem>>, vector<1x16xf32>,
        %get3A_201 = vector.shape_cast %get3A_200 : vector<1x16xf32> to vector<16xf32>
        %get3A_202 = arith.index_cast %scan3A_127 : i32 to index
        %get3A_203 = arith.constant 64 : index
        %get3A_204 = tpu.vector_load %arg13[%get3A_202, %get3A_203] {strides = array<i32>} : memref<80x128xf32, #tpu.memory_space<vmem>>, vector<1x16xf32>,
        %get3A_205 = vector.shape_cast %get3A_204 : vector<1x16xf32> to vector<16xf32>
        %sub3A_206 = arith.subf %get3A_201, %get3A_205 : vector<16xf32>
        %abs3A_207 = math.absf %sub3A_206 : vector<16xf32>
        %neg3A_208 = arith.constant 0.000000e+00 : f32
        %neg3A_209 = vector.broadcast %neg3A_208 : f32 to vector<16xf32>
        %neg3A_210 = arith.subf %neg3A_209, %abs3A_207 : vector<16xf32>
        %exp3A_211 = math.exp %neg3A_210 : vector<16xf32>
        %swap3A_212 = arith.index_cast %scan3A_127 : i32 to index
        %swap3A_213 = arith.constant 64 : index
        %swap3A_214 = tpu.vector_load %arg15[%swap3A_212, %swap3A_213] {strides = array<i32>} : memref<80x128xf32, #tpu.memory_space<vmem>>, vector<1x16xf32>,
        %swap3A_215 = vector.shape_cast %swap3A_214 : vector<1x16xf32> to vector<16xf32>
        %swap3A_216 = vector.shape_cast %exp3A_211 : vector<16xf32> to vector<1x16xf32>
        tpu.vector_store %arg15[%swap3A_212, %swap3A_213], %swap3A_216 {strides = array<i32>} : memref<80x128xf32, #tpu.memory_space<vmem>>, vector<1x16xf32>,
        %get3A_217 = arith.index_cast %scan3A_127 : i32 to index
        %get3A_218 = arith.constant 80 : index
        %get3A_219 = tpu.vector_load %arg12[%get3A_217, %get3A_218] {strides = array<i32>} : memref<80x128xf32, #tpu.memory_space<vmem>>, vector<1x16xf32>,
        %get3A_220 = vector.shape_cast %get3A_219 : vector<1x16xf32> to vector<16xf32>
        %get3A_221 = arith.index_cast %scan3A_127 : i32 to index
        %get3A_222 = arith.constant 80 : index
        %get3A_223 = tpu.vector_load %arg13[%get3A_221, %get3A_222] {strides = array<i32>} : memref<80x128xf32, #tpu.memory_space<vmem>>, vector<1x16xf32>,
        %get3A_224 = vector.shape_cast %get3A_223 : vector<1x16xf32> to vector<16xf32>
        %sub3A_225 = arith.subf %get3A_220, %get3A_224 : vector<16xf32>
        %abs3A_226 = math.absf %sub3A_225 : vector<16xf32>
        %neg3A_227 = arith.constant 0.000000e+00 : f32
        %neg3A_228 = vector.broadcast %neg3A_227 : f32 to vector<16xf32>
        %neg3A_229 = arith.subf %neg3A_228, %abs3A_226 : vector<16xf32>
        %exp3A_230 = math.exp %neg3A_229 : vector<16xf32>
        %swap3A_231 = arith.index_cast %scan3A_127 : i32 to index
        %swap3A_232 = arith.constant 80 : index
        %swap3A_233 = tpu.vector_load %arg15[%swap3A_231, %swap3A_232] {strides = array<i32>} : memref<80x128xf32, #tpu.memory_space<vmem>>, vector<1x16xf32>,
        %swap3A_234 = vector.shape_cast %swap3A_233 : vector<1x16xf32> to vector<16xf32>
        %swap3A_235 = vector.shape_cast %exp3A_230 : vector<16xf32> to vector<1x16xf32>
        tpu.vector_store %arg15[%swap3A_231, %swap3A_232], %swap3A_235 {strides = array<i32>} : memref<80x128xf32, #tpu.memory_space<vmem>>, vector<1x16xf32>,
        %get3A_236 = arith.index_cast %scan3A_127 : i32 to index
        %get3A_237 = arith.constant 96 : index
        %get3A_238 = tpu.vector_load %arg12[%get3A_236, %get3A_237] {strides = array<i32>} : memref<80x128xf32, #tpu.memory_space<vmem>>, vector<1x16xf32>,
        %get3A_239 = vector.shape_cast %get3A_238 : vector<1x16xf32> to vector<16xf32>
        %get3A_240 = arith.index_cast %scan3A_127 : i32 to index
        %get3A_241 = arith.constant 96 : index
        %get3A_242 = tpu.vector_load %arg13[%get3A_240, %get3A_241] {strides = array<i32>} : memref<80x128xf32, #tpu.memory_space<vmem>>, vector<1x16xf32>,
        %get3A_243 = vector.shape_cast %get3A_242 : vector<1x16xf32> to vector<16xf32>
        %sub3A_244 = arith.subf %get3A_239, %get3A_243 : vector<16xf32>
        %abs3A_245 = math.absf %sub3A_244 : vector<16xf32>
        %neg3A_246 = arith.constant 0.000000e+00 : f32
        %neg3A_247 = vector.broadcast %neg3A_246 : f32 to vector<16xf32>
        %neg3A_248 = arith.subf %neg3A_247, %abs3A_245 : vector<16xf32>
        %exp3A_249 = math.exp %neg3A_248 : vector<16xf32>
        %swap3A_250 = arith.index_cast %scan3A_127 : i32 to index
        %swap3A_251 = arith.constant 96 : index
        %swap3A_252 = tpu.vector_load %arg15[%swap3A_250, %swap3A_251] {strides = array<i32>} : memref<80x128xf32, #tpu.memory_space<vmem>>, vector<1x16xf32>,
        %swap3A_253 = vector.shape_cast %swap3A_252 : vector<1x16xf32> to vector<16xf32>
        %swap3A_254 = vector.shape_cast %exp3A_249 : vector<16xf32> to vector<1x16xf32>
        tpu.vector_store %arg15[%swap3A_250, %swap3A_251], %swap3A_254 {strides = array<i32>} : memref<80x128xf32, #tpu.memory_space<vmem>>, vector<1x16xf32>,
        %get3A_255 = arith.index_cast %scan3A_127 : i32 to index
        %get3A_256 = arith.constant 112 : index
        %get3A_257 = tpu.vector_load %arg12[%get3A_255, %get3A_256] {strides = array<i32>} : memref<80x128xf32, #tpu.memory_space<vmem>>, vector<1x16xf32>,
        %get3A_258 = vector.shape_cast %get3A_257 : vector<1x16xf32> to vector<16xf32>
        %get3A_259 = arith.index_cast %scan3A_127 : i32 to index
        %get3A_260 = arith.constant 112 : index
        %get3A_261 = tpu.vector_load %arg13[%get3A_259, %get3A_260] {strides = array<i32>} : memref<80x128xf32, #tpu.memory_space<vmem>>, vector<1x16xf32>,
        %get3A_262 = vector.shape_cast %get3A_261 : vector<1x16xf32> to vector<16xf32>
        %sub3A_263 = arith.subf %get3A_258, %get3A_262 : vector<16xf32>
        %abs3A_264 = math.absf %sub3A_263 : vector<16xf32>
        %neg3A_265 = arith.constant 0.000000e+00 : f32
        %neg3A_266 = vector.broadcast %neg3A_265 : f32 to vector<16xf32>
        %neg3A_267 = arith.subf %neg3A_266, %abs3A_264 : vector<16xf32>
        %exp3A_268 = math.exp %neg3A_267 : vector<16xf32>
        %swap3A_269 = arith.index_cast %scan3A_127 : i32 to index
        %swap3A_270 = arith.constant 112 : index
        %swap3A_271 = tpu.vector_load %arg15[%swap3A_269, %swap3A_270] {strides = array<i32>} : memref<80x128xf32, #tpu.memory_space<vmem>>, vector<1x16xf32>,
        %swap3A_272 = vector.shape_cast %swap3A_271 : vector<1x16xf32> to vector<16xf32>
        %swap3A_273 = vector.shape_cast %exp3A_268 : vector<16xf32> to vector<1x16xf32>
        tpu.vector_store %arg15[%swap3A_269, %swap3A_270], %swap3A_273 {strides = array<i32>} : memref<80x128xf32, #tpu.memory_space<vmem>>, vector<1x16xf32>,
      }
      %scan3A_118 = arith.constant 80 : i32
      %mul3A_119 = arith.constant 80 : i32
      %mul3A_120 = arith.muli %add3A_106, %mul3A_119 : i32
      %add3A_121 = arith.addi %mul3A_2, %mul3A_120 : i32
      %multiple_of3A_122 = tpu.assume_multiple %add3A_121, 8 : i32
      %dma_start3A_123 = arith.constant 0 : i32
      %dma_start3A_124 = tpu.memref_slice %arg5[%multiple_of3A_122, %dma_start3A_123] : memref<320000x128xf32, #tpu.memory_space<hbm>> -> memref<80x128xf32, #tpu.memory_space<hbm>>
      %dma_start3A_125 = arith.constant 0 : i32
      %dma_start3A_126 = tpu.memref_slice %arg5[%multiple_of3A_122, %dma_start3A_125] : memref<320000x128xf32, #tpu.memory_space<hbm>> -> memref<80x128xf32, #tpu.memory_space<hbm>>
      tpu.enqueue_dma source(%arg15 : memref<80x128xf32, #tpu.memory_space<vmem>>) target(%dma_start3A_126 : memref<80x128xf32, #tpu.memory_space<hbm>>) target_semaphore(%arg19 : memref<!tpu.dma_semaphore, #tpu.memory_space<semaphore_mem>>)
    }
    %scan3A_14 = arith.constant 62 : i32
    %dma_wait3A = arith.constant 0 : i32
    %dma_wait3A_15 = tpu.memref_slice %arg5[%mul3A_2, %dma_wait3A] : memref<320000x128xf32, #tpu.memory_space<hbm>> -> memref<80x128xf32, #tpu.memory_space<hbm>>
    %dma_wait3A_16 = arith.constant 0 : i32
    %dma_wait3A_17 = tpu.memref_slice %arg5[%mul3A_2, %dma_wait3A_16] : memref<320000x128xf32, #tpu.memory_space<hbm>> -> memref<80x128xf32, #tpu.memory_space<hbm>>
    tpu.wait_dma2 semaphore(%arg18 : memref<!tpu.dma_semaphore, #tpu.memory_space<semaphore_mem>>) src(%arg14 : memref<80x128xf32, #tpu.memory_space<vmem>>) dst(%dma_wait3A_17 : memref<80x128xf32, #tpu.memory_space<hbm>>)
    %dma_wait3A_18 = arith.constant 0 : i32
    %dma_wait3A_19 = arith.constant 0 : i32
    %dma_wait3A_20 = tpu.memref_slice %arg2[%dma_wait3A_18, %dma_wait3A_19] : memref<10000x128xf32, #tpu.memory_space<hbm>> -> memref<10000x128xf32, #tpu.memory_space<hbm>>
    tpu.wait_indirect_dma semaphore(%arg16 : memref<!tpu.dma_semaphore, #tpu.memory_space<semaphore_mem>>) src(%dma_wait3A_20 : memref<10000x128xf32, #tpu.memory_space<hbm>>) dst(%arg10 : memref<80x128xf32, #tpu.memory_space<vmem>>)
    %dma_wait3A_21 = arith.constant 0 : i32
    %dma_wait3A_22 = arith.constant 0 : i32
    %dma_wait3A_23 = tpu.memref_slice %arg2[%dma_wait3A_21, %dma_wait3A_22] : memref<10000x128xf32, #tpu.memory_space<hbm>> -> memref<10000x128xf32, #tpu.memory_space<hbm>>
    tpu.wait_indirect_dma semaphore(%arg16 : memref<!tpu.dma_semaphore, #tpu.memory_space<semaphore_mem>>) src(%dma_wait3A_23 : memref<10000x128xf32, #tpu.memory_space<hbm>>) dst(%arg11 : memref<80x128xf32, #tpu.memory_space<vmem>>)
    %scan3A_24 = arith.constant 0 : i32
    %scan3A_25 = arith.constant 0 : i32
    %scan3A_26 = arith.constant 80 : i32
    %scan3A_27 = arith.addi %scan3A_25, %scan3A_26 : i32
    %scan3A_28 = arith.constant 1 : i32
    scf.for %scan3A_45 = %scan3A_25 to %scan3A_27 step %scan3A_28  : i32 {
      %get3A = arith.index_cast %scan3A_45 : i32 to index
      %get3A_46 = arith.constant 0 : index
      %get3A_47 = tpu.vector_load %arg10[%get3A, %get3A_46] {strides = array<i32>} : memref<80x128xf32, #tpu.memory_space<vmem>>, vector<1x16xf32>,
      %get3A_48 = vector.shape_cast %get3A_47 : vector<1x16xf32> to vector<16xf32>
      %get3A_49 = arith.index_cast %scan3A_45 : i32 to index
      %get3A_50 = arith.constant 0 : index
      %get3A_51 = tpu.vector_load %arg11[%get3A_49, %get3A_50] {strides = array<i32>} : memref<80x128xf32, #tpu.memory_space<vmem>>, vector<1x16xf32>,
      %get3A_52 = vector.shape_cast %get3A_51 : vector<1x16xf32> to vector<16xf32>
      %sub3A = arith.subf %get3A_48, %get3A_52 : vector<16xf32>
      %abs3A = math.absf %sub3A : vector<16xf32>
      %neg3A = arith.constant 0.000000e+00 : f32
      %neg3A_53 = vector.broadcast %neg3A : f32 to vector<16xf32>
      %neg3A_54 = arith.subf %neg3A_53, %abs3A : vector<16xf32>
      %exp3A = math.exp %neg3A_54 : vector<16xf32>
      %swap3A = arith.index_cast %scan3A_45 : i32 to index
      %swap3A_55 = arith.constant 0 : index
      %swap3A_56 = tpu.vector_load %arg14[%swap3A, %swap3A_55] {strides = array<i32>} : memref<80x128xf32, #tpu.memory_space<vmem>>, vector<1x16xf32>,
      %swap3A_57 = vector.shape_cast %swap3A_56 : vector<1x16xf32> to vector<16xf32>
      %swap3A_58 = vector.shape_cast %exp3A : vector<16xf32> to vector<1x16xf32>
      tpu.vector_store %arg14[%swap3A, %swap3A_55], %swap3A_58 {strides = array<i32>} : memref<80x128xf32, #tpu.memory_space<vmem>>, vector<1x16xf32>,
      %get3A_59 = arith.index_cast %scan3A_45 : i32 to index
      %get3A_60 = arith.constant 16 : index
      %get3A_61 = tpu.vector_load %arg10[%get3A_59, %get3A_60] {strides = array<i32>} : memref<80x128xf32, #tpu.memory_space<vmem>>, vector<1x16xf32>,
      %get3A_62 = vector.shape_cast %get3A_61 : vector<1x16xf32> to vector<16xf32>
      %get3A_63 = arith.index_cast %scan3A_45 : i32 to index
      %get3A_64 = arith.constant 16 : index
      %get3A_65 = tpu.vector_load %arg11[%get3A_63, %get3A_64] {strides = array<i32>} : memref<80x128xf32, #tpu.memory_space<vmem>>, vector<1x16xf32>,
      %get3A_66 = vector.shape_cast %get3A_65 : vector<1x16xf32> to vector<16xf32>
      %sub3A_67 = arith.subf %get3A_62, %get3A_66 : vector<16xf32>
      %abs3A_68 = math.absf %sub3A_67 : vector<16xf32>
      %neg3A_69 = arith.constant 0.000000e+00 : f32
      %neg3A_70 = vector.broadcast %neg3A_69 : f32 to vector<16xf32>
      %neg3A_71 = arith.subf %neg3A_70, %abs3A_68 : vector<16xf32>
      %exp3A_72 = math.exp %neg3A_71 : vector<16xf32>
      %swap3A_73 = arith.index_cast %scan3A_45 : i32 to index
      %swap3A_74 = arith.constant 16 : index
      %swap3A_75 = tpu.vector_load %arg14[%swap3A_73, %swap3A_74] {strides = array<i32>} : memref<80x128xf32, #tpu.memory_space<vmem>>, vector<1x16xf32>,
      %swap3A_76 = vector.shape_cast %swap3A_75 : vector<1x16xf32> to vector<16xf32>
      %swap3A_77 = vector.shape_cast %exp3A_72 : vector<16xf32> to vector<1x16xf32>
      tpu.vector_store %arg14[%swap3A_73, %swap3A_74], %swap3A_77 {strides = array<i32>} : memref<80x128xf32, #tpu.memory_space<vmem>>, vector<1x16xf32>,
      %get3A_78 = arith.index_cast %scan3A_45 : i32 to index
      %get3A_79 = arith.constant 32 : index
      %get3A_80 = tpu.vector_load %arg10[%get3A_78, %get3A_79] {strides = array<i32>} : memref<80x128xf32, #tpu.memory_space<vmem>>, vector<1x16xf32>,
      %get3A_81 = vector.shape_cast %get3A_80 : vector<1x16xf32> to vector<16xf32>
      %get3A_82 = arith.index_cast %scan3A_45 : i32 to index
      %get3A_83 = arith.constant 32 : index
      %get3A_84 = tpu.vector_load %arg11[%get3A_82, %get3A_83] {strides = array<i32>} : memref<80x128xf32, #tpu.memory_space<vmem>>, vector<1x16xf32>,
      %get3A_85 = vector.shape_cast %get3A_84 : vector<1x16xf32> to vector<16xf32>
      %sub3A_86 = arith.subf %get3A_81, %get3A_85 : vector<16xf32>
      %abs3A_87 = math.absf %sub3A_86 : vector<16xf32>
      %neg3A_88 = arith.constant 0.000000e+00 : f32
      %neg3A_89 = vector.broadcast %neg3A_88 : f32 to vector<16xf32>
      %neg3A_90 = arith.subf %neg3A_89, %abs3A_87 : vector<16xf32>
      %exp3A_91 = math.exp %neg3A_90 : vector<16xf32>
      %swap3A_92 = arith.index_cast %scan3A_45 : i32 to index
      %swap3A_93 = arith.constant 32 : index
      %swap3A_94 = tpu.vector_load %arg14[%swap3A_92, %swap3A_93] {strides = array<i32>} : memref<80x128xf32, #tpu.memory_space<vmem>>, vector<1x16xf32>,
      %swap3A_95 = vector.shape_cast %swap3A_94 : vector<1x16xf32> to vector<16xf32>
      %swap3A_96 = vector.shape_cast %exp3A_91 : vector<16xf32> to vector<1x16xf32>
      tpu.vector_store %arg14[%swap3A_92, %swap3A_93], %swap3A_96 {strides = array<i32>} : memref<80x128xf32, #tpu.memory_space<vmem>>, vector<1x16xf32>,
      %get3A_97 = arith.index_cast %scan3A_45 : i32 to index
      %get3A_98 = arith.constant 48 : index
      %get3A_99 = tpu.vector_load %arg10[%get3A_97, %get3A_98] {strides = array<i32>} : memref<80x128xf32, #tpu.memory_space<vmem>>, vector<1x16xf32>,
      %get3A_100 = vector.shape_cast %get3A_99 : vector<1x16xf32> to vector<16xf32>
      %get3A_101 = arith.index_cast %scan3A_45 : i32 to index
      %get3A_102 = arith.constant 48 : index
      %get3A_103 = tpu.vector_load %arg11[%get3A_101, %get3A_102] {strides = array<i32>} : memref<80x128xf32, #tpu.memory_space<vmem>>, vector<1x16xf32>,
      %get3A_104 = vector.shape_cast %get3A_103 : vector<1x16xf32> to vector<16xf32>
      %sub3A_105 = arith.subf %get3A_100, %get3A_104 : vector<16xf32>
      %abs3A_106 = math.absf %sub3A_105 : vector<16xf32>
      %neg3A_107 = arith.constant 0.000000e+00 : f32
      %neg3A_108 = vector.broadcast %neg3A_107 : f32 to vector<16xf32>
      %neg3A_109 = arith.subf %neg3A_108, %abs3A_106 : vector<16xf32>
      %exp3A_110 = math.exp %neg3A_109 : vector<16xf32>
      %swap3A_111 = arith.index_cast %scan3A_45 : i32 to index
      %swap3A_112 = arith.constant 48 : index
      %swap3A_113 = tpu.vector_load %arg14[%swap3A_111, %swap3A_112] {strides = array<i32>} : memref<80x128xf32, #tpu.memory_space<vmem>>, vector<1x16xf32>,
      %swap3A_114 = vector.shape_cast %swap3A_113 : vector<1x16xf32> to vector<16xf32>
      %swap3A_115 = vector.shape_cast %exp3A_110 : vector<16xf32> to vector<1x16xf32>
      tpu.vector_store %arg14[%swap3A_111, %swap3A_112], %swap3A_115 {strides = array<i32>} : memref<80x128xf32, #tpu.memory_space<vmem>>, vector<1x16xf32>,
      %get3A_116 = arith.index_cast %scan3A_45 : i32 to index
      %get3A_117 = arith.constant 64 : index
      %get3A_118 = tpu.vector_load %arg10[%get3A_116, %get3A_117] {strides = array<i32>} : memref<80x128xf32, #tpu.memory_space<vmem>>, vector<1x16xf32>,
      %get3A_119 = vector.shape_cast %get3A_118 : vector<1x16xf32> to vector<16xf32>
      %get3A_120 = arith.index_cast %scan3A_45 : i32 to index
      %get3A_121 = arith.constant 64 : index
      %get3A_122 = tpu.vector_load %arg11[%get3A_120, %get3A_121] {strides = array<i32>} : memref<80x128xf32, #tpu.memory_space<vmem>>, vector<1x16xf32>,
      %get3A_123 = vector.shape_cast %get3A_122 : vector<1x16xf32> to vector<16xf32>
      %sub3A_124 = arith.subf %get3A_119, %get3A_123 : vector<16xf32>
      %abs3A_125 = math.absf %sub3A_124 : vector<16xf32>
      %neg3A_126 = arith.constant 0.000000e+00 : f32
      %neg3A_127 = vector.broadcast %neg3A_126 : f32 to vector<16xf32>
      %neg3A_128 = arith.subf %neg3A_127, %abs3A_125 : vector<16xf32>
      %exp3A_129 = math.exp %neg3A_128 : vector<16xf32>
      %swap3A_130 = arith.index_cast %scan3A_45 : i32 to index
      %swap3A_131 = arith.constant 64 : index
      %swap3A_132 = tpu.vector_load %arg14[%swap3A_130, %swap3A_131] {strides = array<i32>} : memref<80x128xf32, #tpu.memory_space<vmem>>, vector<1x16xf32>,
      %swap3A_133 = vector.shape_cast %swap3A_132 : vector<1x16xf32> to vector<16xf32>
      %swap3A_134 = vector.shape_cast %exp3A_129 : vector<16xf32> to vector<1x16xf32>
      tpu.vector_store %arg14[%swap3A_130, %swap3A_131], %swap3A_134 {strides = array<i32>} : memref<80x128xf32, #tpu.memory_space<vmem>>, vector<1x16xf32>,
      %get3A_135 = arith.index_cast %scan3A_45 : i32 to index
      %get3A_136 = arith.constant 80 : index
      %get3A_137 = tpu.vector_load %arg10[%get3A_135, %get3A_136] {strides = array<i32>} : memref<80x128xf32, #tpu.memory_space<vmem>>, vector<1x16xf32>,
      %get3A_138 = vector.shape_cast %get3A_137 : vector<1x16xf32> to vector<16xf32>
      %get3A_139 = arith.index_cast %scan3A_45 : i32 to index
      %get3A_140 = arith.constant 80 : index
      %get3A_141 = tpu.vector_load %arg11[%get3A_139, %get3A_140] {strides = array<i32>} : memref<80x128xf32, #tpu.memory_space<vmem>>, vector<1x16xf32>,
      %get3A_142 = vector.shape_cast %get3A_141 : vector<1x16xf32> to vector<16xf32>
      %sub3A_143 = arith.subf %get3A_138, %get3A_142 : vector<16xf32>
      %abs3A_144 = math.absf %sub3A_143 : vector<16xf32>
      %neg3A_145 = arith.constant 0.000000e+00 : f32
      %neg3A_146 = vector.broadcast %neg3A_145 : f32 to vector<16xf32>
      %neg3A_147 = arith.subf %neg3A_146, %abs3A_144 : vector<16xf32>
      %exp3A_148 = math.exp %neg3A_147 : vector<16xf32>
      %swap3A_149 = arith.index_cast %scan3A_45 : i32 to index
      %swap3A_150 = arith.constant 80 : index
      %swap3A_151 = tpu.vector_load %arg14[%swap3A_149, %swap3A_150] {strides = array<i32>} : memref<80x128xf32, #tpu.memory_space<vmem>>, vector<1x16xf32>,
      %swap3A_152 = vector.shape_cast %swap3A_151 : vector<1x16xf32> to vector<16xf32>
      %swap3A_153 = vector.shape_cast %exp3A_148 : vector<16xf32> to vector<1x16xf32>
      tpu.vector_store %arg14[%swap3A_149, %swap3A_150], %swap3A_153 {strides = array<i32>} : memref<80x128xf32, #tpu.memory_space<vmem>>, vector<1x16xf32>,
      %get3A_154 = arith.index_cast %scan3A_45 : i32 to index
      %get3A_155 = arith.constant 96 : index
      %get3A_156 = tpu.vector_load %arg10[%get3A_154, %get3A_155] {strides = array<i32>} : memref<80x128xf32, #tpu.memory_space<vmem>>, vector<1x16xf32>,
      %get3A_157 = vector.shape_cast %get3A_156 : vector<1x16xf32> to vector<16xf32>
      %get3A_158 = arith.index_cast %scan3A_45 : i32 to index
      %get3A_159 = arith.constant 96 : index
      %get3A_160 = tpu.vector_load %arg11[%get3A_158, %get3A_159] {strides = array<i32>} : memref<80x128xf32, #tpu.memory_space<vmem>>, vector<1x16xf32>,
      %get3A_161 = vector.shape_cast %get3A_160 : vector<1x16xf32> to vector<16xf32>
      %sub3A_162 = arith.subf %get3A_157, %get3A_161 : vector<16xf32>
      %abs3A_163 = math.absf %sub3A_162 : vector<16xf32>
      %neg3A_164 = arith.constant 0.000000e+00 : f32
      %neg3A_165 = vector.broadcast %neg3A_164 : f32 to vector<16xf32>
      %neg3A_166 = arith.subf %neg3A_165, %abs3A_163 : vector<16xf32>
      %exp3A_167 = math.exp %neg3A_166 : vector<16xf32>
      %swap3A_168 = arith.index_cast %scan3A_45 : i32 to index
      %swap3A_169 = arith.constant 96 : index
      %swap3A_170 = tpu.vector_load %arg14[%swap3A_168, %swap3A_169] {strides = array<i32>} : memref<80x128xf32, #tpu.memory_space<vmem>>, vector<1x16xf32>,
      %swap3A_171 = vector.shape_cast %swap3A_170 : vector<1x16xf32> to vector<16xf32>
      %swap3A_172 = vector.shape_cast %exp3A_167 : vector<16xf32> to vector<1x16xf32>
      tpu.vector_store %arg14[%swap3A_168, %swap3A_169], %swap3A_172 {strides = array<i32>} : memref<80x128xf32, #tpu.memory_space<vmem>>, vector<1x16xf32>,
      %get3A_173 = arith.index_cast %scan3A_45 : i32 to index
      %get3A_174 = arith.constant 112 : index
      %get3A_175 = tpu.vector_load %arg10[%get3A_173, %get3A_174] {strides = array<i32>} : memref<80x128xf32, #tpu.memory_space<vmem>>, vector<1x16xf32>,
      %get3A_176 = vector.shape_cast %get3A_175 : vector<1x16xf32> to vector<16xf32>
      %get3A_177 = arith.index_cast %scan3A_45 : i32 to index
      %get3A_178 = arith.constant 112 : index
      %get3A_179 = tpu.vector_load %arg11[%get3A_177, %get3A_178] {strides = array<i32>} : memref<80x128xf32, #tpu.memory_space<vmem>>, vector<1x16xf32>,
      %get3A_180 = vector.shape_cast %get3A_179 : vector<1x16xf32> to vector<16xf32>
      %sub3A_181 = arith.subf %get3A_176, %get3A_180 : vector<16xf32>
      %abs3A_182 = math.absf %sub3A_181 : vector<16xf32>
      %neg3A_183 = arith.constant 0.000000e+00 : f32
      %neg3A_184 = vector.broadcast %neg3A_183 : f32 to vector<16xf32>
      %neg3A_185 = arith.subf %neg3A_184, %abs3A_182 : vector<16xf32>
      %exp3A_186 = math.exp %neg3A_185 : vector<16xf32>
      %swap3A_187 = arith.index_cast %scan3A_45 : i32 to index
      %swap3A_188 = arith.constant 112 : index
      %swap3A_189 = tpu.vector_load %arg14[%swap3A_187, %swap3A_188] {strides = array<i32>} : memref<80x128xf32, #tpu.memory_space<vmem>>, vector<1x16xf32>,
      %swap3A_190 = vector.shape_cast %swap3A_189 : vector<1x16xf32> to vector<16xf32>
      %swap3A_191 = vector.shape_cast %exp3A_186 : vector<16xf32> to vector<1x16xf32>
      tpu.vector_store %arg14[%swap3A_187, %swap3A_188], %swap3A_191 {strides = array<i32>} : memref<80x128xf32, #tpu.memory_space<vmem>>, vector<1x16xf32>,
    }
    %scan3A_29 = arith.constant 80 : i32
    %add3A_30 = arith.constant 9920 : i32
    %add3A_31 = arith.addi %mul3A_2, %add3A_30 : i32
    %multiple_of3A_32 = tpu.assume_multiple %add3A_31, 8 : i32
    %dma_start3A_33 = arith.constant 0 : i32
    %dma_start3A_34 = tpu.memref_slice %arg5[%multiple_of3A_32, %dma_start3A_33] : memref<320000x128xf32, #tpu.memory_space<hbm>> -> memref<80x128xf32, #tpu.memory_space<hbm>>
    %dma_start3A_35 = arith.constant 0 : i32
    %dma_start3A_36 = tpu.memref_slice %arg5[%multiple_of3A_32, %dma_start3A_35] : memref<320000x128xf32, #tpu.memory_space<hbm>> -> memref<80x128xf32, #tpu.memory_space<hbm>>
    tpu.enqueue_dma source(%arg14 : memref<80x128xf32, #tpu.memory_space<vmem>>) target(%dma_start3A_36 : memref<80x128xf32, #tpu.memory_space<hbm>>) target_semaphore(%arg18 : memref<!tpu.dma_semaphore, #tpu.memory_space<semaphore_mem>>)
    %dma_wait3A_37 = arith.constant 0 : i32
    %dma_wait3A_38 = tpu.memref_slice %arg5[%mul3A_2, %dma_wait3A_37] : memref<320000x128xf32, #tpu.memory_space<hbm>> -> memref<80x128xf32, #tpu.memory_space<hbm>>
    %dma_wait3A_39 = arith.constant 0 : i32
    %dma_wait3A_40 = tpu.memref_slice %arg5[%mul3A_2, %dma_wait3A_39] : memref<320000x128xf32, #tpu.memory_space<hbm>> -> memref<80x128xf32, #tpu.memory_space<hbm>>
    tpu.wait_dma2 semaphore(%arg19 : memref<!tpu.dma_semaphore, #tpu.memory_space<semaphore_mem>>) src(%arg15 : memref<80x128xf32, #tpu.memory_space<vmem>>) dst(%dma_wait3A_40 : memref<80x128xf32, #tpu.memory_space<hbm>>)
    %dma_wait3A_41 = arith.constant 0 : i32
    %dma_wait3A_42 = tpu.memref_slice %arg5[%mul3A_2, %dma_wait3A_41] : memref<320000x128xf32, #tpu.memory_space<hbm>> -> memref<80x128xf32, #tpu.memory_space<hbm>>
    %dma_wait3A_43 = arith.constant 0 : i32
    %dma_wait3A_44 = tpu.memref_slice %arg5[%mul3A_2, %dma_wait3A_43] : memref<320000x128xf32, #tpu.memory_space<hbm>> -> memref<80x128xf32, #tpu.memory_space<hbm>>
    tpu.wait_dma2 semaphore(%arg18 : memref<!tpu.dma_semaphore, #tpu.memory_space<semaphore_mem>>) src(%arg14 : memref<80x128xf32, #tpu.memory_space<vmem>>) dst(%dma_wait3A_44 : memref<80x128xf32, #tpu.memory_space<hbm>>)
    return
  }
}

#map = affine_map<(d0, d1) -> (0)>
module attributes {stable_mosaic.version = 14 : i64} {
  func.func @_norm_body(%arg0: i32, %arg1: i32, %arg2: memref<320000xf32, #tpu.memory_space<hbm>>, %arg3: memref<320000xi32, #tpu.memory_space<hbm>>, %arg4: memref<20480xf32, #tpu.memory_space<hbm>>, %arg5: memref<320000xf32, #tpu.memory_space<hbm>>, %arg6: memref<80xi32, #tpu.memory_space<vmem>>, %arg7: memref<80xi32, #tpu.memory_space<vmem>>, %arg8: memref<80xf32, #tpu.memory_space<vmem>>, %arg9: memref<80xf32, #tpu.memory_space<vmem>>, %arg10: memref<80xf32, #tpu.memory_space<vmem>>, %arg11: memref<!tpu.dma_semaphore, #tpu.memory_space<semaphore_mem>>) attributes {dimension_semantics = [#tpu.dimension_semantics<core_parallel>, #tpu.dimension_semantics<subcore_parallel>], iteration_bounds = array<i64: 2, 16>, scalar_prefetch = 0 : i64, scratch_operands = 6 : i64, tpu.core_type = #tpu.core_type<sc_vector_subcore>, window_params = [{transform_indices = #map}, {transform_indices = #map}, {transform_indices = #map}, {transform_indices = #map}]} {
    %mul3A = arith.constant 2 : i32
    %mul3A_0 = arith.muli %arg1, %mul3A : i32
    %add3A = arith.addi %mul3A_0, %arg0 : i32
    %mul3A_1 = arith.constant 10000 : i32
    %mul3A_2 = arith.muli %add3A, %mul3A_1 : i32
    %scan3A = arith.constant 0 : i32
    %scan3A_3 = arith.constant 0 : i32
    %scan3A_4 = arith.constant 125 : i32
    %scan3A_5 = arith.addi %scan3A_3, %scan3A_4 : i32
    %scan3A_6 = arith.constant 1 : i32
    scf.for %scan3A_8 = %scan3A_3 to %scan3A_5 step %scan3A_6  : i32 {
      %mul3A_9 = arith.constant 80 : i32
      %mul3A_10 = arith.muli %scan3A_8, %mul3A_9 : i32
      %add3A_11 = arith.addi %mul3A_2, %mul3A_10 : i32
      "tpu.region"() ({
        %run_scoped3A = tpu.sem_alloc : memref<!tpu.dma_semaphore, #tpu.memory_space<semaphore_mem>>
        %dma_start3A_30 = tpu.memref_slice %arg2[%add3A_11] : memref<320000xf32, #tpu.memory_space<hbm>> -> memref<80xf32, #tpu.memory_space<hbm>>
        %dma_start3A_31 = tpu.memref_slice %arg2[%add3A_11] : memref<320000xf32, #tpu.memory_space<hbm>> -> memref<80xf32, #tpu.memory_space<hbm>>
        tpu.enqueue_dma source(%dma_start3A_31 : memref<80xf32, #tpu.memory_space<hbm>>) target(%arg8 : memref<80xf32, #tpu.memory_space<vmem>>) target_semaphore(%run_scoped3A : memref<!tpu.dma_semaphore, #tpu.memory_space<semaphore_mem>>)
        %dma_wait3A_32 = tpu.memref_slice %arg2[%add3A_11] : memref<320000xf32, #tpu.memory_space<hbm>> -> memref<80xf32, #tpu.memory_space<hbm>>
        %dma_wait3A_33 = tpu.memref_slice %arg2[%add3A_11] : memref<320000xf32, #tpu.memory_space<hbm>> -> memref<80xf32, #tpu.memory_space<hbm>>
        tpu.wait_dma2 semaphore(%run_scoped3A : memref<!tpu.dma_semaphore, #tpu.memory_space<semaphore_mem>>) src(%dma_wait3A_33 : memref<80xf32, #tpu.memory_space<hbm>>) dst(%arg8 : memref<80xf32, #tpu.memory_space<vmem>>)
        tpu.yield
      }) : () -> ()
      "tpu.region"() ({
        %run_scoped3A = tpu.sem_alloc : memref<!tpu.dma_semaphore, #tpu.memory_space<semaphore_mem>>
        %dma_start3A_30 = tpu.memref_slice %arg3[%add3A_11] : memref<320000xi32, #tpu.memory_space<hbm>> -> memref<80xi32, #tpu.memory_space<hbm>>
        %dma_start3A_31 = tpu.memref_slice %arg3[%add3A_11] : memref<320000xi32, #tpu.memory_space<hbm>> -> memref<80xi32, #tpu.memory_space<hbm>>
        tpu.enqueue_dma source(%dma_start3A_31 : memref<80xi32, #tpu.memory_space<hbm>>) target(%arg6 : memref<80xi32, #tpu.memory_space<vmem>>) target_semaphore(%run_scoped3A : memref<!tpu.dma_semaphore, #tpu.memory_space<semaphore_mem>>)
        %dma_wait3A_32 = tpu.memref_slice %arg3[%add3A_11] : memref<320000xi32, #tpu.memory_space<hbm>> -> memref<80xi32, #tpu.memory_space<hbm>>
        %dma_wait3A_33 = tpu.memref_slice %arg3[%add3A_11] : memref<320000xi32, #tpu.memory_space<hbm>> -> memref<80xi32, #tpu.memory_space<hbm>>
        tpu.wait_dma2 semaphore(%run_scoped3A : memref<!tpu.dma_semaphore, #tpu.memory_space<semaphore_mem>>) src(%dma_wait3A_33 : memref<80xi32, #tpu.memory_space<hbm>>) dst(%arg6 : memref<80xi32, #tpu.memory_space<vmem>>)
        tpu.yield
      }) : () -> ()
      %scan3A_12 = arith.constant 0 : i32
      %scan3A_13 = arith.constant 0 : i32
      %scan3A_14 = arith.constant 5 : i32
      %scan3A_15 = arith.addi %scan3A_13, %scan3A_14 : i32
      %scan3A_16 = arith.constant 1 : i32
      scf.for %scan3A_30 = %scan3A_13 to %scan3A_15 step %scan3A_16  : i32 {
        %mul3A_31 = arith.constant 16 : i32
        %mul3A_32 = arith.muli %scan3A_30, %mul3A_31 : i32
        %get3A = arith.index_cast %mul3A_32 : i32 to index
        %get3A_33 = tpu.vector_load %arg6[%get3A] {strides = array<i32>} : memref<80xi32, #tpu.memory_space<vmem>>, vector<16xi32>,
        %get3A_34 = vector.shape_cast %get3A_33 : vector<16xi32> to vector<16xi32>
        %add3A_35 = arith.constant 10240 : i32
        %add3A_36 = vector.broadcast %add3A_35 : i32 to vector<16xi32>
        %add3A_37 = arith.addi %get3A_34, %add3A_36 : vector<16xi32>
        %swap3A = arith.index_cast %mul3A_32 : i32 to index
        %swap3A_38 = tpu.vector_load %arg7[%swap3A] {strides = array<i32>} : memref<80xi32, #tpu.memory_space<vmem>>, vector<16xi32>,
        %swap3A_39 = vector.shape_cast %swap3A_38 : vector<16xi32> to vector<16xi32>
        %swap3A_40 = vector.shape_cast %add3A_37 : vector<16xi32> to vector<16xi32>
        tpu.vector_store %arg7[%swap3A], %swap3A_40 {strides = array<i32>} : memref<80xi32, #tpu.memory_space<vmem>>, vector<16xi32>,
      }
      %scan3A_17 = arith.constant 5 : i32
      %dma_start3A = arith.constant 0 : i32
      %dma_start3A_18 = tpu.memref_slice %arg4[%dma_start3A] : memref<20480xf32, #tpu.memory_space<hbm>> -> memref<20480xf32, #tpu.memory_space<hbm>>
      tpu.enqueue_indirect_dma source(%dma_start3A_18 : memref<20480xf32, #tpu.memory_space<hbm>>) target(%arg9 : memref<80xf32, #tpu.memory_space<vmem>>) offsets(%arg6 : memref<80xi32, #tpu.memory_space<vmem>>) semaphore(%arg11 : memref<!tpu.dma_semaphore, #tpu.memory_space<semaphore_mem>>)
      %dma_start3A_19 = arith.constant 0 : i32
      %dma_start3A_20 = tpu.memref_slice %arg4[%dma_start3A_19] : memref<20480xf32, #tpu.memory_space<hbm>> -> memref<20480xf32, #tpu.memory_space<hbm>>
      tpu.enqueue_indirect_dma source(%dma_start3A_20 : memref<20480xf32, #tpu.memory_space<hbm>>) target(%arg10 : memref<80xf32, #tpu.memory_space<vmem>>) offsets(%arg7 : memref<80xi32, #tpu.memory_space<vmem>>) semaphore(%arg11 : memref<!tpu.dma_semaphore, #tpu.memory_space<semaphore_mem>>)
      %dma_wait3A = arith.constant 0 : i32
      %dma_wait3A_21 = tpu.memref_slice %arg4[%dma_wait3A] : memref<20480xf32, #tpu.memory_space<hbm>> -> memref<20480xf32, #tpu.memory_space<hbm>>
      tpu.wait_indirect_dma semaphore(%arg11 : memref<!tpu.dma_semaphore, #tpu.memory_space<semaphore_mem>>) src(%dma_wait3A_21 : memref<20480xf32, #tpu.memory_space<hbm>>) dst(%arg9 : memref<80xf32, #tpu.memory_space<vmem>>)
      %dma_wait3A_22 = arith.constant 0 : i32
      %dma_wait3A_23 = tpu.memref_slice %arg4[%dma_wait3A_22] : memref<20480xf32, #tpu.memory_space<hbm>> -> memref<20480xf32, #tpu.memory_space<hbm>>
      tpu.wait_indirect_dma semaphore(%arg11 : memref<!tpu.dma_semaphore, #tpu.memory_space<semaphore_mem>>) src(%dma_wait3A_23 : memref<20480xf32, #tpu.memory_space<hbm>>) dst(%arg10 : memref<80xf32, #tpu.memory_space<vmem>>)
      %scan3A_24 = arith.constant 0 : i32
      %scan3A_25 = arith.constant 0 : i32
      %scan3A_26 = arith.constant 5 : i32
      %scan3A_27 = arith.addi %scan3A_25, %scan3A_26 : i32
      %scan3A_28 = arith.constant 1 : i32
      scf.for %scan3A_30 = %scan3A_25 to %scan3A_27 step %scan3A_28  : i32 {
        %mul3A_31 = arith.constant 16 : i32
        %mul3A_32 = arith.muli %scan3A_30, %mul3A_31 : i32
        %get3A = arith.index_cast %mul3A_32 : i32 to index
        %get3A_33 = tpu.vector_load %arg8[%get3A] {strides = array<i32>} : memref<80xf32, #tpu.memory_space<vmem>>, vector<16xf32>,
        %get3A_34 = vector.shape_cast %get3A_33 : vector<16xf32> to vector<16xf32>
        %get3A_35 = arith.index_cast %mul3A_32 : i32 to index
        %get3A_36 = tpu.vector_load %arg9[%get3A_35] {strides = array<i32>} : memref<80xf32, #tpu.memory_space<vmem>>, vector<16xf32>,
        %get3A_37 = vector.shape_cast %get3A_36 : vector<16xf32> to vector<16xf32>
        %get3A_38 = arith.index_cast %mul3A_32 : i32 to index
        %get3A_39 = tpu.vector_load %arg10[%get3A_38] {strides = array<i32>} : memref<80xf32, #tpu.memory_space<vmem>>, vector<16xf32>,
        %get3A_40 = vector.shape_cast %get3A_39 : vector<16xf32> to vector<16xf32>
        %add3A_41 = arith.addf %get3A_37, %get3A_40 : vector<16xf32>
        %div3A = arith.divf %get3A_34, %add3A_41 : vector<16xf32>
        %gt3A = arith.constant 0.00999999977 : f32
        %gt3A_42 = vector.broadcast %gt3A : f32 to vector<16xf32>
        %gt3A_43 = arith.cmpf ogt, %div3A, %gt3A_42 : vector<16xf32>
        %jit3A = arith.constant 0.000000e+00 : f32
        %broadcast_in_dim3A = vector.broadcast %jit3A : f32 to vector<16xf32>
        %select_n3A = arith.select %gt3A_43, %div3A, %broadcast_in_dim3A : vector<16xi1>, vector<16xf32>
        %swap3A = arith.index_cast %mul3A_32 : i32 to index
        %swap3A_44 = tpu.vector_load %arg8[%swap3A] {strides = array<i32>} : memref<80xf32, #tpu.memory_space<vmem>>, vector<16xf32>,
        %swap3A_45 = vector.shape_cast %swap3A_44 : vector<16xf32> to vector<16xf32>
        %swap3A_46 = vector.shape_cast %select_n3A : vector<16xf32> to vector<16xf32>
        tpu.vector_store %arg8[%swap3A], %swap3A_46 {strides = array<i32>} : memref<80xf32, #tpu.memory_space<vmem>>, vector<16xf32>,
      }
      %scan3A_29 = arith.constant 5 : i32
      "tpu.region"() ({
        %run_scoped3A = tpu.sem_alloc : memref<!tpu.dma_semaphore, #tpu.memory_space<semaphore_mem>>
        %dma_start3A_30 = tpu.memref_slice %arg5[%add3A_11] : memref<320000xf32, #tpu.memory_space<hbm>> -> memref<80xf32, #tpu.memory_space<hbm>>
        %dma_start3A_31 = tpu.memref_slice %arg5[%add3A_11] : memref<320000xf32, #tpu.memory_space<hbm>> -> memref<80xf32, #tpu.memory_space<hbm>>
        tpu.enqueue_dma source(%arg8 : memref<80xf32, #tpu.memory_space<vmem>>) target(%dma_start3A_31 : memref<80xf32, #tpu.memory_space<hbm>>) target_semaphore(%run_scoped3A : memref<!tpu.dma_semaphore, #tpu.memory_space<semaphore_mem>>)
        %dma_wait3A_32 = tpu.memref_slice %arg5[%add3A_11] : memref<320000xf32, #tpu.memory_space<hbm>> -> memref<80xf32, #tpu.memory_space<hbm>>
        %dma_wait3A_33 = tpu.memref_slice %arg5[%add3A_11] : memref<320000xf32, #tpu.memory_space<hbm>> -> memref<80xf32, #tpu.memory_space<hbm>>
        tpu.wait_dma2 semaphore(%run_scoped3A : memref<!tpu.dma_semaphore, #tpu.memory_space<semaphore_mem>>) src(%arg8 : memref<80xf32, #tpu.memory_space<vmem>>) dst(%dma_wait3A_33 : memref<80xf32, #tpu.memory_space<hbm>>)
        tpu.yield
      }) : () -> ()
    }
    %scan3A_7 = arith.constant 125 : i32
    return
  }
}

module attributes {stable_mosaic.version = 14 : i64} {
  func.func @_mlp_body(%arg0: i32, %arg1: memref<2000x128xf32, #tpu.memory_space<vmem>>, %arg2: memref<1x1x2000xi32, #tpu.memory_space<vmem>>, %arg3: memref<2000x1xf32, #tpu.memory_space<vmem>>, %arg4: memref<2000x1xf32, #tpu.memory_space<vmem>>, %arg5: memref<128x64xf32, #tpu.memory_space<vmem>>, %arg6: memref<16x64xf32, #tpu.memory_space<vmem>>, %arg7: memref<64x1xf32, #tpu.memory_space<vmem>>, %arg8: memref<1x1xf32, #tpu.memory_space<vmem>>, %arg9: memref<2000x1xf32, #tpu.memory_space<vmem>>, %arg10: memref<1x1xf32, #tpu.memory_space<vmem>>) attributes {dimension_semantics = [#tpu.dimension_semantics<arbitrary>], iteration_bounds = array<i64: 160>, scalar_prefetch = 0 : i64, scratch_operands = 0 : i64, tpu.core_type = #tpu.core_type<tc>, window_params = [{transform_indices = @transform_0, window_bounds = array<i64: 2000, 128>}, {transform_indices = @transform_1, window_bounds = array<i64: 1, 1, 2000>}, {transform_indices = @transform_2, window_bounds = array<i64: 2000, 1>}, {transform_indices = @transform_3, window_bounds = array<i64: 2000, 1>}, {pipeline_mode = #tpu.pipeline_mode<synchronous>, transform_indices = @transform_4, window_bounds = array<i64: 128, 64>}, {pipeline_mode = #tpu.pipeline_mode<synchronous>, transform_indices = @transform_5, window_bounds = array<i64: 16, 64>}, {pipeline_mode = #tpu.pipeline_mode<synchronous>, transform_indices = @transform_6, window_bounds = array<i64: 64, 1>}, {pipeline_mode = #tpu.pipeline_mode<synchronous>, transform_indices = @transform_7, window_bounds = array<i64: 1, 1>}, {transform_indices = @transform_8, window_bounds = array<i64: 2000, 1>}, {pipeline_mode = #tpu.pipeline_mode<synchronous>, transform_indices = @transform_9, window_bounds = array<i64: 1, 1>}]} {
    %get3A = arith.constant 0 : index
    %get3A_0 = arith.constant 0 : index
    %get3A_1 = vector.load %arg1[%get3A, %get3A_0] : memref<2000x128xf32, #tpu.memory_space<vmem>>, vector<2000x128xf32>
    %get3A_2 = arith.constant 0 : index
    %get3A_3 = arith.constant 0 : index
    %get3A_4 = arith.constant 0 : index
    %get3A_5 = vector.load %arg2[%get3A_2, %get3A_3, %get3A_4] : memref<1x1x2000xi32, #tpu.memory_space<vmem>>, vector<1x1x2000xi32>
    %get3A_6 = vector.shape_cast %get3A_5 : vector<1x1x2000xi32> to vector<2000xi32>
    %broadcast_in_dim3A = vector.shape_cast %get3A_6 : vector<2000xi32> to vector<2000x1xi32>
    %iota3A = tpu.iota {dimensions = array<i32: 1>} : vector<2000x16xi32>
    %eq3A = vector.broadcast %broadcast_in_dim3A : vector<2000x1xi32> to vector<2000x16xi32>
    %eq3A_7 = arith.cmpi eq, %eq3A, %iota3A : vector<2000x16xi32>
    %convert_element_type3A = arith.extui %eq3A_7 : vector<2000x16xi1> to vector<2000x16xi32>
    %convert_element_type3A_8 = arith.sitofp %convert_element_type3A : vector<2000x16xi32> to vector<2000x16xf32>
    %get3A_9 = arith.constant 0 : index
    %get3A_10 = arith.constant 0 : index
    %get3A_11 = vector.load %arg5[%get3A_9, %get3A_10] : memref<128x64xf32, #tpu.memory_space<vmem>>, vector<128x64xf32>
    %dot_general3A = arith.constant dense<0.000000e+00> : vector<2000x64xf32>
    %dot_general3A_12 = tpu.matmul %get3A_1, %get3A_11, %dot_general3A {dimension_numbers = #tpu.dot_dimension_numbers<[1], [0], [0], [1], [0, 0, 1, 1], [], []>, transpose_lhs_hint = false} : vector<2000x128xf32>, vector<128x64xf32>, vector<2000x64xf32> -> vector<2000x64xf32>
    %get3A_13 = arith.constant 0 : index
    %get3A_14 = arith.constant 0 : index
    %get3A_15 = vector.load %arg6[%get3A_13, %get3A_14] : memref<16x64xf32, #tpu.memory_space<vmem>>, vector<16x64xf32>
    %dot_general3A_16 = arith.constant dense<0.000000e+00> : vector<2000x64xf32>
    %dot_general3A_17 = tpu.matmul %convert_element_type3A_8, %get3A_15, %dot_general3A_16 {dimension_numbers = #tpu.dot_dimension_numbers<[1], [0], [0], [1], [0, 0, 1, 1], [], []>, transpose_lhs_hint = false} : vector<2000x16xf32>, vector<16x64xf32>, vector<2000x64xf32> -> vector<2000x64xf32>
    %add3A = arith.addf %dot_general3A_12, %dot_general3A_17 : vector<2000x64xf32>
    %gt3A = arith.constant 0.000000e+00 : f32
    %gt3A_18 = vector.broadcast %gt3A : f32 to vector<2000x64xf32>
    %gt3A_19 = arith.cmpf ogt, %add3A, %gt3A_18 : vector<2000x64xf32>
    %mul3A = arith.constant 0.00999999977 : f32
    %mul3A_20 = vector.broadcast %mul3A : f32 to vector<2000x64xf32>
    %mul3A_21 = arith.mulf %mul3A_20, %add3A : vector<2000x64xf32>
    %select_n3A = arith.select %gt3A_19, %add3A, %mul3A_21 : vector<2000x64xi1>, vector<2000x64xf32>
    %get3A_22 = arith.constant 0 : index
    %get3A_23 = arith.constant 0 : index
    %get3A_24 = vector.load %arg7[%get3A_22, %get3A_23] : memref<64x1xf32, #tpu.memory_space<vmem>>, vector<64x1xf32>
    %dot_general3A_25 = arith.constant dense<0.000000e+00> : vector<2000x1xf32>
    %dot_general3A_26 = tpu.matmul %select_n3A, %get3A_24, %dot_general3A_25 {dimension_numbers = #tpu.dot_dimension_numbers<[1], [0], [0], [1], [0, 0, 1, 1], [], []>, transpose_lhs_hint = false} : vector<2000x64xf32>, vector<64x1xf32>, vector<2000x1xf32> -> vector<2000x1xf32>
    %get3A_27 = arith.constant 0 : index
    %get3A_28 = arith.constant 0 : index
    %get3A_29 = vector.load %arg8[%get3A_27, %get3A_28] : memref<1x1xf32, #tpu.memory_space<vmem>>, vector<1x1xf32>
    %get3A_30 = vector.extract %get3A_29[0, 0] : f32 from vector<1x1xf32>
    %add3A_31 = vector.broadcast %get3A_30 : f32 to vector<2000x1xf32>
    %add3A_32 = arith.addf %dot_general3A_26, %add3A_31 : vector<2000x1xf32>
    %get3A_33 = arith.constant 0 : index
    %get3A_34 = arith.constant 0 : index
    %get3A_35 = vector.load %arg3[%get3A_33, %get3A_34] : memref<2000x1xf32, #tpu.memory_space<vmem>>, vector<2000x1xf32>
    %get3A_36 = arith.constant 0 : index
    %get3A_37 = arith.constant 0 : index
    %get3A_38 = vector.load %arg4[%get3A_36, %get3A_37] : memref<2000x1xf32, #tpu.memory_space<vmem>>, vector<2000x1xf32>
    %add3A_39 = arith.addf %get3A_35, %get3A_38 : vector<2000x1xf32>
    %min3A = arith.constant 1.000000e+00 : f32
    %min3A_40 = vector.broadcast %min3A : f32 to vector<2000x1xf32>
    %min3A_41 = arith.minimumf %add3A_39, %min3A_40 : vector<2000x1xf32>
    %mul3A_42 = arith.constant 5.000000e-01 : f32
    %mul3A_43 = vector.broadcast %mul3A_42 : f32 to vector<2000x1xf32>
    %mul3A_44 = arith.mulf %mul3A_43, %min3A_41 : vector<2000x1xf32>
    %sub3A = arith.constant 1.000000e+00 : f32
    %sub3A_45 = vector.broadcast %sub3A : f32 to vector<2000x1xf32>
    %sub3A_46 = arith.subf %sub3A_45, %mul3A_44 : vector<2000x1xf32>
    %mul3A_47 = arith.mulf %add3A_32, %sub3A_46 : vector<2000x1xf32>
    %mul3A_48 = arith.constant 5.000000e-01 : f32
    %mul3A_49 = vector.broadcast %mul3A_48 : f32 to vector<2000x1xf32>
    %mul3A_50 = arith.mulf %mul3A_49, %min3A_41 : vector<2000x1xf32>
    %add3A_51 = arith.addf %mul3A_47, %mul3A_50 : vector<2000x1xf32>
    %swap3A = arith.constant 0 : index
    %swap3A_52 = arith.constant 0 : index
    %swap3A_53 = vector.load %arg9[%swap3A, %swap3A_52] : memref<2000x1xf32, #tpu.memory_space<vmem>>, vector<2000x1xf32>
    tpu.vector_store %arg9[%swap3A, %swap3A_52], %add3A_51 {strides = array<i32>} : memref<2000x1xf32, #tpu.memory_space<vmem>>, vector<2000x1xf32>,
    %reduce_max3A = arith.constant dense<0xFF800000> : vector<1xf32>
    %reduce_max3A_54 = vector.multi_reduction <maximumf>, %add3A_51, %reduce_max3A [0] : vector<2000x1xf32> to vector<1xf32>
    %broadcast_in_dim3A_55 = vector.shape_cast %reduce_max3A_54 : vector<1xf32> to vector<1x1xf32>
    %eq3A_56 = arith.constant 0 : i32
    %eq3A_57 = arith.cmpi eq, %arg0, %eq3A_56 : i32
    %convert_element_type3A_58 = arith.extui %eq3A_57 : i1 to i32
    %cond3A = arith.constant 0 : i32
    %cond3A_59 = arith.cmpi ne, %convert_element_type3A_58, %cond3A : i32
    scf.if %cond3A_59 {
      %swap3A_64 = arith.constant 0 : index
      %swap3A_65 = arith.constant 0 : index
      %swap3A_66 = vector.load %arg10[%swap3A_64, %swap3A_65] : memref<1x1xf32, #tpu.memory_space<vmem>>, vector<1x1xf32>
      tpu.vector_store %arg10[%swap3A_64, %swap3A_65], %broadcast_in_dim3A_55 {strides = array<i32>} : memref<1x1xf32, #tpu.memory_space<vmem>>, vector<1x1xf32>,
    } else {
    }
    %ne3A = arith.constant 0 : i32
    %ne3A_60 = arith.cmpi ne, %arg0, %ne3A : i32
    %convert_element_type3A_61 = arith.extui %ne3A_60 : i1 to i32
    %cond3A_62 = arith.constant 0 : i32
    %cond3A_63 = arith.cmpi ne, %convert_element_type3A_61, %cond3A_62 : i32
    scf.if %cond3A_63 {
      %get3A_64 = arith.constant 0 : index
      %get3A_65 = arith.constant 0 : index
      %get3A_66 = vector.load %arg10[%get3A_64, %get3A_65] : memref<1x1xf32, #tpu.memory_space<vmem>>, vector<1x1xf32>
      %max3A = arith.maximumf %get3A_66, %broadcast_in_dim3A_55 : vector<1x1xf32>
      %swap3A_67 = arith.constant 0 : index
      %swap3A_68 = arith.constant 0 : index
      %swap3A_69 = vector.load %arg10[%swap3A_67, %swap3A_68] : memref<1x1xf32, #tpu.memory_space<vmem>>, vector<1x1xf32>
      tpu.vector_store %arg10[%swap3A_67, %swap3A_68], %max3A {strides = array<i32>} : memref<1x1xf32, #tpu.memory_space<vmem>>, vector<1x1xf32>,
    } else {
    }
    return
  }
  func.func @transform_0(%arg0: i32) -> (i32, i32) {
    %c0_i32 = arith.constant 0 : i32
    %c0_i32_0 = arith.constant 0 : i32
    return %arg0, %c0_i32 : i32, i32
  }
  func.func @transform_1(%arg0: i32) -> (i32, i32, i32) {
    %c0_i32 = arith.constant 0 : i32
    %c0_i32_0 = arith.constant 0 : i32
    %c0_i32_1 = arith.constant 0 : i32
    return %arg0, %c0_i32, %c0_i32_0 : i32, i32, i32
  }
  func.func @transform_2(%arg0: i32) -> (i32, i32) {
    %c0_i32 = arith.constant 0 : i32
    %c0_i32_0 = arith.constant 0 : i32
    return %arg0, %c0_i32 : i32, i32
  }
  func.func @transform_3(%arg0: i32) -> (i32, i32) {
    %c0_i32 = arith.constant 0 : i32
    %c0_i32_0 = arith.constant 0 : i32
    return %arg0, %c0_i32 : i32, i32
  }
  func.func @transform_4(%arg0: i32) -> (i32, i32) {
    %c0_i32 = arith.constant 0 : i32
    %c0_i32_0 = arith.constant 0 : i32
    %c0_i32_1 = arith.constant 0 : i32
    return %c0_i32, %c0_i32_0 : i32, i32
  }
  func.func @transform_5(%arg0: i32) -> (i32, i32) {
    %c0_i32 = arith.constant 0 : i32
    %c0_i32_0 = arith.constant 0 : i32
    %c0_i32_1 = arith.constant 0 : i32
    return %c0_i32, %c0_i32_0 : i32, i32
  }
  func.func @transform_6(%arg0: i32) -> (i32, i32) {
    %c0_i32 = arith.constant 0 : i32
    %c0_i32_0 = arith.constant 0 : i32
    %c0_i32_1 = arith.constant 0 : i32
    return %c0_i32, %c0_i32_0 : i32, i32
  }
  func.func @transform_7(%arg0: i32) -> (i32, i32) {
    %c0_i32 = arith.constant 0 : i32
    %c0_i32_0 = arith.constant 0 : i32
    %c0_i32_1 = arith.constant 0 : i32
    return %c0_i32, %c0_i32_0 : i32, i32
  }
  func.func @transform_8(%arg0: i32) -> (i32, i32) {
    %c0_i32 = arith.constant 0 : i32
    %c0_i32_0 = arith.constant 0 : i32
    return %arg0, %c0_i32 : i32, i32
  }
  func.func @transform_9(%arg0: i32) -> (i32, i32) {
    %c0_i32 = arith.constant 0 : i32
    %c0_i32_0 = arith.constant 0 : i32
    %c0_i32_1 = arith.constant 0 : i32
    return %c0_i32, %c0_i32_0 : i32, i32
  }
}

</mosaic_0001>

<sc_bundles>
// kernel: kernel.10.cloned.1.call-start
scs
__scs_entry_jumppad:
0x0: {  	(pc) =	sbr.rel $0x88, $3  }
0x1: {  	(tag) =	ssettag $0x0;
	lr =	simm.s32 $0x1  }
0x2: {  	[smem:$0x3F94] =	sst lr;
	_ =	strace $0xD0000000  }
0x3: {  	_ = 	snop  }
0x4: {  	_ = 	snop  }
0x5: {  	_ = 	snop  }
0x6: {  	_ = 	snop  }
0x7: {  	_ = 	snop  }
__scs_overlays_trampoline_lowered:
0x8: {  	[smem:$0x3FA3] =	sst s0  }
0x9: {  	[smem:$0x3FA4] =	sst s1  }
0xa: {  	[smem:$0x3FA5] =	sst s2  }
0xb: {  	[smem:$0x3FA6] =	sst s3  }
0xc: {  	[smem:$0x3FA7] =	sst s4  }
0xd: {  	[smem:$0x3FA8] =	sst s5  }
0xe: {  	[smem:$0x3FA9] =	sst s6  }
0xf: {  	[smem:$0x3FAA] =	sst s7  }
0x10: {  	[smem:$0x3FAB] =	sst s8  }
0x11: {  	[smem:$0x3FAC] =	sst s9;
	s0 =	simm.s32 @!p0 $0x0  }
0x12: {  	s1 =	sld [smem:$0x3F92];
	s0 =	simm.s32 @p0 $0x1  }
0x13: {  	[smem:$0x3FAD] =	sst s0;
	s0 =	simm.s32 @!p1 $0x0  }
0x14: {  	s2 =	sld [smem:$0x3F91];
	s0 =	simm.s32 @p1 $0x1  }
0x15: {  	[smem:$0x3FAE] =	sst s0;
	s0 =	simm.s32 @!p2 $0x0  }
0x16: {  	s3 =	sld [smem:$0x3FDB];
	s0 =	simm.s32 @p2 $0x1  }
0x17: {  	s4 =	simm.s32 $0x1BF5;
	[smem:$0x3FB0] =	sst s0  }
0x18: {  	s0 =	sld [smem:$0x3F93];
	_ =	swait.ge [sflag:s4], $0x0  }
0x19: {  	s7 =	sld [smem:$0x3F94]  }
0x1a: {  	s8 =	sadd.s32 $0xFFFFE003, lr  }
0x1b: {  	s9 =	sadd.s32 $0xFFFFFEF7, lr;
	s5 =	simm.s32 $0xFFFFFFFF;
	p2 =	slt.u32 s8, $0xFFFFF086  }
0x1c: {  	p1 =	slt.u32 s9, $0xF7A;
	s5 =	simm.s32 @!p2 $0x0  }
0x1d: {  	s5 =	simm.s32 @p1 $0x1;
	p0 =	seq.s32 s7, s2  }
0x1e: {  	s7 =	smul.u32 @!p0 $0xF7A, s2;
	p2 =	seq.s32 @!p0 s5, $0x0  }
0x1f: {  	s9 =	smul.u32 $0xF7A, s1;
	s8 =	simm.s32 @!p0 $0x1BF5;
	p2 =	por !p2, p0  }
0x20: {  	[sflag:s8] =	ssyncset.s32 @!p0 $0xFFFFF086;
	s6 =	sadd.s32 @!p0 s3, s7;
	s7 =	simm.s32 @!p0 $0x108  }
0x21: {  	s3 =	sadd.s32 s3, s9;
	s6 =	sadd.s32 @!p0 $0x88, s6;
	s7 =	simm.s32 @p2 $0x1082  }
0x22: {  	[simem:s7], [sflag:s8] =	dma.local @!p0 [hbm:s6], $0xF7A  }
0x23: {  	s9 =	sor.u32 $0xD0000000, s2;
	s6 =	simm.s32 $0x108;
	_ =	swait.ge @!p0 [sflag:s8], $0x0  }
0x24: {  	s3 =	sadd.s32 $0x88, s3;
	s6 =	simm.s32 @!p1 $0x1082;
	[sflag:s4] =	ssyncset.s32 $0xFFFFF086  }
0x25: {  	[simem:s6], [sflag:s4] =	dma.local [hbm:s3], $0xF7A  }
0x26: {  	[smem:$0x3F94] =	sst s1;
	(tag) =	ssettag s2;
	_ =	strace s9  }
0x27: {  	s1 =	sld [smem:$0x3FA4]  }
0x28: {  	s2 =	sld [smem:$0x3FA5]  }
0x29: {  	s4 =	sld [smem:$0x3FA7]  }
0x2a: {  	p0 =	seq.s32 s5, $0x0;
	s5 =	sld [smem:$0x3FA8]  }
0x2b: {  	s6 =	sld [smem:$0x3FA9]  }
0x2c: {  	s7 =	sld [smem:$0x3FAA]  }
0x2d: {  	s3 =	simm.s32 $0x108;
	s8 =	sld [smem:$0x3FAB]  }
0x2e: {  	s3 =	simm.s32 @!p0 $0x1082;
	s9 =	sld [smem:$0x3FAC]  }
0x2f: {  	lr =	sadd.s32 s0, s3;
	s0 =	sld [smem:$0x3FA3]  }
0x30: {  	s3 =	sld [smem:$0x3FA6]  }
0x31: {  	[smem:$0x3FAF] =	sst s10  }
0x32: {  	s10 =	sld [smem:$0x3FAD];
	_ =	sdelay $0x3  }
0x33: {  	p0 =	seq.s32 s10, $0x1;
	s10 =	sld [smem:$0x3FAF];
	_ =	sdelay $0x3  }
0x34: {  	[smem:$0x3FAF] =	sst s10  }
0x35: {  	s10 =	sld [smem:$0x3FAE];
	_ =	sdelay $0x3  }
0x36: {  	p1 =	seq.s32 s10, $0x1;
	s10 =	sld [smem:$0x3FAF];
	_ =	sdelay $0x3  }
0x37: {  	[smem:$0x3FAF] =	sst s10  }
0x38: {  	s10 =	sld [smem:$0x3FB0]  }
0x39: {  	_ = 	snop;
	(pc) =	sbr.ind lr, $3  }
0x3a: {  	_ = 	snop  }
0x3b: {  	_ = 	snop  }
0x3c: {  	p2 =	seq.s32 s10, $0x1;
	s10 =	sld [smem:$0x3FAF]  }
0x3d: {  	_ =	shalt  }
0x3e: {  	_ =	shalt  }
0x3f: {  	_ =	shalt  }
0x40: {  	_ =	shalt  }
0x41: {  	_ =	shalt  }
0x42: {  	_ =	shalt  }
0x43: {  	_ =	shalt  }
0x44: {  	_ =	shalt  }
0x45: {  	_ =	shalt  }
0x46: {  	_ =	shalt  }
0x47: {  	_ =	shalt  }
0x48: {  	_ =	shalt  }
0x49: {  	_ =	shalt  }
0x4a: {  	_ =	shalt  }
0x4b: {  	_ =	shalt  }
0x4c: {  	_ =	shalt  }
0x4d: {  	_ =	shalt  }
0x4e: {  	_ =	shalt  }
0x4f: {  	_ =	shalt  }
0x50: {  	_ =	shalt  }
0x51: {  	_ =	shalt  }
0x52: {  	_ =	shalt  }
0x53: {  	_ =	shalt  }
0x54: {  	_ =	shalt  }
0x55: {  	_ =	shalt  }
0x56: {  	_ =	shalt  }
0x57: {  	_ =	shalt  }
0x58: {  	_ =	shalt  }
0x59: {  	_ =	shalt  }
0x5a: {  	_ =	shalt  }
0x5b: {  	_ =	shalt  }
0x5c: {  	_ =	shalt  }
0x5d: {  	_ =	shalt  }
0x5e: {  	_ =	shalt  }
0x5f: {  	_ =	shalt  }
0x60: {  	_ =	shalt  }
0x61: {  	_ =	shalt  }
0x62: {  	_ =	shalt  }
0x63: {  	_ =	shalt  }
0x64: {  	_ =	shalt  }
0x65: {  	_ =	shalt  }
0x66: {  	_ =	shalt  }
0x67: {  	_ =	shalt  }
0x68: {  	_ =	shalt  }
0x69: {  	_ =	shalt  }
0x6a: {  	_ =	shalt  }
0x6b: {  	_ =	shalt  }
0x6c: {  	_ =	shalt  }
0x6d: {  	_ =	shalt  }
0x6e: {  	_ =	shalt  }
0x6f: {  	_ =	shalt  }
0x70: {  	_ =	shalt  }
0x71: {  	_ =	shalt  }
0x72: {  	_ =	shalt  }
0x73: {  	_ =	shalt  }
0x74: {  	_ =	shalt  }
0x75: {  	_ =	shalt  }
0x76: {  	_ =	shalt  }
0x77: {  	_ =	shalt  }
0x78: {  	_ =	shalt  }
0x79: {  	_ =	shalt  }
0x7a: {  	_ =	shalt  }
0x7b: {  	_ =	shalt  }
0x7c: {  	_ =	shalt  }
0x7d: {  	_ =	shalt  }
0x7e: {  	_ =	shalt  }
0x7f: {  	_ =	shalt  }
0x80: {  	_ =	shalt  }
0x81: {  	_ =	shalt  }
0x82: {  	_ =	shalt  }
0x83: {  	_ =	shalt  }
0x84: {  	_ =	shalt  }
0x85: {  	_ =	shalt  }
0x86: {  	_ =	shalt  }
0x87: {  	_ =	shalt  }
.Lfunc_end0:
.L_simem_size_0:
called_computation.1_lowered:
.L_overlay_start_0:
0x88: {  	s2 =	sld [smem:$0x3FD9]  }
0x89: {  	s3 =	sld [smem:$0x3FFE];
	_ =	sdelay $0x1  }
0x8a: {  	s1 =	srdreg.scid  }
0x8b: {  	s0 =	sand.u32 $0x1, s1  }
0x8c: {  	s17 =	sshll.u32 s0, $0xA;
	s2 =	sadd.s32 s3, s2  }
0x8d: {  	s2 =	sadd.s32 s2, s17  }
0x8e: {  	[smem:$0x3FBB] =	sst s2  }
0x8f: {  	_ = 	snop  }
0x90: {  	s18 =	sld [smem:$0x3FC9];
	(tm) =	ssettm $0x1  }
0x91: {  	s19 =	sld [smem:$0x3FFB];
	_ =	sdelay $0x3  }
0x92: {  	_ =	strace s19  }
0x93: {  	s2 =	sld [smem:$0x3FFC];
	_ =	sdelay $0x3  }
0x94: {  	_ =	strace s2  }
0x95: {  	s2 =	sld [smem:$0x3FFD];
	_ =	sdelay $0x3  }
0x96: {  	_ =	strace s2  }
0x97: {  	_ =	strace $0x8FFFFFFF  }
0x98: {  	s20 =	sld [smem:$0x3FDB];
	_ =	sdelay $0x1  }
0x99: {  	s4 =	simm.s32 $_scs_section_size  }
0x9a: {  	s5 =	simm.s32 $_size__tile_overlayer_lowered;
	s6 =	simm.s32 $_tile_overlayer_lowered  }
0x9b: {  	s7 =	simm.s32 $0x1BFF;
	s21 =	sshll.u32 s6, $0x1;
	s4 =	sadd.s32 s4, s20  }
0x9c: {  	s22 =	simm.s32 $0x0;
	s5 =	sshll.u32 s5, $0x1;
	s6 =	sadd.s32 s21, s4  }
0x9d: {  	[timem:s22], [sflag:s7] =	dma.local [hbm:s6], s5  }
0x9e: {  	_ =	swait.ge [sflag:s7], s5  }
0x9f: {  	s5 =	ssub.s32 $0x0, s5;
	[sflag:s7] =	ssyncset.done $0x0  }
0xa0: {  	[sflag:s7] =	ssyncadd.s32 s5;
	_ =	sdelay $0x1  }
0xa1: {  	s23 =	simm.s32 $0x1B8B  }
0xa2: {  	_ =	swait.ge [sflag:s23], $0x1  }
0xa3: {  	[sflag:s23] =	ssyncset.done $0x0  }
0xa4: {  	[sflag:s23] =	ssyncadd.s32 $0xFFFFFFFF  }
0xa5: {  	s5 =	sld [smem:$0x0]  }
0xa6: {  	s6 =	sand.u32 $0xFFFFFFFE, s1  }
0xa7: {  	p0 =	sne.s32 s1, s6  }
0xa8: {  	s6 =	sshll.u32 @p0 s6, $0xE  }
0xa9: {  	s6 =	sadd.s32 @p0 $0x11B8D, s6;
	s7 =	sshll.u32 @p0 s5, $0x11  }
0xaa: {  	s6 =	sor.u32 @p0 s7, s6  }
0xab: {  	[sflag:s6] =	ssyncadd.remote.s32 @p0 $0x1;
	_ =	sdelay $0x1  }
0xac: {  	s6 =	simm.s32 @p0 $0x1B8D  }
0xad: {  	_ =	swait.eq @p0 [sflag:s6], $0x1  }
0xae: {  	[sflag:s6] =	ssyncadd.s32 @p0 $0xFFFFFFFF  }
0xaf: {  	s7 =	sshll.u32 @!p0 s1, $0xE  }
0xb0: {  	s7 =	sor.u32 @!p0 $0x4000, s7;
	s6 =	simm.s32 @!p0 $0x1B8D  }
0xb1: {  	s5 =	sshll.u32 @!p0 s5, $0x11;
	s7 =	sadd.s32 @!p0 $0x11B8D, s7;
	_ =	swait.eq @!p0 [sflag:s6], $0x1  }
0xb2: {  	s5 =	sor.u32 @!p0 s5, s7;
	[sflag:s6] =	ssyncadd.s32 @!p0 $0xFFFFFFFF  }
0xb3: {  	s25 =	simm.s32 $0x1B8E;
	s24 =	sld [smem:$0x3FFE];
	[sflag:s5] =	ssyncadd.remote.s32 @!p0 $0x1  }
0xb4: {  	s26 =	simm.s32 $execute0_lowered;
	[smem:$0x3FD2] =	sst s25  }
0xb5: {  	s6 =	sshll.u32 s26, $0x1;
	_ =	strace $0x80000049;
	[dreg:$0x1] =	wrdreg $0xFFFFFFFF  }
0xb6: {  	s28 =	simm.s32 $_size_execute0_lowered;
	s4 =	sadd.s32 s4, s6;
	[dreg:$0x0] =	wrdreg $0x0  }
0xb7: {  	s6 =	sshll.u32 s28, $0x1;
	[dreg:$0x2] =	wrdreg s4  }
0xb8: {  	[dreg:$0x3] =	wrdreg s6  }
0xb9: {  	[dreg:$0x4] =	wrdreg $0xC0  }
0xba: {  	_ =	task [dreg:s22], $0x5FFFF  }
0xbb: {  	[dreg:$0x1] =	wrdreg $0xFFFFFFFF  }
0xbc: {  	[dreg:$0x0] =	wrdreg $0x60  }
0xbd: {  	[dreg:$0x2] =	wrdreg s18  }
0xbe: {  	[dreg:$0x3] =	wrdreg s24  }
0xbf: {  	[dreg:$0x4] =	wrdreg $0xA  }
0xc0: {  	_ =	task.clear_ibuf [dreg:s22], $0x5FFFF;
	_ =	strace $0x90000049  }
0xc1: {  	s29 =	simm.s32 $0xA;
	_ =	strace $0x8000004B  }
0xc2: {  	_ =	swait.ge [sflag:s29], $0x1  }
0xc3: {  	[sflag:s29] =	ssyncadd.s32 $0xFFFFFFFF  }
0xc4: {  	_ =	strace $0x9000004B  }
0xc5: {  	_ =	sfence  }
0xc6: {  	s30 =	sld [smem:$0x0];
	_ =	sdelay $0x2  }
0xc7: {  	s31 =	sshll.u32 s1, $0xD;
	s1 =	sshrl.u32 s1, $0x2  }
0xc8: {  	s4 =	sand.u32 $0x4000, s31;
	s1 =	sadd.s32 s1, s30  }
0xc9: {  	s0 =	sor.u32 s4, s0;
	s1 =	sshll.u32 s1, $0x11  }
0xca: {  	s0 =	sor.u32 s1, s0  }
0xcb: {  	s0 =	sadd.s32 $0x8F2B, s0  }
0xcc: {  	[sflag:s0] =	ssyncadd.remote.s32 $0x1  }
0xcd: {  	_ =	sfence.sel $0xFFFF  }
0xce: {  	[dreg:$0x0] =	wrdreg $0xFFFFFFFF;
	(pc) =	sbr.abs _section_cstart, $3  }
0xcf: {  	[dreg:$0x1] =	wrdreg $0xFFFFFFFF  }
0xd0: {  	_ =	task.clear_ibuf [dreg:s22], $0x2FFFF;
	_ =	strace $0x9FFFFFFF  }
0xd1: {  	(tm) =	ssettm $0x7FFFFFFF  }
tec
execute0_lowered:
.L_overlay_start_1:
0x0: {  	(tag) =	ssettag $0x1  }
0x1: {  	s1 =	rddreg [dreg:$0x0]  }
0x2: {  	s0 =	rddreg [dreg:$0x1]  }
0x3: {  	s3 =	simm.s32 $0x0;
	s2 =	srdreg.scid;
	s4 =	stileid.u32  }
0x4: {  	s14 =	simm.s32 $0x5;
	s15 =	simm.s32 $0x80;
	s16 =	simm.s32 $0x50  }
0x5: {  	s17 =	simm.s32 $0x200;
	s18 =	simm.s32 $0x2A00;
	s19 =	simm.s32 $0x100  }
0x6: {  	s20 =	simm.s32 $0x180;
	s21 =	simm.s32 $0x5200;
	s22 =	simm.s32 $0x7A00  }
0x7: {  	s23 =	simm.s32 $0x1;
	s28 =	simm.s32 $0x3;
	s29 =	simm.s32 $0x4  }
0x8: {  	s30 =	simm.s32 $0x0;
	s2 =	sand.u32 $0x1, s2;
	s4 =	sshll.u32 s4, $0x1  }
0x9: {  	[smem:$0x7FF] =	sst s3;
	s6 =	sadd.s32 $0x1FC00, s0;
	s7 =	sor.u32 s2, s4  }
0xa: {  	_ =	strace $0x8000004A;
	s2 =	ssub.s32 $0x2, s2;
	s5 =	smul.u32 $0x2710, s7  }
0xb: {  	s4 =	sadd.s32 $0x15E00, s0;
	s8 =	sshrl.u32 s2, $0x1;
	s9 =	smul.u32 $0x138800, s7  }
0xc: {  	s7 =	sadd.s32 $0x29A00, s0;
	s24 =	ssub.s32 s2, s8;
	s25 =	sshrl.u32 s5, $0x3  }
0xd: {  	s31 =	sshrl.u32 s9, $0x3;
	s10 =	sadd.s32 $0x50, s5;
	s0 =	smax.u32 s24, $0x1  }
0xe: {  	s11 =	sadd.s32 $0xA0, s5;
	s2 =	sadd.s32 s6, s25;
	[dreg:$0x6] =	wrdreg s0  }
0xf: {  	s26 =	sadd.s32 s4, s25;
	[dreg:$0x4] =	wrdreg s2;
	s2 =	sadd.s32 s7, s31  }
0x10: {  	s24 =	simm.s32 $0xA200;
	[dreg:$0x3] =	wrdreg s26;
	s2 =	sadd.s32 $0x26C00, s2  }
0x11: {  	s25 =	simm.s32 $0x2;
	s26 =	simm.s32 $0xCA00;
	[dreg:$0x5] =	wrdreg s2  }
.LBB2_1:
0x12: {  	s0 =	rddreg [dreg:$0x3]  }
0x13: {  	[tilespmem:s3], [sflag:$0x5] =	stream.linear.gather [hbm4b:s0+s3], $0x50, $0x38;
	[tilespmem:$0xF200] =	vst v63  }
0x14: {  	_ =	swait.ge [sflag:s14], $0x50  }
0x15: {  	[sflag:s14] =	ssyncset.done $0x0  }
0x16: {  	s13 =	rddreg [dreg:$0x4];
	[sflag:s14] =	ssyncadd.s32 $0xFFFFFFB0  }
0x17: {  	[tilespmem:s15], [sflag:$0x5] =	stream.linear.gather [hbm4b:s13+s3], $0x50, $0x38;
	[tilespmem:$0xF200] =	vst v63  }
0x18: {  	_ =	swait.ge [sflag:s14], $0x50  }
0x19: {  	[sflag:s14] =	ssyncset.done $0x0  }
0x1a: {  	[sflag:s14] =	ssyncadd.s32 $0xFFFFFFB0  }
0x1b: {  	[tilespmem:s17], [sflag:$0x1] =	stream.indirect.gather [hbm4b:s1+s16], $0x80, s3, s16, $0xb8;
	[tilespmem:$0xF200] =	vst v63  }
0x1c: {  	s31 =	simm.s32 $0x0  }
0x1d: {  	[tilespmem:s18], [sflag:$0x1] =	stream.indirect.gather [hbm4b:s1+s16], $0x80, s15, s16, $0xb8;
	[tilespmem:$0xF200] =	vst v63  }
.LBB2_2:
0x1e: {  	s2 =	smul.u32 $0xA0, s31;
	_ =	sdelay $0x1  }
0x1f: {  	s0 =	sadd.s32 s2, s10  }
0x20: {  	s8 =	sshrl.u32 s0, $0x3  }
0x21: {  	s9 =	sadd.s32 s4, s8  }
0x22: {  	[tilespmem:s19], [sflag:$0x5] =	stream.linear.gather [hbm4b:s9+s3], $0x50, $0x38;
	[tilespmem:$0xF200] =	vst v63  }
0x23: {  	_ =	swait.ge [sflag:s14], $0x50  }
0x24: {  	[sflag:s14] =	ssyncset.done $0x0  }
0x25: {  	s8 =	sadd.s32 s6, s8;
	[sflag:s14] =	ssyncadd.s32 $0xFFFFFFB0  }
0x26: {  	[tilespmem:s20], [sflag:$0x5] =	stream.linear.gather [hbm4b:s8+s3], $0x50, $0x38;
	[tilespmem:$0xF200] =	vst v63  }
0x27: {  	_ =	swait.ge [sflag:s14], $0x50  }
0x28: {  	[sflag:s14] =	ssyncset.done $0x0  }
0x29: {  	p0 =	seq.s32 s31, $0x0;
	[sflag:s14] =	ssyncadd.s32 $0xFFFFFFB0  }
0x2a: {  	[tilespmem:s21], [sflag:$0x2] =	stream.indirect.gather [hbm4b:s1+s16], $0x80, s19, s16, $0xb8;
	[tilespmem:$0xF200] =	vst v63  }
0x2b: {  	s8 =	simm.s32 @!p0 $0x3  }
0x2c: {  	[tilespmem:s22], [sflag:$0x2] =	stream.indirect.gather [hbm4b:s1+s16], $0x80, s20, s16, $0xb8;
	[tilespmem:$0xF200] =	vst v63  }
0x2d: {  	_ =	swait.ge @!p0 [sflag:s8], $0x2800  }
0x2e: {  	[sflag:s8] =	ssyncset.done @!p0 $0x0  }
0x2f: {  	[sflag:s8] =	ssyncadd.s32 @!p0 $0xFFFFD800  }
0x30: {  	_ =	swait.ge [sflag:s23], $0x2800  }
0x31: {  	[sflag:s23] =	ssyncset.done $0x0  }
0x32: {  	[sflag:s23] =	ssyncadd.s32 $0xFFFFD800  }
0x33: {  	_ =	swait.ge [sflag:s23], $0x2800  }
0x34: {  	[sflag:s23] =	ssyncset.done $0x0  }
0x35: {  	s9 =	simm.s32 $0x0;
	[sflag:s23] =	ssyncadd.s32 $0xFFFFD800  }
0x36: {  	v0 =	vld [tilespmem:s9+$0x270]  }
0x37: {  	v1 =	vld [tilespmem:s9+$0x2A70]  }
0x38: {  	v2 =	vld [tilespmem:s9+$0x200]  }
0x39: {  	v3 =	vld [tilespmem:s9+$0x2A00]  }
0x3a: {  	v4 =	vld [tilespmem:s9+$0x210]  }
0x3b: {  	v5 =	vld [tilespmem:s9+$0x2A10]  }
0x3c: {  	v6 =	vld [tilespmem:s9+$0x220];
	v0 =	vsub.f32 v0, v1  }
0x3d: {  	v7 =	vld [tilespmem:s9+$0x230]  }
0x3e: {  	v1 =	vld [tilespmem:s9+$0x2A20];
	v0 =	vand.u32 $0x7FFFFFFF, v0  }
0x3f: {  	v8 =	vld [tilespmem:s9+$0x2A30];
	v0 =	vsub.f32 $0.0e+00, v0  }
0x40: {  	v9 =	vld [tilespmem:s9+$0x2A40];
	v2 =	vsub.f32 v2, v3  }
0x41: {  	v10 =	vld [tilespmem:s9+$0x250];
	v0 =	vmul.f32 $1.442695020e+00, v0  }
0x42: {  	s8 =	simm.s32 $0x80;
	v11 =	vld [tilespmem:s9+$0x2A60];
	v4 =	vsub.f32 v4, v5;
	v2 =	vand.u32 $0x7FFFFFFF, v2  }
0x43: {  	v12 =	vld [tilespmem:s8+$0x200];
	v2 =	vsub.f32 $0.0e+00, v2;
	v1 =	vsub.f32 v6, v1;
	(erf) = vpow2.f32 v0  }
0x44: {  	v13 =	vld [tilespmem:s8+$0x220];
	v4 =	vand.u32 $0x7FFFFFFF, v4  }
0x45: {  	v3 =	vld [tilespmem:s9+$0x240];
	v4 =	vsub.f32 $0.0e+00, v4;
	v2 =	vmul.f32 $1.442695020e+00, v2;
	v1 =	vand.u32 $0x7FFFFFFF, v1  }
0x46: {  	v14 =	vld [tilespmem:s8+$0x2A20];
	v1 =	vsub.f32 $0.0e+00, v1  }
0x47: {  	v5 =	vld [tilespmem:s9+$0x2A50];
	v7 =	vsub.f32 v7, v8;
	v4 =	vmul.f32 $1.442695020e+00, v4;
	(erf) = vpow2.f32 v2  }
0x48: {  	v8 =	vld [tilespmem:s8+$0x2A00];
	v1 =	vmul.f32 $1.442695020e+00, v1  }
0x49: {  	v7 =	vand.u32 $0x7FFFFFFF, v7;
	v6 =	vld [tilespmem:s8+$0x270];
	(erf) = vpow2.f32 v4  }
0x4a: {  	v7 =	vsub.f32 $0.0e+00, v7;
	v3 =	vsub.f32 v3, v9;
	v0 =	vld [tilespmem:s9+$0x260]  }
0x4b: {  	v2 =	vld [tilespmem:s8+$0x2A70]  }
0x4c: {  	v9 =	vld [tilespmem:s8+$0x2A10];
	v7 =	vmul.f32 $1.442695020e+00, v7;
	v3 =	vand.u32 $0x7FFFFFFF, v3;
	(erf) = vpow2.f32 v1;
	v1 =	vpop (erf)  }
0x4d: {  	v3 =	vsub.f32 $0.0e+00, v3;
	v4 =	vld [tilespmem:s8+$0x210];
	[tilespmem:s9+$0xA270] =	vst v1;
	v1 =	vsub.f32 v10, v5;
	_ =	sdelay $0x1  }
0x4e: {  	v3 =	vmul.f32 $1.442695020e+00, v3;
	v0 =	vsub.f32 v0, v11;
	v1 =	vand.u32 $0x7FFFFFFF, v1  }
0x4f: {  	(erf) = vpow2.f32 v7;
	v2 =	vsub.f32 v6, v2;
	v7 =	vpop (erf);
	v5 =	vld [tilespmem:s8+$0x230];
	v1 =	vsub.f32 $0.0e+00, v1  }
0x50: {  	(erf) = vpow2.f32 v3;
	v0 =	vand.u32 $0x7FFFFFFF, v0;
	v3 =	vsub.f32 v12, v8;
	v10 =	vld [tilespmem:s8+$0x2A30];
	[tilespmem:s9+$0xA200] =	vst v7  }
0x51: {  	v6 =	vpop (erf);
	v7 =	vsub.f32 $0.0e+00, v0;
	v0 =	vand.u32 $0x7FFFFFFF, v2;
	v11 =	vld [tilespmem:s8+$0x240];
	v1 =	vmul.f32 $1.442695020e+00, v1  }
0x52: {  	v4 =	vsub.f32 v4, v9;
	v63 =	vld [tilespmem:s8+$0x2A40];
	[tilespmem:s9+$0xA210] =	vst v6;
	v6 =	vsub.f32 $0.0e+00, v0  }
0x53: {  	v7 =	vmul.f32 $1.442695020e+00, v7;
	(erf) = vpow2.f32 v1;
	v1 =	vand.u32 $0x7FFFFFFF, v3  }
0x54: {  	v8 =	vsub.f32 v13, v14;
	v0 =	vld [tilespmem:s8+$0x250];
	v3 =	vpop (erf);
	v9 =	vsub.f32 $0.0e+00, v1  }
0x55: {  	v2 =	vld [tilespmem:s8+$0x2A50];
	[tilespmem:s9+$0xA220] =	vst v3;
	v3 =	vmul.f32 $1.442695020e+00, v6;
	(erf) = vpow2.f32 v7  }
0x56: {  	v1 =	vand.u32 $0x7FFFFFFF, v4;
	v9 =	vmul.f32 $1.442695020e+00, v9  }
0x57: {  	v6 =	vsub.f32 $0.0e+00, v1;
	(erf) = vpow2.f32 v3  }
0x58: {  	v5 =	vsub.f32 v5, v10;
	v7 =	vand.u32 $0x7FFFFFFF, v8;
	v8 =	vpop (erf);
	v1 =	vld [tilespmem:s8+$0x260]  }
0x59: {  	s12 =	simm.s32 $0x100;
	v4 =	vld [tilespmem:s8+$0x2A60];
	v7 =	vsub.f32 $0.0e+00, v7;
	[tilespmem:s9+$0xA230] =	vst v8;
	v6 =	vmul.f32 $1.442695020e+00, v6;
	(erf) = vpow2.f32 v9  }
0x5a: {  	s13 =	simm.s32 $0x600;
	v8 =	vand.u32 $0x7FFFFFFF, v5;
	v5 =	vsub.f32 v11, v63;
	v3 =	vld [tilespmem:s12+$0x270];
	v9 =	vpop (erf)  }
.LBB2_3:
0x5b: {  	p1 =	sne.s32 s13, $0x9E00;
	v10 =	vld [tilespmem:s12+$0x2A70];
	v7 =	vmul.f32 $1.442695020e+00, v7;
	v8 =	vsub.f32 $0.0e+00, v8;
	(erf) = vpow2.f32 v6;
	[tilespmem:s9+$0xA240] =	vst v9  }
0x5c: {  	v6 =	vld [tilespmem:s12+$0x200];
	v5 =	vand.u32 $0x7FFFFFFF, v5;
	v0 =	vsub.f32 v0, v2;
	v2 =	vpop (erf)  }
0x5d: {  	v9 =	vld [tilespmem:s12+$0x2A00];
	v11 =	vmul.f32 $1.442695020e+00, v8;
	v5 =	vsub.f32 $0.0e+00, v5;
	(erf) = vpow2.f32 v7;
	[tilespmem:s9+$0xA250] =	vst v2  }
0x5e: {  	v2 =	vld [tilespmem:s12+$0x210];
	v0 =	vand.u32 $0x7FFFFFFF, v0;
	v1 =	vsub.f32 v1, v4;
	v4 =	vpop (erf)  }
0x5f: {  	v7 =	vld [tilespmem:s12+$0x2A10];
	v5 =	vmul.f32 $1.442695020e+00, v5;
	v0 =	vsub.f32 $0.0e+00, v0;
	(erf) = vpow2.f32 v11;
	[tilespmem:s9+$0xA260] =	vst v4;
	s9 =	smov.u32 s8;
	s8 =	smov.u32 s12  }
0x60: {  	v4 =	vld [tilespmem:s8+$0x220];
	v3 =	vsub.f32 v3, v10;
	v1 =	vand.u32 $0x7FFFFFFF, v1;
	v8 =	vpop (erf)  }
0x61: {  	v10 =	vld [tilespmem:s8+$0x2A20];
	v0 =	vmul.f32 $1.442695020e+00, v0;
	v1 =	vsub.f32 $0.0e+00, v1;
	[tilespmem:s9+$0xA270] =	vst v8;
	(erf) = vpow2.f32 v5  }
0x62: {  	v5 =	vsub.f32 v6, v9;
	v6 =	vld [tilespmem:s8+$0x230];
	v3 =	vand.u32 $0x7FFFFFFF, v3;
	v8 =	vpop (erf)  }
0x63: {  	v9 =	vld [tilespmem:s8+$0x2A30];
	v3 =	vsub.f32 $0.0e+00, v3;
	[tilespmem:s9+$0xA200] =	vst v8;
	v1 =	vmul.f32 $1.442695020e+00, v1;
	(erf) = vpow2.f32 v0  }
0x64: {  	v0 =	vand.u32 $0x7FFFFFFF, v5;
	v2 =	vsub.f32 v2, v7;
	v5 =	vld [tilespmem:s8+$0x240];
	v7 =	vpop (erf)  }
0x65: {  	v8 =	vsub.f32 $0.0e+00, v0;
	v11 =	vld [tilespmem:s8+$0x2A40];
	v3 =	vmul.f32 $1.442695020e+00, v3;
	[tilespmem:s9+$0xA210] =	vst v7;
	(erf) = vpow2.f32 v1  }
.Ltmp0:
0x66: {  	v1 =	vand.u32 $0x7FFFFFFF, v2;
	v4 =	vsub.f32 v4, v10;
	v0 =	vld [tilespmem:s8+$0x250];
	v7 =	vpop (erf);
	(pc) =	sbr.rel @p1 .LBB2_3-.Ltmp0, $4  }
0x67: {  	v8 =	vmul.f32 $1.442695020e+00, v8;
	v10 =	vsub.f32 $0.0e+00, v1;
	v2 =	vld [tilespmem:s8+$0x2A50];
	(erf) = vpow2.f32 v3;
	[tilespmem:s9+$0xA220] =	vst v7  }
0x68: {  	v3 =	vand.u32 $0x7FFFFFFF, v4;
	v13 =	vsub.f32 v6, v9;
	v1 =	vld [tilespmem:s8+$0x260];
	v12 =	vpop (erf)  }
0x69: {  	s12 =	sshra.s32 s13, $0x2;
	v6 =	vmul.f32 $1.442695020e+00, v10;
	v7 =	vsub.f32 $0.0e+00, v3;
	v4 =	vld [tilespmem:s8+$0x2A60];
	(erf) = vpow2.f32 v8;
	[tilespmem:s9+$0xA230] =	vst v12  }
0x6a: {  	s13 =	sadd.s32 $0x200, s13;
	v3 =	vld [tilespmem:s12+$0x270];
	v8 =	vand.u32 $0x7FFFFFFF, v13;
	v5 =	vsub.f32 v5, v11;
	v9 =	vpop (erf)  }
0x6b: {  	v10 =	vld [tilespmem:s12+$0x2A70];
	[tilespmem:s9+$0xA240] =	vst v9  }
0x6c: {  	v7 =	vmul.f32 $1.442695020e+00, v7;
	v9 =	vld [tilespmem:s12+$0x200];
	v11 =	vpop (erf)  }
0x6d: {  	v12 =	vld [tilespmem:s12+$0x2A00];
	[tilespmem:s9+$0xA250] =	vst v11  }
0x6e: {  	(erf) = vpow2.f32 v6;
	v11 =	vld [tilespmem:s12+$0x210];
	v6 =	vpop (erf)  }
0x6f: {  	v13 =	vld [tilespmem:s12+$0x2A10];
	[tilespmem:s9+$0xA260] =	vst v6  }
0x70: {  	(erf) = vpow2.f32 v7;
	v6 =	vld [tilespmem:s12+$0x220];
	v7 =	vpop (erf)  }
0x71: {  	v14 =	vld [tilespmem:s12+$0x2A20];
	[tilespmem:s8+$0xA270] =	vst v7;
	v7 =	vsub.f32 $0.0e+00, v8  }
0x72: {  	v0 =	vsub.f32 v0, v2;
	v2 =	vand.u32 $0x7FFFFFFF, v5  }
0x73: {  	v2 =	vsub.f32 $0.0e+00, v2;
	v5 =	vmul.f32 $1.442695020e+00, v7  }
0x74: {  	v1 =	vsub.f32 v1, v4;
	v0 =	vand.u32 $0x7FFFFFFF, v0;
	v3 =	vsub.f32 v3, v10  }
0x75: {  	v0 =	vsub.f32 $0.0e+00, v0;
	v8 =	vld [tilespmem:s12+$0x230];
	v15 =	vpop (erf)  }
0x76: {  	v2 =	vmul.f32 $1.442695020e+00, v2;
	v1 =	vand.u32 $0x7FFFFFFF, v1;
	v16 =	vld [tilespmem:s12+$0x2A30];
	v3 =	vand.u32 $0x7FFFFFFF, v3;
	[tilespmem:s8+$0xA200] =	vst v15  }
0x77: {  	v1 =	vsub.f32 $0.0e+00, v1;
	v0 =	vmul.f32 $1.442695020e+00, v0;
	v4 =	vld [tilespmem:s12+$0x240];
	(erf) = vpow2.f32 v5;
	v5 =	vpop (erf)  }
0x78: {  	v7 =	vld [tilespmem:s12+$0x2A40];
	(erf) = vpow2.f32 v2;
	v2 =	vsub.f32 $0.0e+00, v3;
	[tilespmem:s8+$0xA210] =	vst v5;
	v5 =	vsub.f32 v9, v12  }
0x79: {  	v1 =	vmul.f32 $1.442695020e+00, v1;
	v11 =	vsub.f32 v11, v13;
	v3 =	vpop (erf);
	v9 =	vld [tilespmem:s12+$0x250]  }
0x7a: {  	(erf) = vpow2.f32 v0;
	v2 =	vmul.f32 $1.442695020e+00, v2;
	v10 =	vld [tilespmem:s12+$0x2A50];
	[tilespmem:s8+$0xA220] =	vst v3;
	v5 =	vand.u32 $0x7FFFFFFF, v5  }
0x7b: {  	(erf) = vpow2.f32 v1;
	v3 =	vsub.f32 v6, v14;
	v6 =	vld [tilespmem:s12+$0x2A60];
	v0 =	vsub.f32 $0.0e+00, v5  }
0x7c: {  	(erf) = vpow2.f32 v2;
	v2 =	vsub.f32 v8, v16;
	v5 =	vld [tilespmem:s12+$0x260]  }
0x7d: {  	v1 =	vand.u32 $0x7FFFFFFF, v11;
	v3 =	vand.u32 $0x7FFFFFFF, v3;
	v0 =	vmul.f32 $1.442695020e+00, v0  }
0x7e: {  	v1 =	vsub.f32 $0.0e+00, v1;
	v3 =	vsub.f32 $0.0e+00, v3;
	v2 =	vand.u32 $0x7FFFFFFF, v2  }
0x7f: {  	v2 =	vsub.f32 $0.0e+00, v2;
	(erf) = vpow2.f32 v0;
	v0 =	vsub.f32 v4, v7  }
0x80: {  	v1 =	vmul.f32 $1.442695020e+00, v1;
	v3 =	vmul.f32 $1.442695020e+00, v3;
	v4 =	vsub.f32 v9, v10  }
0x81: {  	v2 =	vmul.f32 $1.442695020e+00, v2;
	v5 =	vsub.f32 v5, v6;
	v0 =	vand.u32 $0x7FFFFFFF, v0  }
0x82: {  	(erf) = vpow2.f32 v1;
	v1 =	vand.u32 $0x7FFFFFFF, v4;
	v0 =	vsub.f32 $0.0e+00, v0  }
0x83: {  	v1 =	vsub.f32 $0.0e+00, v1;
	v4 =	vand.u32 $0x7FFFFFFF, v5  }
0x84: {  	(erf) = vpow2.f32 v3;
	v3 =	vsub.f32 $0.0e+00, v4;
	v0 =	vmul.f32 $1.442695020e+00, v0  }
0x85: {  	(erf) = vpow2.f32 v2;
	v1 =	vmul.f32 $1.442695020e+00, v1  }
0x86: {  	v2 =	vpop (erf);
	(erf) = vpow2.f32 v0;
	v0 =	vmul.f32 $1.442695020e+00, v3;
	_ =	sdelay $0x1  }
0x87: {  	[tilespmem:s8+$0xA230] =	vst v2;
	v2 =	vpop (erf);
	(erf) = vpow2.f32 v1  }
0x88: {  	[tilespmem:s8+$0xA240] =	vst v2;
	v1 =	vpop (erf);
	(erf) = vpow2.f32 v0  }
0x89: {  	[tilespmem:s8+$0xA250] =	vst v1;
	v0 =	vpop (erf)  }
0x8a: {  	v1 =	vpop (erf);
	[tilespmem:s8+$0xA260] =	vst v0  }
0x8b: {  	v0 =	vpop (erf);
	[tilespmem:s12+$0xA270] =	vst v1  }
0x8c: {  	v1 =	vpop (erf);
	[tilespmem:s12+$0xA200] =	vst v0  }
0x8d: {  	[tilespmem:s12+$0xA210] =	vst v1;
	v0 =	vpop (erf)  }
0x8e: {  	[tilespmem:s12+$0xA220] =	vst v0;
	v0 =	vpop (erf)  }
0x8f: {  	[tilespmem:s12+$0xA230] =	vst v0;
	v0 =	vpop (erf)  }
0x90: {  	s9 =	sadd.s32 s5, s2;
	[tilespmem:s12+$0xA240] =	vst v0;
	v0 =	vpop (erf)  }
0x91: {  	s8 =	sshll.u32 s9, $0x4;
	[tilespmem:s12+$0xA250] =	vst v0;
	v0 =	vpop (erf)  }
0x92: {  	s8 =	sadd.s32 s7, s8;
	[tilespmem:s12+$0xA260] =	vst v0;
	s12 =	sadd.s32 s2, s11  }
0x93: {  	[hbm4b:s8+s3] =	stream.linear.scatter [tilespmem:s24], [sflag:$0x3], $0x2800, $0x38;
	[tilespmem:$0xF200] =	vst v63  }
0x94: {  	s2 =	sshrl.u32 s12, $0x3  }
0x95: {  	s13 =	sadd.s32 s4, s2  }
0x96: {  	[tilespmem:s3], [sflag:$0x5] =	stream.linear.gather [hbm4b:s13+s3], $0x50, $0x38;
	[tilespmem:$0xF200] =	vst v63  }
0x97: {  	_ =	swait.ge [sflag:s14], $0x50  }
0x98: {  	[sflag:s14] =	ssyncset.done $0x0  }
0x99: {  	s2 =	sadd.s32 s6, s2;
	[sflag:s14] =	ssyncadd.s32 $0xFFFFFFB0  }
0x9a: {  	[tilespmem:s15], [sflag:$0x5] =	stream.linear.gather [hbm4b:s2+s3], $0x50, $0x38;
	[tilespmem:$0xF200] =	vst v63  }
0x9b: {  	_ =	swait.ge [sflag:s14], $0x50  }
0x9c: {  	[sflag:s14] =	ssyncset.done $0x0  }
0x9d: {  	[sflag:s14] =	ssyncadd.s32 $0xFFFFFFB0  }
0x9e: {  	[tilespmem:s17], [sflag:$0x1] =	stream.indirect.gather [hbm4b:s1+s16], $0x80, s3, s16, $0xb8;
	[tilespmem:$0xF200] =	vst v63  }
0x9f: {  	s2 =	simm.s32 @!p0 $0x4  }
0xa0: {  	[tilespmem:s18], [sflag:$0x1] =	stream.indirect.gather [hbm4b:s1+s16], $0x80, s15, s16, $0xb8;
	[tilespmem:$0xF200] =	vst v63  }
0xa1: {  	_ =	swait.ge @!p0 [sflag:s2], $0x2800  }
0xa2: {  	[sflag:s2] =	ssyncset.done @!p0 $0x0  }
0xa3: {  	[sflag:s2] =	ssyncadd.s32 @!p0 $0xFFFFD800  }
0xa4: {  	_ =	swait.ge [sflag:s25], $0x2800  }
0xa5: {  	[sflag:s25] =	ssyncset.done $0x0  }
0xa6: {  	[sflag:s25] =	ssyncadd.s32 $0xFFFFD800  }
0xa7: {  	_ =	swait.ge [sflag:s25], $0x2800  }
0xa8: {  	[sflag:s25] =	ssyncset.done $0x0  }
0xa9: {  	s8 =	simm.s32 $0x0;
	[sflag:s25] =	ssyncadd.s32 $0xFFFFD800  }
0xaa: {  	v0 =	vld [tilespmem:s8+$0x5270]  }
0xab: {  	v1 =	vld [tilespmem:s8+$0x7A70]  }
0xac: {  	v2 =	vld [tilespmem:s8+$0x5200]  }
0xad: {  	v3 =	vld [tilespmem:s8+$0x7A00]  }
0xae: {  	v4 =	vld [tilespmem:s8+$0x5210]  }
0xaf: {  	v5 =	vld [tilespmem:s8+$0x7A10]  }
0xb0: {  	v6 =	vld [tilespmem:s8+$0x5220];
	v0 =	vsub.f32 v0, v1  }
0xb1: {  	v7 =	vld [tilespmem:s8+$0x5230]  }
0xb2: {  	v1 =	vld [tilespmem:s8+$0x7A20];
	v0 =	vand.u32 $0x7FFFFFFF, v0  }
0xb3: {  	v8 =	vld [tilespmem:s8+$0x7A30];
	v0 =	vsub.f32 $0.0e+00, v0  }
0xb4: {  	v9 =	vld [tilespmem:s8+$0x7A40]  }
0xb5: {  	v10 =	vld [tilespmem:s8+$0x5250];
	v2 =	vsub.f32 v2, v3;
	v0 =	vmul.f32 $1.442695020e+00, v0  }
0xb6: {  	s2 =	simm.s32 $0x80;
	v11 =	vld [tilespmem:s8+$0x7A60];
	v4 =	vsub.f32 v4, v5  }
0xb7: {  	v60 =	vld [tilespmem:s2+$0x5200];
	v2 =	vand.u32 $0x7FFFFFFF, v2;
	v1 =	vsub.f32 v6, v1;
	(erf) = vpow2.f32 v0  }
0xb8: {  	v61 =	vld [tilespmem:s2+$0x5220];
	v4 =	vand.u32 $0x7FFFFFFF, v4;
	v2 =	vsub.f32 $0.0e+00, v2  }
0xb9: {  	v3 =	vld [tilespmem:s8+$0x5240];
	v4 =	vsub.f32 $0.0e+00, v4;
	v1 =	vand.u32 $0x7FFFFFFF, v1  }
0xba: {  	v62 =	vld [tilespmem:s2+$0x7A20];
	v2 =	vmul.f32 $1.442695020e+00, v2;
	v1 =	vsub.f32 $0.0e+00, v1  }
0xbb: {  	v5 =	vld [tilespmem:s8+$0x7A50];
	v4 =	vmul.f32 $1.442695020e+00, v4  }
0xbc: {  	v7 =	vsub.f32 v7, v8;
	v8 =	vld [tilespmem:s2+$0x7A00];
	(erf) = vpow2.f32 v2;
	v1 =	vmul.f32 $1.442695020e+00, v1  }
0xbd: {  	v6 =	vld [tilespmem:s2+$0x5270]  }
0xbe: {  	v7 =	vand.u32 $0x7FFFFFFF, v7;
	v3 =	vsub.f32 v3, v9;
	v0 =	vld [tilespmem:s8+$0x5260];
	(erf) = vpow2.f32 v4  }
0xbf: {  	v7 =	vsub.f32 $0.0e+00, v7;
	v2 =	vld [tilespmem:s2+$0x7A70]  }
0xc0: {  	v9 =	vld [tilespmem:s2+$0x7A10];
	v3 =	vand.u32 $0x7FFFFFFF, v3;
	(erf) = vpow2.f32 v1;
	v1 =	vpop (erf)  }
0xc1: {  	v7 =	vmul.f32 $1.442695020e+00, v7;
	v3 =	vsub.f32 $0.0e+00, v3;
	v4 =	vld [tilespmem:s2+$0x5210];
	[tilespmem:s8+$0xCA70] =	vst v1;
	v1 =	vsub.f32 v10, v5;
	_ =	sdelay $0x1  }
0xc2: {  	v3 =	vmul.f32 $1.442695020e+00, v3;
	v0 =	vsub.f32 v0, v11;
	v1 =	vand.u32 $0x7FFFFFFF, v1  }
0xc3: {  	v2 =	vsub.f32 v6, v2;
	(erf) = vpow2.f32 v7;
	v1 =	vsub.f32 $0.0e+00, v1  }
0xc4: {  	v0 =	vand.u32 $0x7FFFFFFF, v0;
	v7 =	vpop (erf);
	(erf) = vpow2.f32 v3;
	v3 =	vsub.f32 v60, v8;
	v5 =	vld [tilespmem:s2+$0x5230]  }
0xc5: {  	v10 =	vld [tilespmem:s2+$0x7A30];
	[tilespmem:s8+$0xCA00] =	vst v7;
	v7 =	vsub.f32 $0.0e+00, v0;
	v0 =	vand.u32 $0x7FFFFFFF, v2;
	v1 =	vmul.f32 $1.442695020e+00, v1  }
0xc6: {  	v4 =	vsub.f32 v4, v9;
	v6 =	vpop (erf);
	v11 =	vld [tilespmem:s2+$0x5240];
	v2 =	vsub.f32 $0.0e+00, v0  }
0xc7: {  	v63 =	vld [tilespmem:s2+$0x7A40];
	[tilespmem:s8+$0xCA10] =	vst v6;
	v6 =	vmul.f32 $1.442695020e+00, v7;
	(erf) = vpow2.f32 v1;
	v1 =	vand.u32 $0x7FFFFFFF, v3  }
0xc8: {  	v8 =	vsub.f32 v61, v62;
	v9 =	vsub.f32 $0.0e+00, v1  }
0xc9: {  	v2 =	vmul.f32 $1.442695020e+00, v2;
	v7 =	vpop (erf);
	(erf) = vpow2.f32 v6  }
0xca: {  	v0 =	vld [tilespmem:s2+$0x5250];
	v1 =	vand.u32 $0x7FFFFFFF, v4;
	v9 =	vmul.f32 $1.442695020e+00, v9  }
0xcb: {  	v3 =	vld [tilespmem:s2+$0x7A50];
	[tilespmem:s8+$0xCA20] =	vst v7;
	v6 =	vsub.f32 $0.0e+00, v1;
	(erf) = vpow2.f32 v2  }
0xcc: {  	v5 =	vsub.f32 v5, v10;
	v7 =	vand.u32 $0x7FFFFFFF, v8;
	v8 =	vpop (erf);
	v4 =	vld [tilespmem:s2+$0x7A60]  }
0xcd: {  	s9 =	simm.s32 $0x100;
	v7 =	vsub.f32 $0.0e+00, v7;
	v1 =	vld [tilespmem:s2+$0x5260];
	[tilespmem:s8+$0xCA30] =	vst v8;
	v6 =	vmul.f32 $1.442695020e+00, v6;
	(erf) = vpow2.f32 v9  }
0xce: {  	s12 =	simm.s32 $0x600;
	v8 =	vand.u32 $0x7FFFFFFF, v5;
	v5 =	vsub.f32 v11, v63;
	v2 =	vld [tilespmem:s9+$0x5270];
	v9 =	vpop (erf)  }
.LBB2_5:
0xcf: {  	p0 =	sne.s32 s12, $0x9E00;
	v10 =	vld [tilespmem:s9+$0x7A70];
	v7 =	vmul.f32 $1.442695020e+00, v7;
	v8 =	vsub.f32 $0.0e+00, v8;
	(erf) = vpow2.f32 v6;
	[tilespmem:s8+$0xCA40] =	vst v9  }
0xd0: {  	v6 =	vld [tilespmem:s9+$0x5200];
	v5 =	vand.u32 $0x7FFFFFFF, v5;
	v0 =	vsub.f32 v0, v3;
	v3 =	vpop (erf)  }
0xd1: {  	v9 =	vld [tilespmem:s9+$0x7A00];
	v11 =	vmul.f32 $1.442695020e+00, v8;
	v5 =	vsub.f32 $0.0e+00, v5;
	(erf) = vpow2.f32 v7;
	[tilespmem:s8+$0xCA50] =	vst v3  }
0xd2: {  	v3 =	vld [tilespmem:s9+$0x5210];
	v0 =	vand.u32 $0x7FFFFFFF, v0;
	v1 =	vsub.f32 v1, v4;
	v4 =	vpop (erf)  }
0xd3: {  	v7 =	vld [tilespmem:s9+$0x7A10];
	v5 =	vmul.f32 $1.442695020e+00, v5;
	v0 =	vsub.f32 $0.0e+00, v0;
	(erf) = vpow2.f32 v11;
	[tilespmem:s8+$0xCA60] =	vst v4;
	s8 =	smov.u32 s2;
	s2 =	smov.u32 s9  }
0xd4: {  	v4 =	vld [tilespmem:s2+$0x5220];
	v2 =	vsub.f32 v2, v10;
	v1 =	vand.u32 $0x7FFFFFFF, v1;
	v8 =	vpop (erf)  }
0xd5: {  	v10 =	vld [tilespmem:s2+$0x7A20];
	v0 =	vmul.f32 $1.442695020e+00, v0;
	v1 =	vsub.f32 $0.0e+00, v1;
	[tilespmem:s8+$0xCA70] =	vst v8;
	(erf) = vpow2.f32 v5  }
0xd6: {  	v5 =	vsub.f32 v6, v9;
	v6 =	vld [tilespmem:s2+$0x5230];
	v2 =	vand.u32 $0x7FFFFFFF, v2;
	v8 =	vpop (erf)  }
0xd7: {  	v9 =	vld [tilespmem:s2+$0x7A30];
	v2 =	vsub.f32 $0.0e+00, v2;
	[tilespmem:s8+$0xCA00] =	vst v8;
	v1 =	vmul.f32 $1.442695020e+00, v1;
	(erf) = vpow2.f32 v0  }
0xd8: {  	v0 =	vand.u32 $0x7FFFFFFF, v5;
	v3 =	vsub.f32 v3, v7;
	v5 =	vld [tilespmem:s2+$0x5240];
	v7 =	vpop (erf)  }
0xd9: {  	v8 =	vsub.f32 $0.0e+00, v0;
	v11 =	vld [tilespmem:s2+$0x7A40];
	v2 =	vmul.f32 $1.442695020e+00, v2;
	[tilespmem:s8+$0xCA10] =	vst v7;
	(erf) = vpow2.f32 v1  }
.Ltmp1:
0xda: {  	v1 =	vand.u32 $0x7FFFFFFF, v3;
	v4 =	vsub.f32 v4, v10;
	v0 =	vld [tilespmem:s2+$0x5250];
	v7 =	vpop (erf);
	(pc) =	sbr.rel @p0 .LBB2_5-.Ltmp1, $4  }
0xdb: {  	v8 =	vmul.f32 $1.442695020e+00, v8;
	v10 =	vsub.f32 $0.0e+00, v1;
	v3 =	vld [tilespmem:s2+$0x7A50];
	(erf) = vpow2.f32 v2;
	[tilespmem:s8+$0xCA20] =	vst v7  }
0xdc: {  	v2 =	vand.u32 $0x7FFFFFFF, v4;
	v13 =	vsub.f32 v6, v9;
	v1 =	vld [tilespmem:s2+$0x5260];
	v12 =	vpop (erf)  }
0xdd: {  	s9 =	sshra.s32 s12, $0x2;
	v6 =	vmul.f32 $1.442695020e+00, v10;
	v7 =	vsub.f32 $0.0e+00, v2;
	v4 =	vld [tilespmem:s2+$0x7A60];
	(erf) = vpow2.f32 v8;
	[tilespmem:s8+$0xCA30] =	vst v12  }
0xde: {  	s12 =	sadd.s32 $0x200, s12;
	v2 =	vld [tilespmem:s9+$0x5270];
	v8 =	vand.u32 $0x7FFFFFFF, v13;
	v5 =	vsub.f32 v5, v11;
	v9 =	vpop (erf)  }
0xdf: {  	v10 =	vld [tilespmem:s9+$0x7A70];
	[tilespmem:s8+$0xCA40] =	vst v9;
	(erf) = vpow2.f32 v6;
	v7 =	vmul.f32 $1.442695020e+00, v7  }
0xe0: {  	v9 =	vld [tilespmem:s9+$0x5200];
	v11 =	vpop (erf)  }
0xe1: {  	v12 =	vld [tilespmem:s9+$0x7A00];
	[tilespmem:s8+$0xCA50] =	vst v11;
	(erf) = vpow2.f32 v7  }
0xe2: {  	v11 =	vld [tilespmem:s9+$0x5210];
	v27 =	vpop (erf)  }
0xe3: {  	v29 =	vsub.f32 $0.0e+00, v8;
	v13 =	vld [tilespmem:s9+$0x7A10];
	[tilespmem:s8+$0xCA60] =	vst v27  }
0xe4: {  	v0 =	vsub.f32 v0, v3;
	v6 =	vld [tilespmem:s9+$0x5220];
	v28 =	vpop (erf)  }
0xe5: {  	v5 =	vand.u32 $0x7FFFFFFF, v5;
	v7 =	vmul.f32 $1.442695020e+00, v29;
	v14 =	vld [tilespmem:s9+$0x7A20];
	[tilespmem:s2+$0xCA70] =	vst v28  }
0xe6: {  	v32 =	vsub.f32 $0.0e+00, v5;
	v0 =	vand.u32 $0x7FFFFFFF, v0;
	v1 =	vsub.f32 v1, v4;
	v30 =	vld [tilespmem:s9+$0x5230];
	v31 =	vpop (erf)  }
0xe7: {  	v0 =	vsub.f32 $0.0e+00, v0;
	(erf) = vpow2.f32 v7;
	v15 =	vld [tilespmem:s9+$0x7A30];
	[tilespmem:s2+$0xCA00] =	vst v31  }
0xe8: {  	v3 =	vmul.f32 $1.442695020e+00, v32;
	v2 =	vsub.f32 v2, v10;
	v1 =	vand.u32 $0x7FFFFFFF, v1;
	v33 =	vld [tilespmem:s9+$0x5240];
	v34 =	vpop (erf)  }
0xe9: {  	v0 =	vmul.f32 $1.442695020e+00, v0;
	v1 =	vsub.f32 $0.0e+00, v1;
	v36 =	vsub.f32 v9, v12;
	v35 =	vld [tilespmem:s9+$0x7A40];
	[tilespmem:s2+$0xCA10] =	vst v34  }
0xea: {  	(erf) = vpow2.f32 v3;
	v2 =	vand.u32 $0x7FFFFFFF, v2;
	v38 =	vsub.f32 v11, v13;
	v37 =	vld [tilespmem:s9+$0x5250];
	v39 =	vpop (erf)  }
0xeb: {  	v2 =	vsub.f32 $0.0e+00, v2;
	v1 =	vmul.f32 $1.442695020e+00, v1;
	v5 =	vand.u32 $0x7FFFFFFF, v36;
	v40 =	vld [tilespmem:s9+$0x7A50];
	[tilespmem:s2+$0xCA20] =	vst v39  }
0xec: {  	(erf) = vpow2.f32 v0;
	v41 =	vsub.f32 $0.0e+00, v5;
	v42 =	vsub.f32 v6, v14;
	v43 =	vld [tilespmem:s9+$0x5260]  }
0xed: {  	v2 =	vmul.f32 $1.442695020e+00, v2;
	(erf) = vpow2.f32 v1;
	v44 =	vand.u32 $0x7FFFFFFF, v38;
	v45 =	vld [tilespmem:s9+$0x7A60]  }
0xee: {  	v0 =	vmul.f32 $1.442695020e+00, v41;
	v1 =	vsub.f32 $0.0e+00, v44;
	v5 =	vand.u32 $0x7FFFFFFF, v42  }
0xef: {  	(erf) = vpow2.f32 v2;
	v46 =	vsub.f32 v30, v15;
	v5 =	vsub.f32 $0.0e+00, v5  }
0xf0: {  	v1 =	vmul.f32 $1.442695020e+00, v1;
	(erf) = vpow2.f32 v0;
	v47 =	vsub.f32 v33, v35  }
0xf1: {  	v2 =	vand.u32 $0x7FFFFFFF, v46;
	v48 =	vmul.f32 $1.442695020e+00, v5;
	v49 =	vsub.f32 v37, v40  }
0xf2: {  	v2 =	vsub.f32 $0.0e+00, v2;
	v0 =	vand.u32 $0x7FFFFFFF, v47;
	v3 =	vsub.f32 v43, v45  }
0xf3: {  	(erf) = vpow2.f32 v1;
	v0 =	vsub.f32 $0.0e+00, v0;
	v50 =	vand.u32 $0x7FFFFFFF, v49  }
0xf4: {  	v2 =	vmul.f32 $1.442695020e+00, v2;
	v1 =	vsub.f32 $0.0e+00, v50;
	v3 =	vand.u32 $0x7FFFFFFF, v3  }
0xf5: {  	(erf) = vpow2.f32 v48;
	v0 =	vmul.f32 $1.442695020e+00, v0;
	v3 =	vsub.f32 $0.0e+00, v3  }
0xf6: {  	(erf) = vpow2.f32 v2;
	v1 =	vmul.f32 $1.442695020e+00, v1  }
0xf7: {  	v51 =	vpop (erf);
	(erf) = vpow2.f32 v0;
	v52 =	vmul.f32 $1.442695020e+00, v3  }
0xf8: {  	[tilespmem:s2+$0xCA30] =	vst v51;
	v53 =	vpop (erf);
	(erf) = vpow2.f32 v1  }
0xf9: {  	[tilespmem:s2+$0xCA40] =	vst v53;
	v54 =	vpop (erf);
	(erf) = vpow2.f32 v52  }
0xfa: {  	[tilespmem:s2+$0xCA50] =	vst v54;
	v55 =	vpop (erf)  }
0xfb: {  	[tilespmem:s2+$0xCA60] =	vst v55;
	v56 =	vpop (erf)  }
0xfc: {  	v57 =	vpop (erf);
	[tilespmem:s9+$0xCA70] =	vst v56  }
0xfd: {  	[tilespmem:s9+$0xCA00] =	vst v57;
	v58 =	vpop (erf)  }
0xfe: {  	s31 =	sadd.s32 $0x1, s31;
	[tilespmem:s9+$0xCA10] =	vst v58;
	v59 =	vpop (erf)  }
0xff: {  	p0 =	sne.s32 s31, $0x3E;
	[tilespmem:s9+$0xCA20] =	vst v59;
	v60 =	vpop (erf)  }
.Ltmp2:
0x100: {  	[tilespmem:s9+$0xCA30] =	vst v60;
	v61 =	vpop (erf);
	(pc) =	sbr.rel @p0 .LBB2_2-.Ltmp2, $4  }
0x101: {  	[tilespmem:s9+$0xCA40] =	vst v61;
	v62 =	vpop (erf)  }
0x102: {  	s0 =	sshll.u32 s0, $0x4;
	[tilespmem:s9+$0xCA50] =	vst v62;
	v63 =	vpop (erf)  }
0x103: {  	s0 =	sadd.s32 s7, s0;
	[tilespmem:s9+$0xCA60] =	vst v63  }
0x104: {  	[hbm4b:s0+s3] =	stream.linear.scatter [tilespmem:s26], [sflag:$0x4], $0x2800, $0x38;
	[tilespmem:$0xF200] =	vst v63  }
0x105: {  	_ =	swait.ge [sflag:s28], $0x2800  }
0x106: {  	[sflag:s28] =	ssyncset.done $0x0  }
0x107: {  	[sflag:s28] =	ssyncadd.s32 $0xFFFFD800  }
0x108: {  	_ =	swait.ge [sflag:s23], $0x2800  }
0x109: {  	[sflag:s23] =	ssyncset.done $0x0  }
0x10a: {  	[sflag:s23] =	ssyncadd.s32 $0xFFFFD800  }
0x10b: {  	_ =	swait.ge [sflag:s23], $0x2800  }
0x10c: {  	[sflag:s23] =	ssyncset.done $0x0  }
0x10d: {  	s2 =	simm.s32 $0x0;
	[sflag:s23] =	ssyncadd.s32 $0xFFFFD800  }
0x10e: {  	v0 =	vld [tilespmem:s2+$0x270]  }
0x10f: {  	v1 =	vld [tilespmem:s2+$0x2A70]  }
0x110: {  	v2 =	vld [tilespmem:s2+$0x200]  }
0x111: {  	v3 =	vld [tilespmem:s2+$0x2A00]  }
0x112: {  	v4 =	vld [tilespmem:s2+$0x210]  }
0x113: {  	v5 =	vld [tilespmem:s2+$0x2A10]  }
0x114: {  	v6 =	vld [tilespmem:s2+$0x220];
	v0 =	vsub.f32 v0, v1  }
0x115: {  	v7 =	vld [tilespmem:s2+$0x230]  }
0x116: {  	v1 =	vld [tilespmem:s2+$0x2A20];
	v0 =	vand.u32 $0x7FFFFFFF, v0  }
0x117: {  	v8 =	vld [tilespmem:s2+$0x2A30];
	v0 =	vsub.f32 $0.0e+00, v0  }
0x118: {  	v9 =	vld [tilespmem:s2+$0x2A40]  }
0x119: {  	v10 =	vld [tilespmem:s2+$0x250];
	v2 =	vsub.f32 v2, v3;
	v0 =	vmul.f32 $1.442695020e+00, v0  }
0x11a: {  	s0 =	simm.s32 $0x80;
	v11 =	vld [tilespmem:s2+$0x2A60];
	v4 =	vsub.f32 v4, v5  }
0x11b: {  	v12 =	vld [tilespmem:s0+$0x200];
	v2 =	vand.u32 $0x7FFFFFFF, v2;
	v1 =	vsub.f32 v6, v1;
	(erf) = vpow2.f32 v0  }
0x11c: {  	v13 =	vld [tilespmem:s0+$0x220];
	v4 =	vand.u32 $0x7FFFFFFF, v4;
	v2 =	vsub.f32 $0.0e+00, v2  }
0x11d: {  	v3 =	vld [tilespmem:s2+$0x240];
	v4 =	vsub.f32 $0.0e+00, v4;
	v1 =	vand.u32 $0x7FFFFFFF, v1  }
0x11e: {  	v14 =	vld [tilespmem:s0+$0x2A20];
	v2 =	vmul.f32 $1.442695020e+00, v2;
	v1 =	vsub.f32 $0.0e+00, v1  }
0x11f: {  	v5 =	vld [tilespmem:s2+$0x2A50];
	v4 =	vmul.f32 $1.442695020e+00, v4  }
0x120: {  	v7 =	vsub.f32 v7, v8;
	v8 =	vld [tilespmem:s0+$0x2A00];
	(erf) = vpow2.f32 v2;
	v1 =	vmul.f32 $1.442695020e+00, v1  }
0x121: {  	v6 =	vld [tilespmem:s0+$0x270]  }
0x122: {  	v7 =	vand.u32 $0x7FFFFFFF, v7;
	v3 =	vsub.f32 v3, v9;
	v0 =	vld [tilespmem:s2+$0x260];
	(erf) = vpow2.f32 v4  }
0x123: {  	v7 =	vsub.f32 $0.0e+00, v7;
	v2 =	vld [tilespmem:s0+$0x2A70]  }
0x124: {  	v9 =	vld [tilespmem:s0+$0x2A10];
	v3 =	vand.u32 $0x7FFFFFFF, v3;
	(erf) = vpow2.f32 v1;
	v1 =	vpop (erf)  }
0x125: {  	v7 =	vmul.f32 $1.442695020e+00, v7;
	v3 =	vsub.f32 $0.0e+00, v3;
	v4 =	vld [tilespmem:s0+$0x210];
	[tilespmem:s2+$0xA270] =	vst v1;
	v1 =	vsub.f32 v10, v5;
	_ =	sdelay $0x1  }
0x126: {  	v3 =	vmul.f32 $1.442695020e+00, v3;
	v0 =	vsub.f32 v0, v11;
	v1 =	vand.u32 $0x7FFFFFFF, v1  }
0x127: {  	(erf) = vpow2.f32 v7;
	v2 =	vsub.f32 v6, v2;
	v1 =	vsub.f32 $0.0e+00, v1  }
0x128: {  	(erf) = vpow2.f32 v3;
	v0 =	vand.u32 $0x7FFFFFFF, v0;
	v3 =	vsub.f32 v12, v8;
	v7 =	vpop (erf);
	v5 =	vld [tilespmem:s0+$0x230]  }
0x129: {  	v10 =	vld [tilespmem:s0+$0x2A30];
	[tilespmem:s2+$0xA200] =	vst v7;
	v7 =	vsub.f32 $0.0e+00, v0;
	v0 =	vand.u32 $0x7FFFFFFF, v2;
	v1 =	vmul.f32 $1.442695020e+00, v1  }
0x12a: {  	v4 =	vsub.f32 v4, v9;
	v6 =	vpop (erf);
	v11 =	vld [tilespmem:s0+$0x240];
	v2 =	vsub.f32 $0.0e+00, v0  }
0x12b: {  	v63 =	vld [tilespmem:s0+$0x2A40];
	[tilespmem:s2+$0xA210] =	vst v6;
	v6 =	vmul.f32 $1.442695020e+00, v7;
	(erf) = vpow2.f32 v1;
	v1 =	vand.u32 $0x7FFFFFFF, v3  }
0x12c: {  	v8 =	vsub.f32 v13, v14;
	v9 =	vsub.f32 $0.0e+00, v1  }
0x12d: {  	v2 =	vmul.f32 $1.442695020e+00, v2;
	v7 =	vpop (erf);
	(erf) = vpow2.f32 v6  }
0x12e: {  	v0 =	vld [tilespmem:s0+$0x250];
	v1 =	vand.u32 $0x7FFFFFFF, v4;
	v9 =	vmul.f32 $1.442695020e+00, v9  }
0x12f: {  	v3 =	vld [tilespmem:s0+$0x2A50];
	[tilespmem:s2+$0xA220] =	vst v7;
	v6 =	vsub.f32 $0.0e+00, v1;
	(erf) = vpow2.f32 v2  }
0x130: {  	v5 =	vsub.f32 v5, v10;
	v7 =	vand.u32 $0x7FFFFFFF, v8;
	v8 =	vpop (erf);
	v4 =	vld [tilespmem:s0+$0x2A60]  }
0x131: {  	s8 =	simm.s32 $0x100;
	v7 =	vsub.f32 $0.0e+00, v7;
	v1 =	vld [tilespmem:s0+$0x260];
	[tilespmem:s2+$0xA230] =	vst v8;
	v6 =	vmul.f32 $1.442695020e+00, v6;
	(erf) = vpow2.f32 v9  }
0x132: {  	s9 =	simm.s32 $0x600;
	v8 =	vand.u32 $0x7FFFFFFF, v5;
	v5 =	vsub.f32 v11, v63;
	v2 =	vld [tilespmem:s8+$0x270];
	v9 =	vpop (erf)  }
.LBB2_8:
0x133: {  	p0 =	sne.s32 s9, $0x9E00;
	v10 =	vld [tilespmem:s8+$0x2A70];
	v7 =	vmul.f32 $1.442695020e+00, v7;
	v8 =	vsub.f32 $0.0e+00, v8;
	(erf) = vpow2.f32 v6;
	[tilespmem:s2+$0xA240] =	vst v9  }
0x134: {  	v6 =	vld [tilespmem:s8+$0x200];
	v5 =	vand.u32 $0x7FFFFFFF, v5;
	v0 =	vsub.f32 v0, v3;
	v3 =	vpop (erf)  }
0x135: {  	v9 =	vld [tilespmem:s8+$0x2A00];
	v11 =	vmul.f32 $1.442695020e+00, v8;
	v5 =	vsub.f32 $0.0e+00, v5;
	(erf) = vpow2.f32 v7;
	[tilespmem:s2+$0xA250] =	vst v3  }
0x136: {  	v3 =	vld [tilespmem:s8+$0x210];
	v0 =	vand.u32 $0x7FFFFFFF, v0;
	v1 =	vsub.f32 v1, v4;
	v4 =	vpop (erf)  }
0x137: {  	v7 =	vld [tilespmem:s8+$0x2A10];
	v5 =	vmul.f32 $1.442695020e+00, v5;
	v0 =	vsub.f32 $0.0e+00, v0;
	(erf) = vpow2.f32 v11;
	[tilespmem:s2+$0xA260] =	vst v4;
	s2 =	smov.u32 s0;
	s0 =	smov.u32 s8  }
0x138: {  	v4 =	vld [tilespmem:s0+$0x220];
	v2 =	vsub.f32 v2, v10;
	v1 =	vand.u32 $0x7FFFFFFF, v1;
	v8 =	vpop (erf)  }
0x139: {  	v10 =	vld [tilespmem:s0+$0x2A20];
	v0 =	vmul.f32 $1.442695020e+00, v0;
	v1 =	vsub.f32 $0.0e+00, v1;
	[tilespmem:s2+$0xA270] =	vst v8;
	(erf) = vpow2.f32 v5  }
0x13a: {  	v5 =	vsub.f32 v6, v9;
	v6 =	vld [tilespmem:s0+$0x230];
	v2 =	vand.u32 $0x7FFFFFFF, v2;
	v8 =	vpop (erf)  }
0x13b: {  	v9 =	vld [tilespmem:s0+$0x2A30];
	v2 =	vsub.f32 $0.0e+00, v2;
	[tilespmem:s2+$0xA200] =	vst v8;
	v1 =	vmul.f32 $1.442695020e+00, v1;
	(erf) = vpow2.f32 v0  }
0x13c: {  	v0 =	vand.u32 $0x7FFFFFFF, v5;
	v3 =	vsub.f32 v3, v7;
	v5 =	vld [tilespmem:s0+$0x240];
	v7 =	vpop (erf)  }
0x13d: {  	v8 =	vsub.f32 $0.0e+00, v0;
	v11 =	vld [tilespmem:s0+$0x2A40];
	v2 =	vmul.f32 $1.442695020e+00, v2;
	[tilespmem:s2+$0xA210] =	vst v7;
	(erf) = vpow2.f32 v1  }
.Ltmp3:
0x13e: {  	v1 =	vand.u32 $0x7FFFFFFF, v3;
	v4 =	vsub.f32 v4, v10;
	v0 =	vld [tilespmem:s0+$0x250];
	v7 =	vpop (erf);
	(pc) =	sbr.rel @p0 .LBB2_8-.Ltmp3, $4  }
0x13f: {  	v8 =	vmul.f32 $1.442695020e+00, v8;
	v10 =	vsub.f32 $0.0e+00, v1;
	v3 =	vld [tilespmem:s0+$0x2A50];
	(erf) = vpow2.f32 v2;
	[tilespmem:s2+$0xA220] =	vst v7  }
0x140: {  	v2 =	vand.u32 $0x7FFFFFFF, v4;
	v13 =	vsub.f32 v6, v9;
	v1 =	vld [tilespmem:s0+$0x260];
	v12 =	vpop (erf)  }
0x141: {  	s8 =	sshra.s32 s9, $0x2;
	v6 =	vmul.f32 $1.442695020e+00, v10;
	v7 =	vsub.f32 $0.0e+00, v2;
	v4 =	vld [tilespmem:s0+$0x2A60];
	(erf) = vpow2.f32 v8;
	[tilespmem:s2+$0xA230] =	vst v12  }
0x142: {  	s9 =	sadd.s32 $0x200, s9;
	v2 =	vld [tilespmem:s8+$0x270];
	v8 =	vand.u32 $0x7FFFFFFF, v13;
	v5 =	vsub.f32 v5, v11;
	v9 =	vpop (erf)  }
0x143: {  	v10 =	vld [tilespmem:s8+$0x2A70];
	[tilespmem:s2+$0xA240] =	vst v9;
	(erf) = vpow2.f32 v6;
	v7 =	vmul.f32 $1.442695020e+00, v7  }
0x144: {  	v9 =	vld [tilespmem:s8+$0x200];
	v11 =	vpop (erf)  }
0x145: {  	v12 =	vld [tilespmem:s8+$0x2A00];
	[tilespmem:s2+$0xA250] =	vst v11;
	(erf) = vpow2.f32 v7  }
0x146: {  	v11 =	vld [tilespmem:s8+$0x210];
	v27 =	vpop (erf)  }
0x147: {  	v29 =	vsub.f32 $0.0e+00, v8;
	v13 =	vld [tilespmem:s8+$0x2A10];
	[tilespmem:s2+$0xA260] =	vst v27  }
0x148: {  	v0 =	vsub.f32 v0, v3;
	v6 =	vld [tilespmem:s8+$0x220];
	v28 =	vpop (erf)  }
0x149: {  	v5 =	vand.u32 $0x7FFFFFFF, v5;
	v7 =	vmul.f32 $1.442695020e+00, v29;
	v14 =	vld [tilespmem:s8+$0x2A20];
	[tilespmem:s0+$0xA270] =	vst v28  }
0x14a: {  	v32 =	vsub.f32 $0.0e+00, v5;
	v0 =	vand.u32 $0x7FFFFFFF, v0;
	v1 =	vsub.f32 v1, v4;
	v30 =	vld [tilespmem:s8+$0x230];
	v31 =	vpop (erf)  }
0x14b: {  	v0 =	vsub.f32 $0.0e+00, v0;
	(erf) = vpow2.f32 v7;
	v15 =	vld [tilespmem:s8+$0x2A30];
	[tilespmem:s0+$0xA200] =	vst v31  }
0x14c: {  	v3 =	vmul.f32 $1.442695020e+00, v32;
	v2 =	vsub.f32 v2, v10;
	v1 =	vand.u32 $0x7FFFFFFF, v1;
	v33 =	vld [tilespmem:s8+$0x240];
	v34 =	vpop (erf)  }
0x14d: {  	v0 =	vmul.f32 $1.442695020e+00, v0;
	v1 =	vsub.f32 $0.0e+00, v1;
	v36 =	vsub.f32 v9, v12;
	v35 =	vld [tilespmem:s8+$0x2A40];
	[tilespmem:s0+$0xA210] =	vst v34  }
0x14e: {  	(erf) = vpow2.f32 v3;
	v2 =	vand.u32 $0x7FFFFFFF, v2;
	v38 =	vsub.f32 v11, v13;
	v37 =	vld [tilespmem:s8+$0x250];
	v39 =	vpop (erf)  }
0x14f: {  	v2 =	vsub.f32 $0.0e+00, v2;
	v1 =	vmul.f32 $1.442695020e+00, v1;
	v5 =	vand.u32 $0x7FFFFFFF, v36;
	v40 =	vld [tilespmem:s8+$0x2A50];
	[tilespmem:s0+$0xA220] =	vst v39  }
0x150: {  	(erf) = vpow2.f32 v0;
	v41 =	vsub.f32 $0.0e+00, v5;
	v42 =	vsub.f32 v6, v14;
	v43 =	vld [tilespmem:s8+$0x260]  }
0x151: {  	v2 =	vmul.f32 $1.442695020e+00, v2;
	(erf) = vpow2.f32 v1;
	v44 =	vand.u32 $0x7FFFFFFF, v38;
	v45 =	vld [tilespmem:s8+$0x2A60]  }
0x152: {  	v0 =	vmul.f32 $1.442695020e+00, v41;
	v1 =	vsub.f32 $0.0e+00, v44;
	v5 =	vand.u32 $0x7FFFFFFF, v42  }
0x153: {  	(erf) = vpow2.f32 v2;
	v46 =	vsub.f32 v30, v15;
	v5 =	vsub.f32 $0.0e+00, v5  }
0x154: {  	v1 =	vmul.f32 $1.442695020e+00, v1;
	(erf) = vpow2.f32 v0;
	v47 =	vsub.f32 v33, v35  }
0x155: {  	v2 =	vand.u32 $0x7FFFFFFF, v46;
	v48 =	vmul.f32 $1.442695020e+00, v5;
	v49 =	vsub.f32 v37, v40  }
0x156: {  	v2 =	vsub.f32 $0.0e+00, v2;
	v0 =	vand.u32 $0x7FFFFFFF, v47;
	v3 =	vsub.f32 v43, v45  }
0x157: {  	(erf) = vpow2.f32 v1;
	v0 =	vsub.f32 $0.0e+00, v0;
	v50 =	vand.u32 $0x7FFFFFFF, v49  }
0x158: {  	v2 =	vmul.f32 $1.442695020e+00, v2;
	v1 =	vsub.f32 $0.0e+00, v50;
	v3 =	vand.u32 $0x7FFFFFFF, v3  }
0x159: {  	(erf) = vpow2.f32 v48;
	v0 =	vmul.f32 $1.442695020e+00, v0;
	v3 =	vsub.f32 $0.0e+00, v3  }
0x15a: {  	(erf) = vpow2.f32 v2;
	v1 =	vmul.f32 $1.442695020e+00, v1  }
0x15b: {  	v51 =	vpop (erf);
	(erf) = vpow2.f32 v0;
	v52 =	vmul.f32 $1.442695020e+00, v3  }
0x15c: {  	[tilespmem:s0+$0xA230] =	vst v51;
	v53 =	vpop (erf);
	(erf) = vpow2.f32 v1  }
0x15d: {  	[tilespmem:s0+$0xA240] =	vst v53;
	v54 =	vpop (erf);
	(erf) = vpow2.f32 v52  }
0x15e: {  	[tilespmem:s0+$0xA250] =	vst v54;
	v55 =	vpop (erf)  }
0x15f: {  	[tilespmem:s0+$0xA260] =	vst v55;
	v56 =	vpop (erf)  }
0x160: {  	v57 =	vpop (erf);
	[tilespmem:s8+$0xA270] =	vst v56  }
0x161: {  	[tilespmem:s8+$0xA200] =	vst v57;
	v58 =	vpop (erf)  }
0x162: {  	[tilespmem:s8+$0xA210] =	vst v58;
	v59 =	vpop (erf)  }
0x163: {  	[tilespmem:s8+$0xA220] =	vst v59;
	v60 =	vpop (erf)  }
0x164: {  	[tilespmem:s8+$0xA230] =	vst v60;
	v61 =	vpop (erf)  }
0x165: {  	[tilespmem:s8+$0xA240] =	vst v61;
	v62 =	vpop (erf)  }
0x166: {  	[tilespmem:s8+$0xA250] =	vst v62;
	v63 =	vpop (erf)  }
0x167: {  	s13 =	rddreg [dreg:$0x5];
	[tilespmem:s8+$0xA260] =	vst v63  }
0x168: {  	[hbm4b:s13+s3] =	stream.linear.scatter [tilespmem:s24], [sflag:$0x3], $0x2800, $0x38;
	[tilespmem:$0xF200] =	vst v63  }
0x169: {  	_ =	swait.ge [sflag:s29], $0x2800  }
0x16a: {  	[sflag:s29] =	ssyncset.done $0x0  }
0x16b: {  	[sflag:s29] =	ssyncadd.s32 $0xFFFFD800  }
0x16c: {  	_ =	swait.ge [sflag:s28], $0x2800  }
0x16d: {  	s30 =	sadd.s32 $0x1, s30;
	s31 =	rddreg [dreg:$0x6]  }
0x16e: {  	p0 =	sne.s32 s30, s31  }
.Ltmp4:
0x16f: {  	_ = 	snop;
	(pc) =	sbr.rel @p0 .LBB2_1-.Ltmp4, $3  }
0x170: {  	_ =	sdelay $0x1  }
0x171: {  	[sflag:s28] =	ssyncset.done $0x0  }
0x172: {  	[sflag:s28] =	ssyncadd.s32 $0xFFFFD800  }
0x173: {  	_ =	sfence.sel $0x180000  }
0x174: {  	[bflag:$0x0] =	sbarrier.arrive $0xFFFF  }
0x175: {  	_ =	strace $0x9000004A  }
0x176: {  	s0 =	stileid.u32;
	[bflag:$0x2] =	sbarrier.arrive $0xFFFF  }
0x177: {  	p0 =	sne.s32 s0, $0x0;
	s0 =	rddreg [dreg:$0x2]  }
0x178: {  	s0 =	sadd.s32 @!p0 $0x100000, s0  }
0x179: {  	[sflag:s0] =	ssyncadd.tile.s32 @!p0 $0x1;
	_ =	shalt  }
.Lfunc_end2:
_tile_overlayer_lowered:
.L_overlay_start_2:
0x17a: {  	(tag) =	ssettag $0x2  }
0x17b: {  	s0 =	rddreg [dreg:$0x0];
	s2 =	stileid.u32  }
0x17c: {  	s1 =	rddreg [dreg:$0x1];
	p0 =	sne.s32 s2, $0x0  }
0x17d: {  	s3 =	rddreg [dreg:$0x2];
	[bflag:$0x3] =	sbarrier.arrive $0xFFFF;
	s2 =	simm.s32 @!p0 $0x1C05  }
0x17e: {  	[timem:s3], [sflag:s2] =	dma.local @!p0 [hbm:s0], s1  }
0x17f: {  	s0 =	simm.s32 @!p0 $0x5  }
0x180: {  	_ =	swait.ge @!p0 [sflag:s0], s1  }
0x181: {  	s1 =	ssub.s32 @!p0 $0x0, s1;
	[sflag:s0] =	ssyncset.done @!p0 $0x0  }
0x182: {  	[sflag:s0] =	ssyncadd.s32 @!p0 s1  }
0x183: {  	[bflag:$0x3] =	sbarrier.arrive $0xFFFF  }
0x184: {  	_ =	shalt  }

// kernel: kernel.13.cloned.1.call-start
scs
__scs_entry_jumppad:
0x0: {  	(pc) =	sbr.rel $0x88, $3  }
0x1: {  	(tag) =	ssettag $0x0;
	lr =	simm.s32 $0x1  }
0x2: {  	[smem:$0x3F94] =	sst lr;
	_ =	strace $0xD0000000  }
0x3: {  	_ = 	snop  }
0x4: {  	_ = 	snop  }
0x5: {  	_ = 	snop  }
0x6: {  	_ = 	snop  }
0x7: {  	_ = 	snop  }
__scs_overlays_trampoline_lowered:
0x8: {  	[smem:$0x3FA3] =	sst s0  }
0x9: {  	[smem:$0x3FA4] =	sst s1  }
0xa: {  	[smem:$0x3FA5] =	sst s2  }
0xb: {  	[smem:$0x3FA6] =	sst s3  }
0xc: {  	[smem:$0x3FA7] =	sst s4  }
0xd: {  	[smem:$0x3FA8] =	sst s5  }
0xe: {  	[smem:$0x3FA9] =	sst s6  }
0xf: {  	[smem:$0x3FAA] =	sst s7  }
0x10: {  	[smem:$0x3FAB] =	sst s8  }
0x11: {  	[smem:$0x3FAC] =	sst s9;
	s0 =	simm.s32 @!p0 $0x0  }
0x12: {  	s1 =	sld [smem:$0x3F92];
	s0 =	simm.s32 @p0 $0x1  }
0x13: {  	[smem:$0x3FAD] =	sst s0;
	s0 =	simm.s32 @!p1 $0x0  }
0x14: {  	s2 =	sld [smem:$0x3F91];
	s0 =	simm.s32 @p1 $0x1  }
0x15: {  	[smem:$0x3FAE] =	sst s0;
	s0 =	simm.s32 @!p2 $0x0  }
0x16: {  	s3 =	sld [smem:$0x3FDB];
	s0 =	simm.s32 @p2 $0x1  }
0x17: {  	s4 =	simm.s32 $0x1BF5;
	[smem:$0x3FB0] =	sst s0  }
0x18: {  	s0 =	sld [smem:$0x3F93];
	_ =	swait.ge [sflag:s4], $0x0  }
0x19: {  	s7 =	sld [smem:$0x3F94]  }
0x1a: {  	s8 =	sadd.s32 $0xFFFFE003, lr  }
0x1b: {  	s9 =	sadd.s32 $0xFFFFFEF7, lr;
	s5 =	simm.s32 $0xFFFFFFFF;
	p2 =	slt.u32 s8, $0xFFFFF086  }
0x1c: {  	p1 =	slt.u32 s9, $0xF7A;
	s5 =	simm.s32 @!p2 $0x0  }
0x1d: {  	s5 =	simm.s32 @p1 $0x1;
	p0 =	seq.s32 s7, s2  }
0x1e: {  	s7 =	smul.u32 @!p0 $0xF7A, s2;
	p2 =	seq.s32 @!p0 s5, $0x0  }
0x1f: {  	s9 =	smul.u32 $0xF7A, s1;
	s8 =	simm.s32 @!p0 $0x1BF5;
	p2 =	por !p2, p0  }
0x20: {  	[sflag:s8] =	ssyncset.s32 @!p0 $0xFFFFF086;
	s6 =	sadd.s32 @!p0 s3, s7;
	s7 =	simm.s32 @!p0 $0x108  }
0x21: {  	s3 =	sadd.s32 s3, s9;
	s6 =	sadd.s32 @!p0 $0x88, s6;
	s7 =	simm.s32 @p2 $0x1082  }
0x22: {  	[simem:s7], [sflag:s8] =	dma.local @!p0 [hbm:s6], $0xF7A  }
0x23: {  	s9 =	sor.u32 $0xD0000000, s2;
	s6 =	simm.s32 $0x108;
	_ =	swait.ge @!p0 [sflag:s8], $0x0  }
0x24: {  	s3 =	sadd.s32 $0x88, s3;
	s6 =	simm.s32 @!p1 $0x1082;
	[sflag:s4] =	ssyncset.s32 $0xFFFFF086  }
0x25: {  	[simem:s6], [sflag:s4] =	dma.local [hbm:s3], $0xF7A  }
0x26: {  	[smem:$0x3F94] =	sst s1;
	(tag) =	ssettag s2;
	_ =	strace s9  }
0x27: {  	s1 =	sld [smem:$0x3FA4]  }
0x28: {  	s2 =	sld [smem:$0x3FA5]  }
0x29: {  	s4 =	sld [smem:$0x3FA7]  }
0x2a: {  	p0 =	seq.s32 s5, $0x0;
	s5 =	sld [smem:$0x3FA8]  }
0x2b: {  	s6 =	sld [smem:$0x3FA9]  }
0x2c: {  	s7 =	sld [smem:$0x3FAA]  }
0x2d: {  	s3 =	simm.s32 $0x108;
	s8 =	sld [smem:$0x3FAB]  }
0x2e: {  	s3 =	simm.s32 @!p0 $0x1082;
	s9 =	sld [smem:$0x3FAC]  }
0x2f: {  	lr =	sadd.s32 s0, s3;
	s0 =	sld [smem:$0x3FA3]  }
0x30: {  	s3 =	sld [smem:$0x3FA6]  }
0x31: {  	[smem:$0x3FAF] =	sst s10  }
0x32: {  	s10 =	sld [smem:$0x3FAD];
	_ =	sdelay $0x3  }
0x33: {  	p0 =	seq.s32 s10, $0x1;
	s10 =	sld [smem:$0x3FAF];
	_ =	sdelay $0x3  }
0x34: {  	[smem:$0x3FAF] =	sst s10  }
0x35: {  	s10 =	sld [smem:$0x3FAE];
	_ =	sdelay $0x3  }
0x36: {  	p1 =	seq.s32 s10, $0x1;
	s10 =	sld [smem:$0x3FAF];
	_ =	sdelay $0x3  }
0x37: {  	[smem:$0x3FAF] =	sst s10  }
0x38: {  	s10 =	sld [smem:$0x3FB0]  }
0x39: {  	_ = 	snop;
	(pc) =	sbr.ind lr, $3  }
0x3a: {  	_ = 	snop  }
0x3b: {  	_ = 	snop  }
0x3c: {  	p2 =	seq.s32 s10, $0x1;
	s10 =	sld [smem:$0x3FAF]  }
0x3d: {  	_ =	shalt  }
0x3e: {  	_ =	shalt  }
0x3f: {  	_ =	shalt  }
0x40: {  	_ =	shalt  }
0x41: {  	_ =	shalt  }
0x42: {  	_ =	shalt  }
0x43: {  	_ =	shalt  }
0x44: {  	_ =	shalt  }
0x45: {  	_ =	shalt  }
0x46: {  	_ =	shalt  }
0x47: {  	_ =	shalt  }
0x48: {  	_ =	shalt  }
0x49: {  	_ =	shalt  }
0x4a: {  	_ =	shalt  }
0x4b: {  	_ =	shalt  }
0x4c: {  	_ =	shalt  }
0x4d: {  	_ =	shalt  }
0x4e: {  	_ =	shalt  }
0x4f: {  	_ =	shalt  }
0x50: {  	_ =	shalt  }
0x51: {  	_ =	shalt  }
0x52: {  	_ =	shalt  }
0x53: {  	_ =	shalt  }
0x54: {  	_ =	shalt  }
0x55: {  	_ =	shalt  }
0x56: {  	_ =	shalt  }
0x57: {  	_ =	shalt  }
0x58: {  	_ =	shalt  }
0x59: {  	_ =	shalt  }
0x5a: {  	_ =	shalt  }
0x5b: {  	_ =	shalt  }
0x5c: {  	_ =	shalt  }
0x5d: {  	_ =	shalt  }
0x5e: {  	_ =	shalt  }
0x5f: {  	_ =	shalt  }
0x60: {  	_ =	shalt  }
0x61: {  	_ =	shalt  }
0x62: {  	_ =	shalt  }
0x63: {  	_ =	shalt  }
0x64: {  	_ =	shalt  }
0x65: {  	_ =	shalt  }
0x66: {  	_ =	shalt  }
0x67: {  	_ =	shalt  }
0x68: {  	_ =	shalt  }
0x69: {  	_ =	shalt  }
0x6a: {  	_ =	shalt  }
0x6b: {  	_ =	shalt  }
0x6c: {  	_ =	shalt  }
0x6d: {  	_ =	shalt  }
0x6e: {  	_ =	shalt  }
0x6f: {  	_ =	shalt  }
0x70: {  	_ =	shalt  }
0x71: {  	_ =	shalt  }
0x72: {  	_ =	shalt  }
0x73: {  	_ =	shalt  }
0x74: {  	_ =	shalt  }
0x75: {  	_ =	shalt  }
0x76: {  	_ =	shalt  }
0x77: {  	_ =	shalt  }
0x78: {  	_ =	shalt  }
0x79: {  	_ =	shalt  }
0x7a: {  	_ =	shalt  }
0x7b: {  	_ =	shalt  }
0x7c: {  	_ =	shalt  }
0x7d: {  	_ =	shalt  }
0x7e: {  	_ =	shalt  }
0x7f: {  	_ =	shalt  }
0x80: {  	_ =	shalt  }
0x81: {  	_ =	shalt  }
0x82: {  	_ =	shalt  }
0x83: {  	_ =	shalt  }
0x84: {  	_ =	shalt  }
0x85: {  	_ =	shalt  }
0x86: {  	_ =	shalt  }
0x87: {  	_ =	shalt  }
.Lfunc_end0:
.L_simem_size_0:
called_computation.2_lowered:
.L_overlay_start_0:
0x88: {  	s2 =	sld [smem:$0x3FD9]  }
0x89: {  	s3 =	sld [smem:$0x3FFE];
	_ =	sdelay $0x1  }
0x8a: {  	s1 =	srdreg.scid  }
0x8b: {  	s0 =	sand.u32 $0x1, s1  }
0x8c: {  	s17 =	sshll.u32 s0, $0xA;
	s2 =	sadd.s32 s3, s2  }
0x8d: {  	s2 =	sadd.s32 s2, s17  }
0x8e: {  	[smem:$0x3FBB] =	sst s2  }
0x8f: {  	_ = 	snop  }
0x90: {  	s2 =	sld [smem:$0x3FD0];
	(tm) =	ssettm $0x1  }
0x91: {  	s18 =	sld [smem:$0x3FFB];
	_ =	sdelay $0x3  }
0x92: {  	_ =	strace s18  }
0x93: {  	s3 =	sld [smem:$0x3FFC];
	_ =	sdelay $0x3  }
0x94: {  	_ =	strace s3  }
0x95: {  	s3 =	sld [smem:$0x3FFD];
	_ =	sdelay $0x3  }
0x96: {  	_ =	strace s3  }
0x97: {  	_ =	strace $0x8FFFFFFF  }
0x98: {  	s19 =	sld [smem:$0x3FDB];
	_ =	sdelay $0x1  }
0x99: {  	s4 =	simm.s32 $_scs_section_size  }
0x9a: {  	s5 =	simm.s32 $_size__tile_overlayer_lowered;
	s6 =	simm.s32 $_tile_overlayer_lowered  }
0x9b: {  	s22 =	simm.s32 $0x1BFF;
	s21 =	sshll.u32 s6, $0x1;
	s3 =	sadd.s32 s4, s19  }
0x9c: {  	s7 =	simm.s32 $0x0;
	s20 =	sshll.u32 s5, $0x1;
	s5 =	sadd.s32 s21, s3  }
0x9d: {  	[timem:s7], [sflag:s22] =	dma.local [hbm:s5], s20  }
0x9e: {  	_ =	swait.ge [sflag:s22], s20  }
0x9f: {  	s4 =	ssub.s32 $0x0, s20;
	[sflag:s22] =	ssyncset.done $0x0  }
0xa0: {  	[sflag:s22] =	ssyncadd.s32 s4;
	_ =	sdelay $0x1  }
0xa1: {  	s23 =	simm.s32 $0x1B8B  }
0xa2: {  	_ =	swait.ge [sflag:s23], $0x1  }
0xa3: {  	[sflag:s23] =	ssyncset.done $0x0  }
0xa4: {  	s25 =	simm.s32 $0x1B8E;
	s24 =	sld [smem:$0x3FFE];
	[sflag:s23] =	ssyncadd.s32 $0xFFFFFFFF  }
0xa5: {  	s26 =	simm.s32 $execute0_lowered;
	[smem:$0x3FD2] =	sst s25  }
0xa6: {  	s5 =	sshll.u32 s26, $0x1;
	_ =	strace $0x8000004C;
	[dreg:$0x1] =	wrdreg $0xFFFFFFFF  }
0xa7: {  	s28 =	simm.s32 $_size_execute0_lowered;
	s3 =	sadd.s32 s3, s5;
	[dreg:$0x0] =	wrdreg $0x0  }
0xa8: {  	s5 =	sshll.u32 s28, $0x1;
	[dreg:$0x2] =	wrdreg s3  }
0xa9: {  	[dreg:$0x3] =	wrdreg s5  }
0xaa: {  	[dreg:$0x4] =	wrdreg $0xC0  }
0xab: {  	_ =	task [dreg:s7], $0x5FFFF  }
0xac: {  	[dreg:$0x1] =	wrdreg $0xFFFFFFFF  }
0xad: {  	[dreg:$0x0] =	wrdreg $0x60  }
0xae: {  	[dreg:$0x2] =	wrdreg s24  }
0xaf: {  	[dreg:$0x3] =	wrdreg s2  }
0xb0: {  	[dreg:$0x4] =	wrdreg $0x4000  }
0xb1: {  	[dreg:$0x5] =	wrdreg $0x9  }
0xb2: {  	_ =	task.clear_ibuf [dreg:s7], $0x6FFFF;
	_ =	strace $0x9000004C  }
0xb3: {  	s29 =	simm.s32 $0x9;
	_ =	strace $0x8000004E  }
0xb4: {  	_ =	swait.ge [sflag:s29], $0x1  }
0xb5: {  	[sflag:s29] =	ssyncadd.s32 $0xFFFFFFFF  }
0xb6: {  	_ =	strace $0x9000004E  }
0xb7: {  	_ =	sfence  }
0xb8: {  	s30 =	sld [smem:$0x0];
	_ =	sdelay $0x2  }
0xb9: {  	s31 =	sshll.u32 s1, $0xD;
	s1 =	sshrl.u32 s1, $0x2  }
0xba: {  	s3 =	sand.u32 $0x4000, s31;
	s1 =	sadd.s32 s1, s30  }
0xbb: {  	s0 =	sor.u32 s3, s0;
	s1 =	sshll.u32 s1, $0x11  }
0xbc: {  	s0 =	sor.u32 s1, s0  }
0xbd: {  	s0 =	sadd.s32 $0x8F2B, s0  }
0xbe: {  	[sflag:s0] =	ssyncadd.remote.s32 $0x1  }
0xbf: {  	_ =	sfence.sel $0xFFFF  }
0xc0: {  	[dreg:$0x0] =	wrdreg $0xFFFFFFFF;
	(pc) =	sbr.abs _section_cstart, $3  }
0xc1: {  	[dreg:$0x1] =	wrdreg $0xFFFFFFFF  }
0xc2: {  	_ =	task.clear_ibuf [dreg:s7], $0x2FFFF;
	_ =	strace $0x9FFFFFFF  }
0xc3: {  	(tm) =	ssettm $0x7FFFFFFF  }
tec
execute0_lowered:
.L_overlay_start_1:
0x0: {  	(tag) =	ssettag $0x1  }
0x1: {  	s4 =	rddreg [dreg:$0x0]  }
0x2: {  	s1 =	srdreg.scid;
	s6 =	rddreg [dreg:$0x1]  }
0x3: {  	s0 =	stileid.u32;
	s2 =	rddreg [dreg:$0x2]  }
0x4: {  	s3 =	simm.s32 $0x0;
	s11 =	simm.s32 $0x100;
	s7 =	smul.u32 $0x4E20, s0  }
0x5: {  	s12 =	simm.s32 $0x1;
	s5 =	sand.u32 $0x1, s1;
	s9 =	smul.u32 $0x280, s0  }
0x6: {  	s13 =	simm.s32 $0x180;
	s14 =	simm.s32 $0x80;
	s8 =	smul.u32 $0x2710, s5  }
0x7: {  	s15 =	simm.s32 $0x50;
	[smem:$0x7FF] =	sst s3;
	s30 =	smul.u32 $0x2800, s5  }
0x8: {  	s16 =	simm.s32 $0x0;
	s1 =	rddreg [dreg:$0x3];
	_ =	strace $0x8000004D  }
0x9: {  	s5 =	ssub.s32 $0x2, s5;
	s7 =	sadd.s32 s8, s7;
	s8 =	sadd.s32 s9, s30  }
0xa: {  	s31 =	sshrl.u32 s5, $0x1;
	s7 =	sshrl.u32 s7, $0x3;
	s8 =	sshrl.u32 s8, $0x3  }
0xb: {  	s10 =	sadd.s32 s7, s4;
	s4 =	sadd.s32 $0xC400, s4;
	s7 =	ssub.s32 s5, s31  }
0xc: {  	s5 =	sadd.s32 s9, s2;
	s6 =	sadd.s32 s6, s8;
	s7 =	smax.u32 s7, $0x1  }
0xd: {  	v0 =	vimm.f32 $0.0e+00;
	s8 =	sadd.s32 $0xC600, s10;
	s9 =	sadd.s32 $0x1FC00, s10;
	s10 =	sadd.s32 $0x2600, s10  }
.LBB2_1:
0xe: {  	[tilespmem:s11], [sflag:$0x1] =	stream.linear.gather [hbm4b:s4+s3], $0x80, $0x38;
	[tilespmem:$0x680] =	vst v63  }
0xf: {  	_ =	swait.ge [sflag:s12], $0x80  }
0x10: {  	[sflag:s12] =	ssyncset.done $0x0  }
0x11: {  	[sflag:s12] =	ssyncadd.s32 $0xFFFFFF80  }
0x12: {  	[tilespmem:$0x180] =	vst v0  }
0x13: {  	[tilespmem:$0x190] =	vst v0  }
0x14: {  	[tilespmem:$0x1A0] =	vst v0  }
0x15: {  	[tilespmem:$0x1B0] =	vst v0  }
0x16: {  	[tilespmem:$0x1C0] =	vst v0  }
0x17: {  	[tilespmem:$0x1D0] =	vst v0  }
0x18: {  	[tilespmem:$0x1E0] =	vst v0  }
0x19: {  	[tilespmem:$0x1F0] =	vst v0  }
0x1a: {  	[tilespmem:$0x200] =	vst v0  }
0x1b: {  	[tilespmem:$0x210] =	vst v0  }
0x1c: {  	[tilespmem:$0x220] =	vst v0  }
0x1d: {  	[tilespmem:$0x230] =	vst v0  }
0x1e: {  	[tilespmem:$0x240] =	vst v0  }
0x1f: {  	[tilespmem:$0x250] =	vst v0  }
0x20: {  	[tilespmem:$0x260] =	vst v0  }
0x21: {  	[tilespmem:$0x270] =	vst v0  }
0x22: {  	[tilespmem:$0x280] =	vst v0  }
0x23: {  	[tilespmem:$0x290] =	vst v0  }
0x24: {  	[tilespmem:$0x2A0] =	vst v0  }
0x25: {  	[tilespmem:$0x2B0] =	vst v0  }
0x26: {  	[tilespmem:$0x2C0] =	vst v0  }
0x27: {  	[tilespmem:$0x2D0] =	vst v0  }
0x28: {  	[tilespmem:$0x2E0] =	vst v0  }
0x29: {  	[tilespmem:$0x2F0] =	vst v0  }
0x2a: {  	[tilespmem:$0x300] =	vst v0  }
0x2b: {  	[tilespmem:$0x310] =	vst v0  }
0x2c: {  	[tilespmem:$0x320] =	vst v0  }
0x2d: {  	[tilespmem:$0x330] =	vst v0  }
0x2e: {  	[tilespmem:$0x340] =	vst v0  }
0x2f: {  	[tilespmem:$0x350] =	vst v0  }
0x30: {  	[tilespmem:$0x360] =	vst v0  }
0x31: {  	[tilespmem:$0x370] =	vst v0  }
0x32: {  	[tilespmem:$0x380] =	vst v0  }
0x33: {  	[tilespmem:$0x390] =	vst v0  }
0x34: {  	[tilespmem:$0x3A0] =	vst v0  }
0x35: {  	[tilespmem:$0x3B0] =	vst v0  }
0x36: {  	[tilespmem:$0x3C0] =	vst v0  }
0x37: {  	[tilespmem:$0x3D0] =	vst v0  }
0x38: {  	[tilespmem:$0x3E0] =	vst v0  }
0x39: {  	[tilespmem:$0x3F0] =	vst v0  }
0x3a: {  	[spmem:s5] =	stream.linear.scatter [tilespmem:s13], [sflag:$0x1], $0x280, $0x38;
	[tilespmem:$0x680] =	vst v63  }
0x3b: {  	_ =	swait.ge [sflag:s12], $0x280  }
0x3c: {  	[sflag:s12] =	ssyncset.done $0x0  }
0x3d: {  	[sflag:s12] =	ssyncadd.s32 $0xFFFFFD80  }
0x3e: {  	s17 =	sadd.s32 $0x0, s10;
	[bflag:$0x0] =	sbarrier.arrive $0xFFFF  }
0x3f: {  	v1 =	vld [tilespmem:$0x100];
	[tilespmem:s14], [sflag:$0x1] =	stream.linear.gather [hbm4b:s17+s3], $0x50, $0x38  }
0x40: {  	_ =	swait.ge [sflag:s12], $0x50  }
0x41: {  	[sflag:s12] =	ssyncset.done $0x0  }
0x42: {  	s30 =	sadd.s32 $0x0, s9;
	[sflag:s12] =	ssyncadd.s32 $0xFFFFFFB0  }
0x43: {  	[tilespmem:s3], [sflag:$0x1] =	stream.linear.gather [hbm4b:s30+s3], $0x50, $0x38;
	[tilespmem:$0x680] =	vst v63  }
0x44: {  	_ =	swait.ge [sflag:s12], $0x50  }
0x45: {  	[sflag:s12] =	ssyncset.done $0x0  }
0x46: {  	[sflag:s12] =	ssyncadd.s32 $0xFFFFFFB0  }
0x47: {  	v2 =	vld [tilespmem:$0xC0]  }
0x48: {  	v3 =	vld [tilespmem:$0xB0]  }
0x49: {  	v4 =	vld [tilespmem:$0xA0]  }
0x4a: {  	v5 =	vld [tilespmem:$0x90]  }
0x4b: {  	v6 =	vld [tilespmem:$0x80]  }
0x4c: {  	v2 =	vsub.f32 v2, v1  }
0x4d: {  	v3 =	vsub.f32 v3, v1  }
0x4e: {  	v4 =	vsub.f32 v4, v1;
	v2 =	vmul.f32 $1.442695020e+00, v2  }
0x4f: {  	v5 =	vsub.f32 v5, v1;
	v3 =	vmul.f32 $1.442695020e+00, v3  }
0x50: {  	v6 =	vsub.f32 v6, v1;
	v4 =	vmul.f32 $1.442695020e+00, v4;
	(erf) = vpow2.f32 v2  }
0x51: {  	v2 =	vmul.f32 $1.442695020e+00, v5;
	(erf) = vpow2.f32 v3  }
0x52: {  	v3 =	vmul.f32 $1.442695020e+00, v6;
	(erf) = vpow2.f32 v4  }
0x53: {  	(erf) = vpow2.f32 v2  }
0x54: {  	(erf) = vpow2.f32 v3;
	_ =	sdelay $0x4  }
0x55: {  	v2 =	vpop (erf)  }
0x56: {  	[tilespmem:$0xC0] =	vst v2;
	v2 =	vpop (erf)  }
0x57: {  	[tilespmem:$0xB0] =	vst v2;
	v2 =	vpop (erf)  }
0x58: {  	[tilespmem:$0xA0] =	vst v2;
	v2 =	vpop (erf)  }
0x59: {  	[tilespmem:$0x90] =	vst v2;
	v2 =	vpop (erf)  }
0x5a: {  	s31 =	sadd.s32 $0x0, s8;
	[tilespmem:$0x80] =	vst v2  }
0x5b: {  	[hbm4b:s31+s3] =	stream.linear.scatter [tilespmem:s14], [sflag:$0x1], $0x50, $0x38;
	[tilespmem:$0x680] =	vst v63  }
0x5c: {  	_ =	swait.ge [sflag:s12], $0x50  }
0x5d: {  	s17 =	simm.s32 $0xA;
	[sflag:s12] =	ssyncset.done $0x0  }
.LBB2_2:
0x5e: {  	p0 =	sne.s32 s17, $0x4D8  }
0x5f: {  	[sflag:s12] =	ssyncadd.s32 $0xFFFFFFB0;
	s18 =	smov.u32 s17;
	s17 =	sadd.s32 $0xA, s17  }
0x60: {  	[spmem:s2] =	stream.indirect.scatter.add.f32 [tilespmem:s14], [sflag:$0x1], $0x1, s3, s15, $0xb8;
	[tilespmem:$0x680] =	vst v63  }
0x61: {  	_ =	swait.ge [sflag:s12], $0x50  }
0x62: {  	[sflag:s12] =	ssyncset.done $0x0  }
0x63: {  	s19 =	sadd.s32 s18, s10;
	[sflag:s12] =	ssyncadd.s32 $0xFFFFFFB0  }
0x64: {  	[tilespmem:s14], [sflag:$0x1] =	stream.linear.gather [hbm4b:s19+s3], $0x50, $0x38;
	[tilespmem:$0x680] =	vst v63  }
0x65: {  	_ =	swait.ge [sflag:s12], $0x50  }
0x66: {  	[sflag:s12] =	ssyncset.done $0x0  }
0x67: {  	s19 =	sadd.s32 s18, s9;
	[sflag:s12] =	ssyncadd.s32 $0xFFFFFFB0  }
0x68: {  	[tilespmem:s3], [sflag:$0x1] =	stream.linear.gather [hbm4b:s19+s3], $0x50, $0x38;
	[tilespmem:$0x680] =	vst v63  }
0x69: {  	_ =	swait.ge [sflag:s12], $0x50  }
0x6a: {  	[sflag:s12] =	ssyncset.done $0x0  }
0x6b: {  	[sflag:s12] =	ssyncadd.s32 $0xFFFFFFB0  }
0x6c: {  	v2 =	vld [tilespmem:$0xC0]  }
0x6d: {  	v3 =	vld [tilespmem:$0xB0]  }
0x6e: {  	v4 =	vld [tilespmem:$0xA0]  }
0x6f: {  	v5 =	vld [tilespmem:$0x90]  }
0x70: {  	v6 =	vld [tilespmem:$0x80]  }
0x71: {  	v2 =	vsub.f32 v2, v1  }
0x72: {  	v3 =	vsub.f32 v3, v1  }
0x73: {  	v4 =	vsub.f32 v4, v1;
	v2 =	vmul.f32 $1.442695020e+00, v2  }
0x74: {  	v5 =	vsub.f32 v5, v1;
	v3 =	vmul.f32 $1.442695020e+00, v3  }
0x75: {  	v6 =	vsub.f32 v6, v1;
	v4 =	vmul.f32 $1.442695020e+00, v4;
	(erf) = vpow2.f32 v2  }
0x76: {  	v2 =	vmul.f32 $1.442695020e+00, v5;
	(erf) = vpow2.f32 v3  }
0x77: {  	v3 =	vmul.f32 $1.442695020e+00, v6;
	(erf) = vpow2.f32 v4  }
0x78: {  	(erf) = vpow2.f32 v2  }
0x79: {  	(erf) = vpow2.f32 v3;
	_ =	sdelay $0x4  }
0x7a: {  	v2 =	vpop (erf)  }
0x7b: {  	[tilespmem:$0xC0] =	vst v2;
	v2 =	vpop (erf)  }
0x7c: {  	[tilespmem:$0xB0] =	vst v2;
	v2 =	vpop (erf)  }
0x7d: {  	[tilespmem:$0xA0] =	vst v2;
	v2 =	vpop (erf)  }
.Ltmp0:
0x7e: {  	[tilespmem:$0x90] =	vst v2;
	v2 =	vpop (erf);
	(pc) =	sbr.rel @p0 .LBB2_2-.Ltmp0, $4  }
0x7f: {  	s18 =	sadd.s32 s18, s8;
	[tilespmem:$0x80] =	vst v2  }
0x80: {  	[hbm4b:s18+s3] =	stream.linear.scatter [tilespmem:s14], [sflag:$0x1], $0x50, $0x38;
	[tilespmem:$0x680] =	vst v63  }
0x81: {  	_ =	swait.ge [sflag:s12], $0x50  }
0x82: {  	[sflag:s12] =	ssyncset.done $0x0  }
0x83: {  	[sflag:s12] =	ssyncadd.s32 $0xFFFFFFB0  }
0x84: {  	[spmem:s2] =	stream.indirect.scatter.add.f32 [tilespmem:s14], [sflag:$0x1], $0x1, s3, s15, $0xb8;
	[tilespmem:$0x680] =	vst v63  }
0x85: {  	_ =	swait.ge [sflag:s12], $0x50  }
0x86: {  	[sflag:s12] =	ssyncset.done $0x0  }
0x87: {  	[sflag:s12] =	ssyncadd.s32 $0xFFFFFFB0  }
0x88: {  	[bflag:$0x0] =	sbarrier.arrive $0xFFFF  }
0x89: {  	[tilespmem:s13], [sflag:$0x1] =	stream.linear.gather [spmem:s5], $0x280, $0x38;
	[tilespmem:$0x680] =	vst v63  }
0x8a: {  	s16 =	sadd.s32 $0x1, s16;
	_ =	swait.ge [sflag:s12], $0x280  }
0x8b: {  	p0 =	sne.s32 s16, s7;
	[sflag:s12] =	ssyncset.done $0x0  }
.Ltmp1:
0x8c: {  	[sflag:s12] =	ssyncadd.s32 $0xFFFFFD80;
	(pc) =	sbr.rel @p0 .LBB2_1-.Ltmp1, $4  }
0x8d: {  	[hbm4b:s6+s3] =	stream.linear.scatter [tilespmem:s13], [sflag:$0x1], $0x280, $0x38;
	[tilespmem:$0x680] =	vst v63  }
0x8e: {  	_ =	swait.ge [sflag:s12], $0x280  }
0x8f: {  	[sflag:s12] =	ssyncset.done $0x0  }
0x90: {  	[sflag:s12] =	ssyncadd.s32 $0xFFFFFD80  }
0x91: {  	_ =	sfence.sel $0x180000  }
0x92: {  	[bflag:$0x0] =	sbarrier.arrive $0xFFFF  }
0x93: {  	p0 =	sne.s32 s0, $0x0;
	_ =	strace $0x9000004D  }
0x94: {  	s0 =	sadd.s32 @!p0 $0x100000, s1;
	[bflag:$0x2] =	sbarrier.arrive $0xFFFF  }
0x95: {  	[sflag:s0] =	ssyncadd.tile.s32 @!p0 $0x1;
	_ =	shalt  }
.Lfunc_end2:
_tile_overlayer_lowered:
.L_overlay_start_2:
0x96: {  	(tag) =	ssettag $0x2  }
0x97: {  	s0 =	rddreg [dreg:$0x0];
	s2 =	stileid.u32  }
0x98: {  	s1 =	rddreg [dreg:$0x1];
	p0 =	sne.s32 s2, $0x0  }
0x99: {  	s3 =	rddreg [dreg:$0x2];
	[bflag:$0x3] =	sbarrier.arrive $0xFFFF;
	s2 =	simm.s32 @!p0 $0x1C01  }
0x9a: {  	[timem:s3], [sflag:s2] =	dma.local @!p0 [hbm:s0], s1  }
0x9b: {  	s0 =	simm.s32 @!p0 $0x1  }
0x9c: {  	_ =	swait.ge @!p0 [sflag:s0], s1  }
0x9d: {  	s1 =	ssub.s32 @!p0 $0x0, s1;
	[sflag:s0] =	ssyncset.done @!p0 $0x0  }
0x9e: {  	[sflag:s0] =	ssyncadd.s32 @!p0 s1  }
0x9f: {  	[bflag:$0x3] =	sbarrier.arrive $0xFFFF  }
0xa0: {  	_ =	shalt  }

// kernel: kernel.16.cloned.1.call-start
scs
__scs_entry_jumppad:
0x0: {  	(pc) =	sbr.rel $0x88, $3  }
0x1: {  	(tag) =	ssettag $0x0;
	lr =	simm.s32 $0x1  }
0x2: {  	[smem:$0x3F94] =	sst lr;
	_ =	strace $0xD0000000  }
0x3: {  	_ = 	snop  }
0x4: {  	_ = 	snop  }
0x5: {  	_ = 	snop  }
0x6: {  	_ = 	snop  }
0x7: {  	_ = 	snop  }
__scs_overlays_trampoline_lowered:
0x8: {  	[smem:$0x3FA3] =	sst s0  }
0x9: {  	[smem:$0x3FA4] =	sst s1  }
0xa: {  	[smem:$0x3FA5] =	sst s2  }
0xb: {  	[smem:$0x3FA6] =	sst s3  }
0xc: {  	[smem:$0x3FA7] =	sst s4  }
0xd: {  	[smem:$0x3FA8] =	sst s5  }
0xe: {  	[smem:$0x3FA9] =	sst s6  }
0xf: {  	[smem:$0x3FAA] =	sst s7  }
0x10: {  	[smem:$0x3FAB] =	sst s8  }
0x11: {  	[smem:$0x3FAC] =	sst s9;
	s0 =	simm.s32 @!p0 $0x0  }
0x12: {  	s1 =	sld [smem:$0x3F92];
	s0 =	simm.s32 @p0 $0x1  }
0x13: {  	[smem:$0x3FAD] =	sst s0;
	s0 =	simm.s32 @!p1 $0x0  }
0x14: {  	s2 =	sld [smem:$0x3F91];
	s0 =	simm.s32 @p1 $0x1  }
0x15: {  	[smem:$0x3FAE] =	sst s0;
	s0 =	simm.s32 @!p2 $0x0  }
0x16: {  	s3 =	sld [smem:$0x3FDB];
	s0 =	simm.s32 @p2 $0x1  }
0x17: {  	s4 =	simm.s32 $0x1BF5;
	[smem:$0x3FB0] =	sst s0  }
0x18: {  	s0 =	sld [smem:$0x3F93];
	_ =	swait.ge [sflag:s4], $0x0  }
0x19: {  	s7 =	sld [smem:$0x3F94]  }
0x1a: {  	s8 =	sadd.s32 $0xFFFFE003, lr  }
0x1b: {  	s9 =	sadd.s32 $0xFFFFFEF7, lr;
	s5 =	simm.s32 $0xFFFFFFFF;
	p2 =	slt.u32 s8, $0xFFFFF086  }
0x1c: {  	p1 =	slt.u32 s9, $0xF7A;
	s5 =	simm.s32 @!p2 $0x0  }
0x1d: {  	s5 =	simm.s32 @p1 $0x1;
	p0 =	seq.s32 s7, s2  }
0x1e: {  	s7 =	smul.u32 @!p0 $0xF7A, s2;
	p2 =	seq.s32 @!p0 s5, $0x0  }
0x1f: {  	s9 =	smul.u32 $0xF7A, s1;
	s8 =	simm.s32 @!p0 $0x1BF5;
	p2 =	por !p2, p0  }
0x20: {  	[sflag:s8] =	ssyncset.s32 @!p0 $0xFFFFF086;
	s6 =	sadd.s32 @!p0 s3, s7;
	s7 =	simm.s32 @!p0 $0x108  }
0x21: {  	s3 =	sadd.s32 s3, s9;
	s6 =	sadd.s32 @!p0 $0x88, s6;
	s7 =	simm.s32 @p2 $0x1082  }
0x22: {  	[simem:s7], [sflag:s8] =	dma.local @!p0 [hbm:s6], $0xF7A  }
0x23: {  	s9 =	sor.u32 $0xD0000000, s2;
	s6 =	simm.s32 $0x108;
	_ =	swait.ge @!p0 [sflag:s8], $0x0  }
0x24: {  	s3 =	sadd.s32 $0x88, s3;
	s6 =	simm.s32 @!p1 $0x1082;
	[sflag:s4] =	ssyncset.s32 $0xFFFFF086  }
0x25: {  	[simem:s6], [sflag:s4] =	dma.local [hbm:s3], $0xF7A  }
0x26: {  	[smem:$0x3F94] =	sst s1;
	(tag) =	ssettag s2;
	_ =	strace s9  }
0x27: {  	s1 =	sld [smem:$0x3FA4]  }
0x28: {  	s2 =	sld [smem:$0x3FA5]  }
0x29: {  	s4 =	sld [smem:$0x3FA7]  }
0x2a: {  	p0 =	seq.s32 s5, $0x0;
	s5 =	sld [smem:$0x3FA8]  }
0x2b: {  	s6 =	sld [smem:$0x3FA9]  }
0x2c: {  	s7 =	sld [smem:$0x3FAA]  }
0x2d: {  	s3 =	simm.s32 $0x108;
	s8 =	sld [smem:$0x3FAB]  }
0x2e: {  	s3 =	simm.s32 @!p0 $0x1082;
	s9 =	sld [smem:$0x3FAC]  }
0x2f: {  	lr =	sadd.s32 s0, s3;
	s0 =	sld [smem:$0x3FA3]  }
0x30: {  	s3 =	sld [smem:$0x3FA6]  }
0x31: {  	[smem:$0x3FAF] =	sst s10  }
0x32: {  	s10 =	sld [smem:$0x3FAD];
	_ =	sdelay $0x3  }
0x33: {  	p0 =	seq.s32 s10, $0x1;
	s10 =	sld [smem:$0x3FAF];
	_ =	sdelay $0x3  }
0x34: {  	[smem:$0x3FAF] =	sst s10  }
0x35: {  	s10 =	sld [smem:$0x3FAE];
	_ =	sdelay $0x3  }
0x36: {  	p1 =	seq.s32 s10, $0x1;
	s10 =	sld [smem:$0x3FAF];
	_ =	sdelay $0x3  }
0x37: {  	[smem:$0x3FAF] =	sst s10  }
0x38: {  	s10 =	sld [smem:$0x3FB0]  }
0x39: {  	_ = 	snop;
	(pc) =	sbr.ind lr, $3  }
0x3a: {  	_ = 	snop  }
0x3b: {  	_ = 	snop  }
0x3c: {  	p2 =	seq.s32 s10, $0x1;
	s10 =	sld [smem:$0x3FAF]  }
0x3d: {  	_ =	shalt  }
0x3e: {  	_ =	shalt  }
0x3f: {  	_ =	shalt  }
0x40: {  	_ =	shalt  }
0x41: {  	_ =	shalt  }
0x42: {  	_ =	shalt  }
0x43: {  	_ =	shalt  }
0x44: {  	_ =	shalt  }
0x45: {  	_ =	shalt  }
0x46: {  	_ =	shalt  }
0x47: {  	_ =	shalt  }
0x48: {  	_ =	shalt  }
0x49: {  	_ =	shalt  }
0x4a: {  	_ =	shalt  }
0x4b: {  	_ =	shalt  }
0x4c: {  	_ =	shalt  }
0x4d: {  	_ =	shalt  }
0x4e: {  	_ =	shalt  }
0x4f: {  	_ =	shalt  }
0x50: {  	_ =	shalt  }
0x51: {  	_ =	shalt  }
0x52: {  	_ =	shalt  }
0x53: {  	_ =	shalt  }
0x54: {  	_ =	shalt  }
0x55: {  	_ =	shalt  }
0x56: {  	_ =	shalt  }
0x57: {  	_ =	shalt  }
0x58: {  	_ =	shalt  }
0x59: {  	_ =	shalt  }
0x5a: {  	_ =	shalt  }
0x5b: {  	_ =	shalt  }
0x5c: {  	_ =	shalt  }
0x5d: {  	_ =	shalt  }
0x5e: {  	_ =	shalt  }
0x5f: {  	_ =	shalt  }
0x60: {  	_ =	shalt  }
0x61: {  	_ =	shalt  }
0x62: {  	_ =	shalt  }
0x63: {  	_ =	shalt  }
0x64: {  	_ =	shalt  }
0x65: {  	_ =	shalt  }
0x66: {  	_ =	shalt  }
0x67: {  	_ =	shalt  }
0x68: {  	_ =	shalt  }
0x69: {  	_ =	shalt  }
0x6a: {  	_ =	shalt  }
0x6b: {  	_ =	shalt  }
0x6c: {  	_ =	shalt  }
0x6d: {  	_ =	shalt  }
0x6e: {  	_ =	shalt  }
0x6f: {  	_ =	shalt  }
0x70: {  	_ =	shalt  }
0x71: {  	_ =	shalt  }
0x72: {  	_ =	shalt  }
0x73: {  	_ =	shalt  }
0x74: {  	_ =	shalt  }
0x75: {  	_ =	shalt  }
0x76: {  	_ =	shalt  }
0x77: {  	_ =	shalt  }
0x78: {  	_ =	shalt  }
0x79: {  	_ =	shalt  }
0x7a: {  	_ =	shalt  }
0x7b: {  	_ =	shalt  }
0x7c: {  	_ =	shalt  }
0x7d: {  	_ =	shalt  }
0x7e: {  	_ =	shalt  }
0x7f: {  	_ =	shalt  }
0x80: {  	_ =	shalt  }
0x81: {  	_ =	shalt  }
0x82: {  	_ =	shalt  }
0x83: {  	_ =	shalt  }
0x84: {  	_ =	shalt  }
0x85: {  	_ =	shalt  }
0x86: {  	_ =	shalt  }
0x87: {  	_ =	shalt  }
.Lfunc_end0:
.L_simem_size_0:
called_computation.3_lowered:
.L_overlay_start_0:
0x88: {  	s2 =	sld [smem:$0x3FD9]  }
0x89: {  	s3 =	sld [smem:$0x3FFE];
	_ =	sdelay $0x1  }
0x8a: {  	s1 =	srdreg.scid  }
0x8b: {  	s0 =	sand.u32 $0x1, s1  }
0x8c: {  	s17 =	sshll.u32 s0, $0xA;
	s2 =	sadd.s32 s3, s2  }
0x8d: {  	s2 =	sadd.s32 s2, s17  }
0x8e: {  	[smem:$0x3FBB] =	sst s2  }
0x8f: {  	_ = 	snop  }
0x90: {  	s2 =	sld [smem:$0x3FD0];
	(tm) =	ssettm $0x1  }
0x91: {  	s18 =	sld [smem:$0x3FFB];
	_ =	sdelay $0x3  }
0x92: {  	_ =	strace s18  }
0x93: {  	s3 =	sld [smem:$0x3FFC];
	_ =	sdelay $0x3  }
0x94: {  	_ =	strace s3  }
0x95: {  	s3 =	sld [smem:$0x3FFD];
	_ =	sdelay $0x3  }
0x96: {  	_ =	strace s3  }
0x97: {  	_ =	strace $0x8FFFFFFF  }
0x98: {  	s19 =	sld [smem:$0x3FDB];
	_ =	sdelay $0x1  }
0x99: {  	s4 =	simm.s32 $_scs_section_size  }
0x9a: {  	s5 =	simm.s32 $_size__tile_overlayer_lowered;
	s6 =	simm.s32 $_tile_overlayer_lowered  }
0x9b: {  	s22 =	simm.s32 $0x1BFF;
	s21 =	sshll.u32 s6, $0x1;
	s3 =	sadd.s32 s4, s19  }
0x9c: {  	s7 =	simm.s32 $0x0;
	s20 =	sshll.u32 s5, $0x1;
	s5 =	sadd.s32 s21, s3  }
0x9d: {  	[timem:s7], [sflag:s22] =	dma.local [hbm:s5], s20  }
0x9e: {  	_ =	swait.ge [sflag:s22], s20  }
0x9f: {  	s4 =	ssub.s32 $0x0, s20;
	[sflag:s22] =	ssyncset.done $0x0  }
0xa0: {  	[sflag:s22] =	ssyncadd.s32 s4;
	_ =	sdelay $0x1  }
0xa1: {  	s23 =	simm.s32 $0x1B8B  }
0xa2: {  	_ =	swait.ge [sflag:s23], $0x1  }
0xa3: {  	[sflag:s23] =	ssyncset.done $0x0  }
0xa4: {  	s25 =	simm.s32 $0x1B8E;
	s24 =	sld [smem:$0x3FFE];
	[sflag:s23] =	ssyncadd.s32 $0xFFFFFFFF  }
0xa5: {  	s26 =	simm.s32 $execute0_lowered;
	[smem:$0x3FD2] =	sst s25  }
0xa6: {  	s5 =	sshll.u32 s26, $0x1;
	_ =	strace $0x8000004F;
	[dreg:$0x1] =	wrdreg $0xFFFFFFFF  }
0xa7: {  	s28 =	simm.s32 $_size_execute0_lowered;
	s3 =	sadd.s32 s3, s5;
	[dreg:$0x0] =	wrdreg $0x0  }
0xa8: {  	s5 =	sshll.u32 s28, $0x1;
	[dreg:$0x2] =	wrdreg s3  }
0xa9: {  	[dreg:$0x3] =	wrdreg s5  }
0xaa: {  	[dreg:$0x4] =	wrdreg $0xC0  }
0xab: {  	_ =	task [dreg:s7], $0x5FFFF  }
0xac: {  	[dreg:$0x1] =	wrdreg $0xFFFFFFFF  }
0xad: {  	[dreg:$0x0] =	wrdreg $0x60  }
0xae: {  	[dreg:$0x2] =	wrdreg s24  }
0xaf: {  	[dreg:$0x3] =	wrdreg s2  }
0xb0: {  	[dreg:$0x4] =	wrdreg $0x9  }
0xb1: {  	_ =	task.clear_ibuf [dreg:s7], $0x5FFFF;
	_ =	strace $0x9000004F  }
0xb2: {  	s29 =	simm.s32 $0x9;
	_ =	strace $0x80000051  }
0xb3: {  	_ =	swait.ge [sflag:s29], $0x1  }
0xb4: {  	[sflag:s29] =	ssyncadd.s32 $0xFFFFFFFF  }
0xb5: {  	_ =	strace $0x90000051  }
0xb6: {  	_ =	sfence  }
0xb7: {  	s30 =	sld [smem:$0x0];
	_ =	sdelay $0x2  }
0xb8: {  	s31 =	sshll.u32 s1, $0xD;
	s1 =	sshrl.u32 s1, $0x2  }
0xb9: {  	s3 =	sand.u32 $0x4000, s31;
	s1 =	sadd.s32 s1, s30  }
0xba: {  	s0 =	sor.u32 s3, s0;
	s1 =	sshll.u32 s1, $0x11  }
0xbb: {  	s0 =	sor.u32 s1, s0  }
0xbc: {  	s0 =	sadd.s32 $0x8F2B, s0  }
0xbd: {  	[sflag:s0] =	ssyncadd.remote.s32 $0x1  }
0xbe: {  	_ =	sfence.sel $0xFFFF  }
0xbf: {  	[dreg:$0x0] =	wrdreg $0xFFFFFFFF;
	(pc) =	sbr.abs _section_cstart, $3  }
0xc0: {  	[dreg:$0x1] =	wrdreg $0xFFFFFFFF  }
0xc1: {  	_ =	task.clear_ibuf [dreg:s7], $0x2FFFF;
	_ =	strace $0x9FFFFFFF  }
0xc2: {  	(tm) =	ssettm $0x7FFFFFFF  }
0xc3: {  	_ =	shalt  }
tec
execute0_lowered:
.L_overlay_start_1:
0x0: {  	(tag) =	ssettag $0x1  }
0x1: {  	s1 =	srdreg.scid;
	s4 =	rddreg [dreg:$0x0]  }
0x2: {  	s0 =	stileid.u32;
	s2 =	rddreg [dreg:$0x1];
	s3 =	simm.s32 $0x0  }
0x3: {  	s9 =	simm.s32 $0x2;
	s5 =	sand.u32 $0x1, s1;
	s6 =	smul.u32 $0x4E20, s0  }
0x4: {  	s10 =	simm.s32 $0x50;
	s11 =	simm.s32 $0x180;
	s7 =	smul.u32 $0x2710, s5  }
0x5: {  	s12 =	simm.s32 $0x80;
	s13 =	simm.s32 $0x200;
	s14 =	simm.s32 $0x1  }
0x6: {  	s15 =	simm.s32 $0x0;
	s5 =	ssub.s32 $0x2, s5;
	s6 =	sadd.s32 s7, s6  }
0x7: {  	s1 =	rddreg [dreg:$0x2];
	s30 =	sshrl.u32 s5, $0x1;
	s6 =	sshrl.u32 s6, $0x3  }
0x8: {  	[smem:$0x7FF] =	sst s3;
	s31 =	ssub.s32 s5, s30;
	s8 =	sadd.s32 s6, s4  }
0x9: {  	_ =	strace $0x80000050;
	s4 =	smax.u32 s31, $0x1;
	s5 =	sadd.s32 $0x2400, s8  }
0xa: {  	s6 =	sadd.s32 $0x1FC00, s8;
	s7 =	sadd.s32 $0xC600, s8;
	s8 =	simm.s32 $0x100  }
.LBB2_1:
0xb: {  	s16 =	sadd.s32 $0x0, s7  }
0xc: {  	[tilespmem:s8], [sflag:$0x2] =	stream.linear.gather [hbm4b:s16+s3], $0x50, $0x38;
	[tilespmem:$0x280] =	vst v63  }
0xd: {  	_ =	swait.ge [sflag:s9], $0x50  }
0xe: {  	[sflag:s9] =	ssyncset.done $0x0  }
0xf: {  	s31 =	sadd.s32 $0x0, s6;
	[sflag:s9] =	ssyncadd.s32 $0xFFFFFFB0  }
0x10: {  	[tilespmem:s3], [sflag:$0x2] =	stream.linear.gather [hbm4b:s31+s3], $0x50, $0x38;
	[tilespmem:$0x280] =	vst v63  }
0x11: {  	_ =	swait.ge [sflag:s9], $0x50  }
0x12: {  	[sflag:s9] =	ssyncset.done $0x0  }
0x13: {  	[sflag:s9] =	ssyncadd.s32 $0xFFFFFFB0  }
0x14: {  	v0 =	vld [tilespmem:$0x40]  }
0x15: {  	v1 =	vld [tilespmem:$0x20]  }
0x16: {  	v2 =	vld [tilespmem:$0x30]  }
0x17: {  	v3 =	vld [tilespmem:$0x10]  }
0x18: {  	v4 =	vld [tilespmem:$0x0]  }
0x19: {  	v0 =	vadd.s32 $0x2800, v0  }
0x1a: {  	v1 =	vadd.s32 $0x2800, v1;
	[tilespmem:$0xC0] =	vst v0  }
0x1b: {  	[tilespmem:$0xA0] =	vst v1;
	v0 =	vadd.s32 $0x2800, v2  }
0x1c: {  	v1 =	vadd.s32 $0x2800, v3;
	[tilespmem:$0xB0] =	vst v0  }
0x1d: {  	v0 =	vadd.s32 $0x2800, v4;
	[tilespmem:$0x90] =	vst v1  }
0x1e: {  	[tilespmem:$0x80] =	vst v0  }
0x1f: {  	[tilespmem:s11], [sflag:$0x1] =	stream.indirect.gather [hbm4b:s2+s10], $0x1, s3, s10, $0xb8;
	[tilespmem:$0x280] =	vst v63  }
0x20: {  	_ = 	snop  }
0x21: {  	[tilespmem:s13], [sflag:$0x1] =	stream.indirect.gather [hbm4b:s2+s10], $0x1, s12, s10, $0xb8;
	[tilespmem:$0x280] =	vst v63  }
0x22: {  	_ =	swait.ge [sflag:s14], $0x50  }
0x23: {  	[sflag:s14] =	ssyncset.done $0x0  }
0x24: {  	[sflag:s14] =	ssyncadd.s32 $0xFFFFFFB0  }
0x25: {  	_ =	swait.ge [sflag:s14], $0x50  }
0x26: {  	[sflag:s14] =	ssyncset.done $0x0  }
0x27: {  	[sflag:s14] =	ssyncadd.s32 $0xFFFFFFB0  }
0x28: {  	s17 =	simm.s32 $0xA;
	s16 =	simm.s32 $0x0;
	v0 =	vld [tilespmem:$0x1A0]  }
.LBB2_2:
0x29: {  	p0 =	sne.s32 s17, $0x4D8;
	v1 =	vld [tilespmem:$0x230];
	s18 =	smov.u32 s17;
	s17 =	sadd.s32 $0xA, s17  }
0x2a: {  	v2 =	vld [tilespmem:$0x190]  }
0x2b: {  	v3 =	vld [tilespmem:$0x240]  }
0x2c: {  	v4 =	vld [tilespmem:$0x1B0]  }
0x2d: {  	v5 =	vld [tilespmem:$0x1C0]  }
0x2e: {  	v6 =	vld [tilespmem:$0x200]  }
0x2f: {  	v7 =	vld [tilespmem:$0x180]  }
0x30: {  	v8 =	vld [tilespmem:$0x220]  }
0x31: {  	v9 =	vld [tilespmem:$0x210];
	v1 =	vadd.f32 v1, v4  }
0x32: {  	v3 =	vadd.f32 v3, v5  }
0x33: {  	(erf) = vrcp.f32 v1  }
0x34: {  	v1 =	vadd.f32 v6, v7;
	(erf) = vrcp.f32 v3  }
0x35: {  	v0 =	vadd.f32 v8, v0  }
0x36: {  	v2 =	vadd.f32 v9, v2;
	(erf) = vrcp.f32 v1  }
0x37: {  	(erf) = vrcp.f32 v0  }
0x38: {  	v0 =	vld [tilespmem:$0x130];
	(erf) = vrcp.f32 v2  }
0x39: {  	v1 =	vld [tilespmem:$0x140];
	_ =	sdelay $0x1  }
0x3a: {  	v2 =	vld [tilespmem:$0x100]  }
0x3b: {  	v3 =	vld [tilespmem:$0x120];
	v4 =	vpop (erf)  }
0x3c: {  	v5 =	vld [tilespmem:$0x110];
	v0 =	vmul.f32 v4, v0;
	v4 =	vpop (erf)  }
0x3d: {  	v6 =	vmul.f32 v4, v1  }
0x3e: {  	vm0 =	vgt.f32 v0, $9.999999770e-03;
	v4 =	vpop (erf)  }
0x3f: {  	v2 =	vmul.f32 v4, v2;
	v0 =	vnsel vm0, $0x0, v0;
	vm0 =	vgt.f32 v6, $9.999999770e-03;
	v4 =	vpop (erf)  }
0x40: {  	v3 =	vmul.f32 v4, v3;
	[tilespmem:$0x130] =	vst v0;
	v0 =	vnsel vm0, $0x0, v6;
	v1 =	vpop (erf)  }
0x41: {  	vm0 =	vgt.f32 v2, $9.999999770e-03;
	v1 =	vmul.f32 v1, v5;
	[tilespmem:$0x140] =	vst v0  }
0x42: {  	v0 =	vnsel vm0, $0x0, v2;
	vm0 =	vgt.f32 v3, $9.999999770e-03  }
0x43: {  	[tilespmem:$0x100] =	vst v0;
	vm1 =	vgt.f32 v1, $9.999999770e-03;
	v0 =	vnsel vm0, $0x0, v3  }
0x44: {  	v1 =	vnsel vm1, $0x0, v1;
	[tilespmem:$0x120] =	vst v0  }
0x45: {  	s19 =	sadd.s32 s16, s5;
	s16 =	smov.u32 s18;
	[tilespmem:$0x110] =	vst v1  }
0x46: {  	[hbm4b:s19+s3] =	stream.linear.scatter [tilespmem:s8], [sflag:$0x2], $0x50, $0x38;
	[tilespmem:$0x280] =	vst v63  }
0x47: {  	_ =	swait.ge [sflag:s9], $0x50  }
0x48: {  	[sflag:s9] =	ssyncset.done $0x0  }
0x49: {  	s18 =	sadd.s32 s16, s7;
	[sflag:s9] =	ssyncadd.s32 $0xFFFFFFB0  }
0x4a: {  	[tilespmem:s8], [sflag:$0x2] =	stream.linear.gather [hbm4b:s18+s3], $0x50, $0x38;
	[tilespmem:$0x280] =	vst v63  }
0x4b: {  	_ =	swait.ge [sflag:s9], $0x50  }
0x4c: {  	[sflag:s9] =	ssyncset.done $0x0  }
0x4d: {  	s18 =	sadd.s32 s16, s6;
	[sflag:s9] =	ssyncadd.s32 $0xFFFFFFB0  }
0x4e: {  	[tilespmem:s3], [sflag:$0x2] =	stream.linear.gather [hbm4b:s18+s3], $0x50, $0x38;
	[tilespmem:$0x280] =	vst v63  }
0x4f: {  	_ =	swait.ge [sflag:s9], $0x50  }
0x50: {  	[sflag:s9] =	ssyncset.done $0x0  }
0x51: {  	[sflag:s9] =	ssyncadd.s32 $0xFFFFFFB0  }
0x52: {  	v0 =	vld [tilespmem:$0x40]  }
0x53: {  	v1 =	vld [tilespmem:$0x20]  }
0x54: {  	v2 =	vld [tilespmem:$0x30]  }
0x55: {  	v3 =	vld [tilespmem:$0x10]  }
0x56: {  	v4 =	vld [tilespmem:$0x0]  }
0x57: {  	v0 =	vadd.s32 $0x2800, v0  }
0x58: {  	v1 =	vadd.s32 $0x2800, v1;
	[tilespmem:$0xC0] =	vst v0  }
0x59: {  	[tilespmem:$0xA0] =	vst v1;
	v0 =	vadd.s32 $0x2800, v2  }
0x5a: {  	v1 =	vadd.s32 $0x2800, v3;
	[tilespmem:$0xB0] =	vst v0  }
0x5b: {  	v0 =	vadd.s32 $0x2800, v4;
	[tilespmem:$0x90] =	vst v1  }
0x5c: {  	[tilespmem:$0x80] =	vst v0  }
0x5d: {  	[tilespmem:s11], [sflag:$0x1] =	stream.indirect.gather [hbm4b:s2+s10], $0x1, s3, s10, $0xb8;
	[tilespmem:$0x280] =	vst v63  }
0x5e: {  	_ = 	snop  }
0x5f: {  	[tilespmem:s13], [sflag:$0x1] =	stream.indirect.gather [hbm4b:s2+s10], $0x1, s12, s10, $0xb8;
	[tilespmem:$0x280] =	vst v63  }
0x60: {  	_ =	swait.ge [sflag:s14], $0x50  }
0x61: {  	[sflag:s14] =	ssyncset.done $0x0  }
.Ltmp0:
0x62: {  	[sflag:s14] =	ssyncadd.s32 $0xFFFFFFB0;
	(pc) =	sbr.rel @p0 .LBB2_2-.Ltmp0, $4  }
0x63: {  	_ =	swait.ge [sflag:s14], $0x50  }
0x64: {  	[sflag:s14] =	ssyncset.done $0x0  }
0x65: {  	[sflag:s14] =	ssyncadd.s32 $0xFFFFFFB0  }
0x66: {  	v0 =	vld [tilespmem:$0x1A0]  }
0x67: {  	v1 =	vld [tilespmem:$0x230]  }
0x68: {  	v2 =	vld [tilespmem:$0x190]  }
0x69: {  	v3 =	vld [tilespmem:$0x240]  }
0x6a: {  	v4 =	vld [tilespmem:$0x1B0]  }
0x6b: {  	v5 =	vld [tilespmem:$0x1C0]  }
0x6c: {  	v6 =	vld [tilespmem:$0x200]  }
0x6d: {  	v7 =	vld [tilespmem:$0x180]  }
0x6e: {  	v8 =	vld [tilespmem:$0x220]  }
0x6f: {  	v9 =	vld [tilespmem:$0x210]  }
0x70: {  	v1 =	vadd.f32 v1, v4  }
0x71: {  	v3 =	vadd.f32 v3, v5  }
0x72: {  	v49 =	vadd.f32 v6, v7;
	(erf) = vrcp.f32 v1  }
0x73: {  	v0 =	vadd.f32 v8, v0;
	(erf) = vrcp.f32 v3  }
0x74: {  	v2 =	vadd.f32 v9, v2;
	(erf) = vrcp.f32 v49  }
0x75: {  	(erf) = vrcp.f32 v0  }
0x76: {  	(erf) = vrcp.f32 v2  }
0x77: {  	v50 =	vld [tilespmem:$0x130]  }
0x78: {  	v51 =	vld [tilespmem:$0x140]  }
0x79: {  	v52 =	vld [tilespmem:$0x100]  }
0x7a: {  	v53 =	vld [tilespmem:$0x120]  }
0x7b: {  	v55 =	vld [tilespmem:$0x110];
	v54 =	vpop (erf)  }
0x7c: {  	v0 =	vmul.f32 v54, v50;
	v56 =	vpop (erf)  }
0x7d: {  	v1 =	vmul.f32 v56, v51;
	v57 =	vpop (erf)  }
0x7e: {  	vm0 =	vgt.f32 v0, $9.999999770e-03;
	v2 =	vmul.f32 v57, v52;
	v58 =	vpop (erf)  }
0x7f: {  	v0 =	vnsel vm0, $0x0, v0;
	vm13 =	vgt.f32 v1, $9.999999770e-03;
	v3 =	vmul.f32 v58, v53;
	v59 =	vpop (erf)  }
0x80: {  	[tilespmem:$0x130] =	vst v0;
	v60 =	vnsel vm13, $0x0, v1;
	vm14 =	vgt.f32 v2, $9.999999770e-03;
	v61 =	vmul.f32 v59, v55  }
0x81: {  	[tilespmem:$0x140] =	vst v60;
	v62 =	vnsel vm14, $0x0, v2;
	vm15 =	vgt.f32 v3, $9.999999770e-03  }
0x82: {  	s15 =	sadd.s32 $0x1, s15;
	[tilespmem:$0x100] =	vst v62;
	vm1 =	vgt.f32 v61, $9.999999770e-03;
	v63 =	vnsel vm15, $0x0, v3  }
0x83: {  	p0 =	sne.s32 s15, s4;
	v1 =	vnsel vm1, $0x0, v61;
	[tilespmem:$0x120] =	vst v63  }
.Ltmp1:
0x84: {  	s16 =	sadd.s32 s16, s5;
	[tilespmem:$0x110] =	vst v1;
	(pc) =	sbr.rel @p0 .LBB2_1-.Ltmp1, $4  }
0x85: {  	[hbm4b:s16+s3] =	stream.linear.scatter [tilespmem:s8], [sflag:$0x2], $0x50, $0x38;
	[tilespmem:$0x280] =	vst v63  }
0x86: {  	_ =	swait.ge [sflag:s9], $0x50  }
0x87: {  	[sflag:s9] =	ssyncset.done $0x0  }
0x88: {  	[sflag:s9] =	ssyncadd.s32 $0xFFFFFFB0  }
0x89: {  	_ =	sfence.sel $0x180000  }
0x8a: {  	[bflag:$0x0] =	sbarrier.arrive $0xFFFF  }
0x8b: {  	p0 =	sne.s32 s0, $0x0;
	_ =	strace $0x90000050  }
0x8c: {  	s0 =	sadd.s32 @!p0 $0x100000, s1;
	[bflag:$0x2] =	sbarrier.arrive $0xFFFF  }
0x8d: {  	[sflag:s0] =	ssyncadd.tile.s32 @!p0 $0x1;
	_ =	shalt  }
.Lfunc_end2:
_tile_overlayer_lowered:
.L_overlay_start_2:
0x8e: {  	(tag) =	ssettag $0x2  }
0x8f: {  	s0 =	rddreg [dreg:$0x0];
	s2 =	stileid.u32  }
0x90: {  	s1 =	rddreg [dreg:$0x1];
	p0 =	sne.s32 s2, $0x0  }
0x91: {  	s3 =	rddreg [dreg:$0x2];
	[bflag:$0x3] =	sbarrier.arrive $0xFFFF;
	s2 =	simm.s32 @!p0 $0x1C02  }
0x92: {  	[timem:s3], [sflag:s2] =	dma.local @!p0 [hbm:s0], s1  }
0x93: {  	s0 =	simm.s32 @!p0 $0x2  }
0x94: {  	_ =	swait.ge @!p0 [sflag:s0], s1  }
0x95: {  	s1 =	ssub.s32 @!p0 $0x0, s1;
	[sflag:s0] =	ssyncset.done @!p0 $0x0  }
0x96: {  	[sflag:s0] =	ssyncadd.s32 @!p0 s1  }
0x97: {  	[bflag:$0x3] =	sbarrier.arrive $0xFFFF  }
0x98: {  	_ =	shalt  }

// kernel: kernel.7.cloned.1.call-start
scs
__scs_entry_jumppad:
0x0: {  	(pc) =	sbr.rel $0x88, $3  }
0x1: {  	(tag) =	ssettag $0x0;
	lr =	simm.s32 $0x1  }
0x2: {  	[smem:$0x3F94] =	sst lr;
	_ =	strace $0xD0000000  }
0x3: {  	_ = 	snop  }
0x4: {  	_ = 	snop  }
0x5: {  	_ = 	snop  }
0x6: {  	_ = 	snop  }
0x7: {  	_ = 	snop  }
__scs_overlays_trampoline_lowered:
0x8: {  	[smem:$0x3FA3] =	sst s0  }
0x9: {  	[smem:$0x3FA4] =	sst s1  }
0xa: {  	[smem:$0x3FA5] =	sst s2  }
0xb: {  	[smem:$0x3FA6] =	sst s3  }
0xc: {  	[smem:$0x3FA7] =	sst s4  }
0xd: {  	[smem:$0x3FA8] =	sst s5  }
0xe: {  	[smem:$0x3FA9] =	sst s6  }
0xf: {  	[smem:$0x3FAA] =	sst s7  }
0x10: {  	[smem:$0x3FAB] =	sst s8  }
0x11: {  	[smem:$0x3FAC] =	sst s9;
	s0 =	simm.s32 @!p0 $0x0  }
0x12: {  	s1 =	sld [smem:$0x3F92];
	s0 =	simm.s32 @p0 $0x1  }
0x13: {  	[smem:$0x3FAD] =	sst s0;
	s0 =	simm.s32 @!p1 $0x0  }
0x14: {  	s2 =	sld [smem:$0x3F91];
	s0 =	simm.s32 @p1 $0x1  }
0x15: {  	[smem:$0x3FAE] =	sst s0;
	s0 =	simm.s32 @!p2 $0x0  }
0x16: {  	s3 =	sld [smem:$0x3FDB];
	s0 =	simm.s32 @p2 $0x1  }
0x17: {  	s4 =	simm.s32 $0x1BF5;
	[smem:$0x3FB0] =	sst s0  }
0x18: {  	s0 =	sld [smem:$0x3F93];
	_ =	swait.ge [sflag:s4], $0x0  }
0x19: {  	s7 =	sld [smem:$0x3F94]  }
0x1a: {  	s8 =	sadd.s32 $0xFFFFE003, lr  }
0x1b: {  	s9 =	sadd.s32 $0xFFFFFEF7, lr;
	s5 =	simm.s32 $0xFFFFFFFF;
	p2 =	slt.u32 s8, $0xFFFFF086  }
0x1c: {  	p1 =	slt.u32 s9, $0xF7A;
	s5 =	simm.s32 @!p2 $0x0  }
0x1d: {  	s5 =	simm.s32 @p1 $0x1;
	p0 =	seq.s32 s7, s2  }
0x1e: {  	s7 =	smul.u32 @!p0 $0xF7A, s2;
	p2 =	seq.s32 @!p0 s5, $0x0  }
0x1f: {  	s9 =	smul.u32 $0xF7A, s1;
	s8 =	simm.s32 @!p0 $0x1BF5;
	p2 =	por !p2, p0  }
0x20: {  	[sflag:s8] =	ssyncset.s32 @!p0 $0xFFFFF086;
	s6 =	sadd.s32 @!p0 s3, s7;
	s7 =	simm.s32 @!p0 $0x108  }
0x21: {  	s3 =	sadd.s32 s3, s9;
	s6 =	sadd.s32 @!p0 $0x88, s6;
	s7 =	simm.s32 @p2 $0x1082  }
0x22: {  	[simem:s7], [sflag:s8] =	dma.local @!p0 [hbm:s6], $0xF7A  }
0x23: {  	s9 =	sor.u32 $0xD0000000, s2;
	s6 =	simm.s32 $0x108;
	_ =	swait.ge @!p0 [sflag:s8], $0x0  }
0x24: {  	s3 =	sadd.s32 $0x88, s3;
	s6 =	simm.s32 @!p1 $0x1082;
	[sflag:s4] =	ssyncset.s32 $0xFFFFF086  }
0x25: {  	[simem:s6], [sflag:s4] =	dma.local [hbm:s3], $0xF7A  }
0x26: {  	[smem:$0x3F94] =	sst s1;
	(tag) =	ssettag s2;
	_ =	strace s9  }
0x27: {  	s1 =	sld [smem:$0x3FA4]  }
0x28: {  	s2 =	sld [smem:$0x3FA5]  }
0x29: {  	s4 =	sld [smem:$0x3FA7]  }
0x2a: {  	p0 =	seq.s32 s5, $0x0;
	s5 =	sld [smem:$0x3FA8]  }
0x2b: {  	s6 =	sld [smem:$0x3FA9]  }
0x2c: {  	s7 =	sld [smem:$0x3FAA]  }
0x2d: {  	s3 =	simm.s32 $0x108;
	s8 =	sld [smem:$0x3FAB]  }
0x2e: {  	s3 =	simm.s32 @!p0 $0x1082;
	s9 =	sld [smem:$0x3FAC]  }
0x2f: {  	lr =	sadd.s32 s0, s3;
	s0 =	sld [smem:$0x3FA3]  }
0x30: {  	s3 =	sld [smem:$0x3FA6]  }
0x31: {  	[smem:$0x3FAF] =	sst s10  }
0x32: {  	s10 =	sld [smem:$0x3FAD];
	_ =	sdelay $0x3  }
0x33: {  	p0 =	seq.s32 s10, $0x1;
	s10 =	sld [smem:$0x3FAF];
	_ =	sdelay $0x3  }
0x34: {  	[smem:$0x3FAF] =	sst s10  }
0x35: {  	s10 =	sld [smem:$0x3FAE];
	_ =	sdelay $0x3  }
0x36: {  	p1 =	seq.s32 s10, $0x1;
	s10 =	sld [smem:$0x3FAF];
	_ =	sdelay $0x3  }
0x37: {  	[smem:$0x3FAF] =	sst s10  }
0x38: {  	s10 =	sld [smem:$0x3FB0]  }
0x39: {  	_ = 	snop;
	(pc) =	sbr.ind lr, $3  }
0x3a: {  	_ = 	snop  }
0x3b: {  	_ = 	snop  }
0x3c: {  	p2 =	seq.s32 s10, $0x1;
	s10 =	sld [smem:$0x3FAF]  }
0x3d: {  	_ =	shalt  }
0x3e: {  	_ =	shalt  }
0x3f: {  	_ =	shalt  }
0x40: {  	_ =	shalt  }
0x41: {  	_ =	shalt  }
0x42: {  	_ =	shalt  }
0x43: {  	_ =	shalt  }
0x44: {  	_ =	shalt  }
0x45: {  	_ =	shalt  }
0x46: {  	_ =	shalt  }
0x47: {  	_ =	shalt  }
0x48: {  	_ =	shalt  }
0x49: {  	_ =	shalt  }
0x4a: {  	_ =	shalt  }
0x4b: {  	_ =	shalt  }
0x4c: {  	_ =	shalt  }
0x4d: {  	_ =	shalt  }
0x4e: {  	_ =	shalt  }
0x4f: {  	_ =	shalt  }
0x50: {  	_ =	shalt  }
0x51: {  	_ =	shalt  }
0x52: {  	_ =	shalt  }
0x53: {  	_ =	shalt  }
0x54: {  	_ =	shalt  }
0x55: {  	_ =	shalt  }
0x56: {  	_ =	shalt  }
0x57: {  	_ =	shalt  }
0x58: {  	_ =	shalt  }
0x59: {  	_ =	shalt  }
0x5a: {  	_ =	shalt  }
0x5b: {  	_ =	shalt  }
0x5c: {  	_ =	shalt  }
0x5d: {  	_ =	shalt  }
0x5e: {  	_ =	shalt  }
0x5f: {  	_ =	shalt  }
0x60: {  	_ =	shalt  }
0x61: {  	_ =	shalt  }
0x62: {  	_ =	shalt  }
0x63: {  	_ =	shalt  }
0x64: {  	_ =	shalt  }
0x65: {  	_ =	shalt  }
0x66: {  	_ =	shalt  }
0x67: {  	_ =	shalt  }
0x68: {  	_ =	shalt  }
0x69: {  	_ =	shalt  }
0x6a: {  	_ =	shalt  }
0x6b: {  	_ =	shalt  }
0x6c: {  	_ =	shalt  }
0x6d: {  	_ =	shalt  }
0x6e: {  	_ =	shalt  }
0x6f: {  	_ =	shalt  }
0x70: {  	_ =	shalt  }
0x71: {  	_ =	shalt  }
0x72: {  	_ =	shalt  }
0x73: {  	_ =	shalt  }
0x74: {  	_ =	shalt  }
0x75: {  	_ =	shalt  }
0x76: {  	_ =	shalt  }
0x77: {  	_ =	shalt  }
0x78: {  	_ =	shalt  }
0x79: {  	_ =	shalt  }
0x7a: {  	_ =	shalt  }
0x7b: {  	_ =	shalt  }
0x7c: {  	_ =	shalt  }
0x7d: {  	_ =	shalt  }
0x7e: {  	_ =	shalt  }
0x7f: {  	_ =	shalt  }
0x80: {  	_ =	shalt  }
0x81: {  	_ =	shalt  }
0x82: {  	_ =	shalt  }
0x83: {  	_ =	shalt  }
0x84: {  	_ =	shalt  }
0x85: {  	_ =	shalt  }
0x86: {  	_ =	shalt  }
0x87: {  	_ =	shalt  }
.Lfunc_end0:
.L_simem_size_0:
called_computation_lowered:
.L_overlay_start_0:
0x88: {  	s2 =	sld [smem:$0x3FD9]  }
0x89: {  	s3 =	sld [smem:$0x3FFE];
	_ =	sdelay $0x1  }
0x8a: {  	s1 =	srdreg.scid  }
0x8b: {  	s0 =	sand.u32 $0x1, s1  }
0x8c: {  	s17 =	sshll.u32 s0, $0xA;
	s2 =	sadd.s32 s3, s2  }
0x8d: {  	s2 =	sadd.s32 s2, s17  }
0x8e: {  	[smem:$0x3FBB] =	sst s2  }
0x8f: {  	_ = 	snop  }
0x90: {  	s2 =	sld [smem:$0x3FC6];
	(tm) =	ssettm $0x1  }
0x91: {  	s18 =	sld [smem:$0x3FFB];
	_ =	sdelay $0x3  }
0x92: {  	_ =	strace s18  }
0x93: {  	s3 =	sld [smem:$0x3FFC];
	_ =	sdelay $0x3  }
0x94: {  	_ =	strace s3  }
0x95: {  	s3 =	sld [smem:$0x3FFD];
	_ =	sdelay $0x3  }
0x96: {  	_ =	strace s3  }
0x97: {  	_ =	strace $0x8FFFFFFF  }
0x98: {  	s19 =	sld [smem:$0x3FDB];
	_ =	sdelay $0x1  }
0x99: {  	s4 =	simm.s32 $_scs_section_size  }
0x9a: {  	s5 =	simm.s32 $_size__tile_overlayer_lowered;
	s6 =	simm.s32 $_tile_overlayer_lowered  }
0x9b: {  	s22 =	simm.s32 $0x1BFF;
	s21 =	sshll.u32 s6, $0x1;
	s3 =	sadd.s32 s4, s19  }
0x9c: {  	s7 =	simm.s32 $0x0;
	s20 =	sshll.u32 s5, $0x1;
	s5 =	sadd.s32 s21, s3  }
0x9d: {  	[timem:s7], [sflag:s22] =	dma.local [hbm:s5], s20  }
0x9e: {  	_ =	swait.ge [sflag:s22], s20  }
0x9f: {  	s4 =	ssub.s32 $0x0, s20;
	[sflag:s22] =	ssyncset.done $0x0  }
0xa0: {  	[sflag:s22] =	ssyncadd.s32 s4;
	_ =	sdelay $0x1  }
0xa1: {  	s23 =	simm.s32 $0x1B8B  }
0xa2: {  	_ =	swait.ge [sflag:s23], $0x1  }
0xa3: {  	[sflag:s23] =	ssyncset.done $0x0  }
0xa4: {  	s25 =	simm.s32 $0x1B8E;
	s24 =	sld [smem:$0x3FFE];
	[sflag:s23] =	ssyncadd.s32 $0xFFFFFFFF  }
0xa5: {  	s26 =	simm.s32 $execute0_lowered;
	[smem:$0x3FD2] =	sst s25  }
0xa6: {  	s5 =	sshll.u32 s26, $0x1;
	_ =	strace $0x80000046;
	[dreg:$0x1] =	wrdreg $0xFFFFFFFF  }
0xa7: {  	s28 =	simm.s32 $_size_execute0_lowered;
	s3 =	sadd.s32 s3, s5;
	[dreg:$0x0] =	wrdreg $0x0  }
0xa8: {  	s5 =	sshll.u32 s28, $0x1;
	[dreg:$0x2] =	wrdreg s3  }
0xa9: {  	[dreg:$0x3] =	wrdreg s5  }
0xaa: {  	[dreg:$0x4] =	wrdreg $0xC0  }
0xab: {  	_ =	task [dreg:s7], $0x5FFFF  }
0xac: {  	[dreg:$0x1] =	wrdreg $0xFFFFFFFF  }
0xad: {  	[dreg:$0x0] =	wrdreg $0x60  }
0xae: {  	[dreg:$0x2] =	wrdreg s2  }
0xaf: {  	[dreg:$0x3] =	wrdreg s24  }
0xb0: {  	[dreg:$0x4] =	wrdreg $0x15800  }
0xb1: {  	[dreg:$0x5] =	wrdreg $0x9  }
0xb2: {  	_ =	task.clear_ibuf [dreg:s7], $0x6FFFF;
	_ =	strace $0x90000046  }
0xb3: {  	s29 =	simm.s32 $0x9;
	_ =	strace $0x80000048  }
0xb4: {  	_ =	swait.ge [sflag:s29], $0x1  }
0xb5: {  	[sflag:s29] =	ssyncadd.s32 $0xFFFFFFFF  }
0xb6: {  	_ =	strace $0x90000048  }
0xb7: {  	_ =	sfence  }
0xb8: {  	s30 =	sld [smem:$0x0];
	_ =	sdelay $0x2  }
0xb9: {  	s31 =	sshll.u32 s1, $0xD;
	s1 =	sshrl.u32 s1, $0x2  }
0xba: {  	s3 =	sand.u32 $0x4000, s31;
	s1 =	sadd.s32 s1, s30  }
0xbb: {  	s0 =	sor.u32 s3, s0;
	s1 =	sshll.u32 s1, $0x11  }
0xbc: {  	s0 =	sor.u32 s1, s0  }
0xbd: {  	s0 =	sadd.s32 $0x8F2B, s0  }
0xbe: {  	[sflag:s0] =	ssyncadd.remote.s32 $0x1  }
0xbf: {  	_ =	sfence.sel $0xFFFF  }
0xc0: {  	[dreg:$0x0] =	wrdreg $0xFFFFFFFF;
	(pc) =	sbr.abs _section_cstart, $3  }
0xc1: {  	[dreg:$0x1] =	wrdreg $0xFFFFFFFF  }
0xc2: {  	_ =	task.clear_ibuf [dreg:s7], $0x2FFFF;
	_ =	strace $0x9FFFFFFF  }
0xc3: {  	(tm) =	ssettm $0x7FFFFFFF  }
tec
execute0_lowered:
.L_overlay_start_1:
0x0: {  	(tag) =	ssettag $0x1  }
0x1: {  	s17 =	rddreg [dreg:$0x0]  }
0x2: {  	s4 =	rddreg [dreg:$0x1]  }
0x3: {  	s2 =	rddreg [dreg:$0x2];
	s1 =	srdreg.scid  }
0x4: {  	s0 =	rddreg [dreg:$0x3];
	s3 =	simm.s32 $0x0;
	s19 =	simm.s32 $0x1  }
0x5: {  	s20 =	simm.s32 $0x50;
	s21 =	simm.s32 $0x100;
	s8 =	sand.u32 $0x1, s1  }
0x6: {  	s22 =	simm.s32 $0x80;
	s1 =	stileid.u32;
	s5 =	smul.u32 $0x4E200, s8  }
0x7: {  	s23 =	simm.s32 $0x28;
	s24 =	simm.s32 $0x180;
	s6 =	smul.u32 $0x4E20, s1  }
0x8: {  	s25 =	simm.s32 $0x580;
	s26 =	simm.s32 $0x0;
	s10 =	smul.u32 $0x13880, s1  }
0x9: {  	[smem:$0x7FF] =	sst s3;
	s7 =	sshll.u32 s1, $0x1;
	s13 =	smul.u32 $0x2710, s1  }
0xa: {  	_ =	strace $0x80000047;
	s9 =	ssub.s32 $0x2, s8;
	s14 =	smul.u32 $0x1388, s8  }
0xb: {  	s7 =	sor.u32 s8, s7;
	s28 =	sshrl.u32 s9, $0x1;
	s5 =	sadd.s32 s6, s5  }
0xc: {  	s7 =	smul.u32 $0x1388, s7;
	s30 =	ssub.s32 s9, s28;
	s31 =	sshrl.u32 s10, $0x2  }
0xd: {  	s6 =	sadd.s32 s6, s2;
	s15 =	sadd.s32 s14, s13;
	s5 =	sshrl.u32 s5, $0x3  }
0xe: {  	s9 =	sadd.s32 $0xFA0, s6;
	s11 =	sadd.s32 $0x1F40, s6;
	s13 =	sadd.s32 $0x2EE0, s6  }
0xf: {  	s18 =	sshrl.u32 s15, $0x3;
	s15 =	sadd.s32 $0x3E80, s6;
	s16 =	sadd.s32 s5, s4  }
0x10: {  	s29 =	sshrl.u32 s7, $0x3;
	s4 =	sadd.s32 s31, s2;
	s7 =	smax.u32 s30, $0x1  }
0x11: {  	s5 =	sadd.s32 s17, s29;
	s8 =	sadd.s32 $0x2400, s16;
	s10 =	sadd.s32 $0x25F4, s16  }
0x12: {  	s12 =	sadd.s32 $0x27E8, s16;
	s14 =	sadd.s32 $0x29DC, s16;
	s16 =	sadd.s32 $0x2BD0, s16  }
0x13: {  	v0 =	vimm.f32 $0.0e+00;
	v1 =	vimm.f32 $1.000000000e+00;
	s17 =	sadd.s32 s18, s17;
	s18 =	simm.s32 $0x200;
	s5 =	sadd.s32 $0x26C, s5  }
.LBB2_1:
0x14: {  	s28 =	simm.s32 $0x40;
	s29 =	simm.s32 $0x0  }
.LBB2_2:
0x15: {  	p0 =	sne.s32 s28, $0xC40;
	[tilespmem:s29+$0x200] =	vst v0;
	s29 =	smov.u32 s28;
	s28 =	sadd.s32 $0x40, s28  }
.Ltmp0:
0x16: {  	(pc) =	sbr.rel @p0 .LBB2_2-.Ltmp0, $2  }
0x17: {  	_ =	sdelay $0x2  }
0x18: {  	s29 =	sshra.s32 s29, $0x2  }
0x19: {  	[tilespmem:s29+$0x200] =	vst v0  }
0x1a: {  	[tilespmem:$0x100] =	vst v1  }
0x1b: {  	[tilespmem:$0x110] =	vst v1  }
0x1c: {  	[tilespmem:$0x120] =	vst v1  }
0x1d: {  	[tilespmem:$0x130] =	vst v1  }
0x1e: {  	[tilespmem:$0x140] =	vst v1  }
0x1f: {  	[tilespmem:$0x180] =	vst v1  }
0x20: {  	[tilespmem:$0x190] =	vst v1  }
0x21: {  	s28 =	sadd.s32 $0x0, s4;
	[tilespmem:$0x198] =	vst v1  }
0x22: {  	[spmem:s28] =	stream.linear.scatter [tilespmem:s18], [sflag:$0x1], $0x320, $0x38;
	[tilespmem:$0x63A0] =	vst v63  }
0x23: {  	s28 =	simm.s32 $0xC80;
	_ =	swait.ge [sflag:s19], $0x320  }
.LBB2_4:
0x24: {  	s29 =	sshra.s32 s28, $0x2;
	[sflag:s19] =	ssyncset.done $0x0;
	p0 =	sne.s32 s28, $0x12C00  }
.Ltmp1:
0x25: {  	s29 =	sadd.s32 s29, s4;
	[sflag:s19] =	ssyncadd.s32 $0xFFFFFCE0;
	(pc) =	sbr.rel @p0 .LBB2_4-.Ltmp1, $3  }
0x26: {  	[spmem:s29] =	stream.linear.scatter [tilespmem:s18], [sflag:$0x1], $0x320, $0x38;
	[tilespmem:$0x63A0] =	vst v63  }
0x27: {  	s28 =	sadd.s32 $0xC80, s28;
	_ =	sdelay $0x1  }
0x28: {  	_ =	swait.ge [sflag:s19], $0x320  }
0x29: {  	[sflag:s19] =	ssyncset.done $0x0  }
0x2a: {  	[sflag:s19] =	ssyncadd.s32 $0xFFFFFCE0  }
0x2b: {  	s28 =	sadd.s32 $0x0, s17;
	[bflag:$0x0] =	sbarrier.arrive $0xFFFF  }
0x2c: {  	[tilespmem:s3], [sflag:$0x1] =	stream.linear.gather [hbm4b:s28+s3], $0x50, $0x38;
	[tilespmem:$0x63A0] =	vst v63  }
0x2d: {  	_ =	swait.ge [sflag:s19], $0x50  }
0x2e: {  	[sflag:s19] =	ssyncset.done $0x0  }
0x2f: {  	[sflag:s19] =	ssyncadd.s32 $0xFFFFFFB0  }
0x30: {  	[spmem:s2] =	stream.indirect.scatter [tilespmem:s21], [sflag:$0x1], $0x1, s3, s20, $0xb8;
	[tilespmem:$0x63A0] =	vst v63  }
0x31: {  	_ =	swait.ge [sflag:s19], $0x50  }
0x32: {  	s29 =	simm.s32 $0x14;
	s28 =	simm.s32 $0xA;
	[sflag:s19] =	ssyncset.done $0x0  }
.LBB2_6:
0x33: {  	s30 =	sadd.s32 s28, s17  }
0x34: {  	[sflag:s19] =	ssyncadd.s32 $0xFFFFFFB0;
	s28 =	smov.u32 s29;
	s31 =	sadd.s32 $0xA, s29  }
0x35: {  	[tilespmem:s3], [sflag:$0x1] =	stream.linear.gather [hbm4b:s30+s3], $0x50, $0x38;
	[tilespmem:$0x63A0] =	vst v63  }
0x36: {  	p0 =	sne.s32 s29, $0x262;
	_ =	swait.ge [sflag:s19], $0x50  }
.Ltmp2:
0x37: {  	[sflag:s19] =	ssyncset.done $0x0;
	(pc) =	sbr.rel @p0 .LBB2_6-.Ltmp2, $4  }
0x38: {  	[sflag:s19] =	ssyncadd.s32 $0xFFFFFFB0  }
0x39: {  	[spmem:s2] =	stream.indirect.scatter [tilespmem:s21], [sflag:$0x1], $0x1, s3, s20, $0xb8;
	[tilespmem:$0x63A0] =	vst v63  }
0x3a: {  	_ =	swait.ge [sflag:s19], $0x50  }
0x3b: {  	s29 =	smov.u32 s31;
	[sflag:s19] =	ssyncset.done $0x0  }
0x3c: {  	s28 =	sadd.s32 s28, s17;
	[sflag:s19] =	ssyncadd.s32 $0xFFFFFFB0  }
0x3d: {  	[tilespmem:s3], [sflag:$0x1] =	stream.linear.gather [hbm4b:s28+s3], $0x50, $0x38;
	[tilespmem:$0x63A0] =	vst v63  }
0x3e: {  	_ =	swait.ge [sflag:s19], $0x50  }
0x3f: {  	[sflag:s19] =	ssyncset.done $0x0  }
0x40: {  	[sflag:s19] =	ssyncadd.s32 $0xFFFFFFB0  }
0x41: {  	[spmem:s2] =	stream.indirect.scatter [tilespmem:s21], [sflag:$0x1], $0x1, s3, s20, $0xb8;
	[tilespmem:$0x63A0] =	vst v63  }
0x42: {  	_ =	swait.ge [sflag:s19], $0x50  }
0x43: {  	[sflag:s19] =	ssyncset.done $0x0  }
0x44: {  	[sflag:s19] =	ssyncadd.s32 $0xFFFFFFB0  }
0x45: {  	[tilespmem:s22], [sflag:$0x1] =	stream.linear.gather [hbm4b:s5+s3], $0x28, $0x38;
	[tilespmem:$0x63A0] =	vst v63  }
0x46: {  	_ =	swait.ge [sflag:s19], $0x28  }
0x47: {  	[sflag:s19] =	ssyncset.done $0x0  }
0x48: {  	[sflag:s19] =	ssyncadd.s32 $0xFFFFFFD8  }
0x49: {  	[spmem:s2] =	stream.indirect.scatter [tilespmem:s24], [sflag:$0x1], $0x1, s22, s23, $0xb8;
	[tilespmem:$0x63A0] =	vst v63  }
0x4a: {  	_ =	swait.ge [sflag:s19], $0x28  }
0x4b: {  	[sflag:s19] =	ssyncset.done $0x0  }
0x4c: {  	[sflag:s19] =	ssyncadd.s32 $0xFFFFFFD8  }
0x4d: {  	[bflag:$0x0] =	sbarrier.arrive $0xFFFF  }
0x4e: {  	[tilespmem:s25], [sflag:$0x1] =	stream.linear.gather [spmem:s6], $0xFA0, $0x38;
	[tilespmem:$0x63A0] =	vst v63  }
0x4f: {  	_ =	swait.ge [sflag:s19], $0xFA0  }
0x50: {  	[sflag:s19] =	ssyncset.done $0x0  }
0x51: {  	[sflag:s19] =	ssyncadd.s32 $0xFFFFF060  }
0x52: {  	[hbm4b:s8+s3] =	stream.linear.scatter [tilespmem:s25], [sflag:$0x1], $0xFA0, $0x38;
	[tilespmem:$0x63A0] =	vst v63  }
0x53: {  	_ =	swait.ge [sflag:s19], $0xFA0  }
0x54: {  	[sflag:s19] =	ssyncset.done $0x0  }
0x55: {  	[sflag:s19] =	ssyncadd.s32 $0xFFFFF060  }
0x56: {  	[tilespmem:s25], [sflag:$0x1] =	stream.linear.gather [spmem:s9], $0xFA0, $0x38;
	[tilespmem:$0x63A0] =	vst v63  }
0x57: {  	_ =	swait.ge [sflag:s19], $0xFA0  }
0x58: {  	[sflag:s19] =	ssyncset.done $0x0  }
0x59: {  	[sflag:s19] =	ssyncadd.s32 $0xFFFFF060  }
0x5a: {  	[hbm4b:s10+s3] =	stream.linear.scatter [tilespmem:s25], [sflag:$0x1], $0xFA0, $0x38;
	[tilespmem:$0x63A0] =	vst v63  }
0x5b: {  	_ =	swait.ge [sflag:s19], $0xFA0  }
0x5c: {  	[sflag:s19] =	ssyncset.done $0x0  }
0x5d: {  	[sflag:s19] =	ssyncadd.s32 $0xFFFFF060  }
0x5e: {  	[tilespmem:s25], [sflag:$0x1] =	stream.linear.gather [spmem:s11], $0xFA0, $0x38;
	[tilespmem:$0x63A0] =	vst v63  }
0x5f: {  	_ =	swait.ge [sflag:s19], $0xFA0  }
0x60: {  	[sflag:s19] =	ssyncset.done $0x0  }
0x61: {  	[sflag:s19] =	ssyncadd.s32 $0xFFFFF060  }
0x62: {  	[hbm4b:s12+s3] =	stream.linear.scatter [tilespmem:s25], [sflag:$0x1], $0xFA0, $0x38;
	[tilespmem:$0x63A0] =	vst v63  }
0x63: {  	_ =	swait.ge [sflag:s19], $0xFA0  }
0x64: {  	[sflag:s19] =	ssyncset.done $0x0  }
0x65: {  	[sflag:s19] =	ssyncadd.s32 $0xFFFFF060  }
0x66: {  	[tilespmem:s25], [sflag:$0x1] =	stream.linear.gather [spmem:s13], $0xFA0, $0x38;
	[tilespmem:$0x63A0] =	vst v63  }
0x67: {  	_ =	swait.ge [sflag:s19], $0xFA0  }
0x68: {  	[sflag:s19] =	ssyncset.done $0x0  }
0x69: {  	[sflag:s19] =	ssyncadd.s32 $0xFFFFF060  }
0x6a: {  	[hbm4b:s14+s3] =	stream.linear.scatter [tilespmem:s25], [sflag:$0x1], $0xFA0, $0x38;
	[tilespmem:$0x63A0] =	vst v63  }
0x6b: {  	_ =	swait.ge [sflag:s19], $0xFA0  }
0x6c: {  	[sflag:s19] =	ssyncset.done $0x0  }
0x6d: {  	[sflag:s19] =	ssyncadd.s32 $0xFFFFF060  }
0x6e: {  	[tilespmem:s25], [sflag:$0x1] =	stream.linear.gather [spmem:s15], $0xFA0, $0x38;
	[tilespmem:$0x63A0] =	vst v63  }
0x6f: {  	s26 =	sadd.s32 $0x1, s26;
	_ =	swait.ge [sflag:s19], $0xFA0  }
0x70: {  	p0 =	sne.s32 s26, s7;
	[sflag:s19] =	ssyncset.done $0x0  }
.Ltmp3:
0x71: {  	[sflag:s19] =	ssyncadd.s32 $0xFFFFF060;
	(pc) =	sbr.rel @p0 .LBB2_1-.Ltmp3, $4  }
0x72: {  	[hbm4b:s16+s3] =	stream.linear.scatter [tilespmem:s25], [sflag:$0x1], $0xFA0, $0x38;
	[tilespmem:$0x63A0] =	vst v63  }
0x73: {  	_ =	swait.ge [sflag:s19], $0xFA0  }
0x74: {  	[sflag:s19] =	ssyncset.done $0x0  }
0x75: {  	[sflag:s19] =	ssyncadd.s32 $0xFFFFF060  }
0x76: {  	_ =	sfence.sel $0x180000  }
0x77: {  	[bflag:$0x0] =	sbarrier.arrive $0xFFFF  }
0x78: {  	p0 =	sne.s32 s1, $0x0;
	_ =	strace $0x90000047  }
0x79: {  	s0 =	sadd.s32 @!p0 $0x100000, s0;
	[bflag:$0x2] =	sbarrier.arrive $0xFFFF  }
0x7a: {  	[sflag:s0] =	ssyncadd.tile.s32 @!p0 $0x1;
	_ =	shalt  }
.Lfunc_end2:
_tile_overlayer_lowered:
.L_overlay_start_2:
0x7b: {  	(tag) =	ssettag $0x2  }
0x7c: {  	s0 =	rddreg [dreg:$0x0];
	s2 =	stileid.u32  }
0x7d: {  	s1 =	rddreg [dreg:$0x1];
	p0 =	sne.s32 s2, $0x0  }
0x7e: {  	s3 =	rddreg [dreg:$0x2];
	[bflag:$0x3] =	sbarrier.arrive $0xFFFF;
	s2 =	simm.s32 @!p0 $0x1C01  }
0x7f: {  	[timem:s3], [sflag:s2] =	dma.local @!p0 [hbm:s0], s1  }
0x80: {  	s0 =	simm.s32 @!p0 $0x1  }
0x81: {  	_ =	swait.ge @!p0 [sflag:s0], s1  }
0x82: {  	s1 =	ssub.s32 @!p0 $0x0, s1;
	[sflag:s0] =	ssyncset.done @!p0 $0x0  }
0x83: {  	[sflag:s0] =	ssyncadd.s32 @!p0 s1  }
0x84: {  	[bflag:$0x3] =	sbarrier.arrive $0xFFFF  }
0x85: {  	_ =	shalt  }

</sc_bundles>
